<compile_context>
chip_gen: v7x
topology: tpu7x:2x2x1
jax: 0.10.2.dev20260603
libtpu: 0.0.44.dev20260713+nightly
codegen_flags: <defaults>
</compile_context>

<pallas_src>
import functools

import jax
import jax.numpy as jnp
from jax import lax
from jax.experimental import pallas as pl
from jax.experimental.pallas import tpu as pltpu
from jax.experimental.pallas import tpu_sc as plsc

N_NODES = 10000
D = 128
N_EDGES = 320000

NC = 2
NS = 16
NW = NC * NS
E_PER_W = N_EDGES // NW
CHUNK = 80
K = E_PER_W // CHUNK
SK = 5
STAGES = K // SK
NBUF = 4
PERIOD = 20
SLAB = 624
ZCHUNK = 78


def _sc_partial_sums(x, ei5):
  mesh = plsc.VectorSubcoreMesh(core_axis_name="c", subcore_axis_name="s")

  @functools.partial(
      pl.kernel,
      out_type=jax.ShapeDtypeStruct((NC, N_NODES, D), jnp.float32),
      mesh=mesh,
      scratch_types=[
          pltpu.VMEM((SK, CHUNK), jnp.int32),
          pltpu.VMEM((SK, CHUNK), jnp.int32),
          pltpu.VMEM((SK, CHUNK), jnp.int32),
          pltpu.VMEM((SK, CHUNK), jnp.int32),
          pltpu.VMEM((CHUNK, D), jnp.float32),
          pltpu.VMEM((CHUNK, D), jnp.float32),
          pltpu.VMEM((CHUNK, D), jnp.float32),
          pltpu.VMEM((CHUNK, D), jnp.float32),
          pltpu.VMEM_SHARED((N_NODES, D), jnp.float32),
          pltpu.SemaphoreType.DMA,
          pltpu.SemaphoreType.DMA,
          pltpu.SemaphoreType.DMA,
          pltpu.SemaphoreType.DMA,
          pltpu.SemaphoreType.DMA,
      ],
  )
  def sc_kernel(x_hbm, ei_hbm, out_hbm,
                cidx0, cidx1, ridx0, ridx1, buf0, buf1, buf2, buf3, acc,
                sem0, sem1, sem2, sem3, isem):
    c = lax.axis_index("c")
    s = lax.axis_index("s")
    w = c * NS + s

    cidxs = (cidx0, cidx1)
    ridxs = (ridx0, ridx1)
    bufs = (buf0, buf1, buf2, buf3)
    sems = (sem0, sem1, sem2, sem3)

    def fire_idx(h, par):
      pltpu.async_copy(ei_hbm.at[1, w, h], cidxs[par], isem)
      pltpu.async_copy(ei_hbm.at[0, w, h], ridxs[par], isem)

    def drain_idx(h, par):
      pltpu.make_async_copy(ei_hbm.at[1, w, h], cidxs[par], isem).wait()
      pltpu.make_async_copy(ei_hbm.at[0, w, h], ridxs[par], isem).wait()

    def issue(v):
      par = (v // SK) % 2
      pltpu.async_copy(x_hbm.at[cidxs[par].at[v % SK]],
                       bufs[v % NBUF], sems[v % NBUF])

    fire_idx(0, 0)

    def zero_row(i, carry):
      for j in range(D // 16):
        buf0[i, pl.ds(j * 16, 16)] = jnp.zeros((16,), jnp.float32)
      return carry
    lax.fori_loop(0, ZCHUNK, zero_row, 0)
    base = s * SLAB
    for j in range(SLAB // ZCHUNK):
      pltpu.async_copy(buf0.at[pl.ds(0, ZCHUNK)],
                      acc.at[pl.ds(base + j * ZCHUNK, ZCHUNK)], sem3)

    @pl.when(s == NS - 1)
    def _():
      pltpu.sync_copy(buf0.at[pl.ds(0, 16)],
                      acc.at[pl.ds(NS * SLAB, 16)])

    drain_idx(0, 0)
    issue(1)
    issue(2)
    for j in range(SLAB // ZCHUNK):
      pltpu.make_async_copy(buf0.at[pl.ds(0, ZCHUNK)],
                            acc.at[pl.ds(base + j * ZCHUNK, ZCHUNK)],
                            sem3).wait()
    issue(0)
    plsc.subcore_barrier()

    def step(j, v, last=False):
      b = v % NBUF
      par = (v // SK) % 2
      if not last:
        if v % SK == 0:
          fire_idx(j * (PERIOD // SK) + v // SK + 1, (par + 1) % 2)
        if v % SK == 2:
          drain_idx(j * (PERIOD // SK) + v // SK + 1, (par + 1) % 2)
        issue(v + 3)
      elif j * PERIOD + v + 3 < K:
        issue(v + 3)
      pltpu.make_async_copy(x_hbm.at[cidxs[par].at[v % SK]],
                            bufs[b], sems[b]).wait()
      pltpu.sync_copy(bufs[b], acc.at[ridxs[par].at[v % SK]], add=True)

    def body(j, carry):
      for v in range(PERIOD):
        step(j, v)
      return carry
    lax.fori_loop(0, K // PERIOD, body, 0)
    for v in range(PERIOD, PERIOD + SK):
      step(K // PERIOD - 1, v, last=True)

    plsc.subcore_barrier()
    pltpu.sync_copy(acc.at[pl.ds(base, SLAB)],
                    out_hbm.at[c, pl.ds(base, SLAB)])

    @pl.when(s == NS - 1)
    def _():
      pltpu.sync_copy(acc.at[pl.ds(NS * SLAB, 16)],
                      out_hbm.at[c, pl.ds(NS * SLAB, 16)])

  return sc_kernel(x, ei5)


def _tc_add(a, b):
  def add_kernel(a_ref, b_ref, o_ref):
    o_ref[...] = a_ref[...] + b_ref[...]

  return pl.pallas_call(
      add_kernel,
      out_shape=jax.ShapeDtypeStruct((N_NODES, D), jnp.float32),
  )(a, b)


@jax.jit
def kernel(x, edge_index):
  ei5 = edge_index.astype(jnp.int32).reshape(2, NW, STAGES, SK, CHUNK)
  partials = _sc_partial_sums(x, ei5)
  return _tc_add(partials[0], partials[1])

# --- scband reference (transcript-rebuilt; emitter-appended) ---
"""Pipeline reference for scband-message-passing-11433202942341 (READ-ONLY COPY).

The authoritative reference and input builder live on the scoring server;
editing this copy changes nothing except your own understanding.
"""

import jax, jax.numpy as jnp
import numpy as np

N_NODES = 10000
N_EDGES = 320000
D_FEAT = 128

def setup_inputs(seed: int = 0) -> dict:
    key = jax.random.key(seed)
    k1, k2 = jax.random.split(key)
    x = jax.random.normal(k1, (N_NODES, D_FEAT), dtype=jnp.float32)
    edge_index = jax.random.randint(k2, (2, N_EDGES), 0, N_NODES, dtype=jnp.int64)
    return {"x": x, "edge_index": edge_index}

def reference(x, edge_index):
    # MessagePassing(aggr='add') with default message (returns x_j) and
    # default update (returns aggregated h).
    row = edge_index[0]
    col = edge_index[1]
    # gather: x_j = x[col]  (x_i = x[row] is gathered but unused by message)
    x_j = jnp.take(x, col, axis=0)
    # scatter-add messages into destination nodes (row), dim_size = N
    h = jnp.zeros((x.shape[0], x.shape[1]), dtype=x.dtype).at[row].add(x_j)
    # update(x_old, h) -> h
    return h

if __name__ == "__main__":
    import jax
    _d = setup_inputs()
    print(jax.jit(kernel)(*tuple(_d.values())))

</pallas_src>

<mosaic_0001>
#map = affine_map<(d0, d1) -> (0, 0)>
#map1 = affine_map<(d0, d1) -> (0, 0, 0, 0, 0)>
#map2 = affine_map<(d0, d1) -> (0, 0, 0)>
module attributes {stable_mosaic.version = 14 : i64} {
  func.func @sc_kernel(%arg0: i32, %arg1: i32, %arg2: memref<10000x128xf32, #tpu.memory_space<hbm>>, %arg3: memref<2x32x25x5x80xi32, #tpu.memory_space<hbm>>, %arg4: memref<2x10000x128xf32, #tpu.memory_space<hbm>>, %arg5: memref<5x80xi32, #tpu.memory_space<vmem>>, %arg6: memref<5x80xi32, #tpu.memory_space<vmem>>, %arg7: memref<5x80xi32, #tpu.memory_space<vmem>>, %arg8: memref<5x80xi32, #tpu.memory_space<vmem>>, %arg9: memref<80x128xf32, #tpu.memory_space<vmem>>, %arg10: memref<80x128xf32, #tpu.memory_space<vmem>>, %arg11: memref<80x128xf32, #tpu.memory_space<vmem>>, %arg12: memref<80x128xf32, #tpu.memory_space<vmem>>, %arg13: memref<10000x128xf32, #tpu.memory_space<vmem_shared>>, %arg14: memref<!tpu.dma_semaphore, #tpu.memory_space<semaphore_mem>>, %arg15: memref<!tpu.dma_semaphore, #tpu.memory_space<semaphore_mem>>, %arg16: memref<!tpu.dma_semaphore, #tpu.memory_space<semaphore_mem>>, %arg17: memref<!tpu.dma_semaphore, #tpu.memory_space<semaphore_mem>>, %arg18: memref<!tpu.dma_semaphore, #tpu.memory_space<semaphore_mem>>) attributes {dimension_semantics = [#tpu.dimension_semantics<core_parallel>, #tpu.dimension_semantics<subcore_parallel>], iteration_bounds = array<i64: 2, 16>, scalar_prefetch = 0 : i64, scratch_operands = 14 : i64, tpu.core_type = #tpu.core_type<sc_vector_subcore>, window_params = [{transform_indices = #map}, {transform_indices = #map1}, {transform_indices = #map2}]} {
    %mul3A = arith.constant 16 : i32
    %mul3A_0 = arith.muli %arg0, %mul3A : i32
    %add3A = arith.addi %mul3A_0, %arg1 : i32
    %dma_start3A = arith.constant 1 : i32
    %dma_start3A_1 = arith.constant 0 : i32
    %dma_start3A_2 = arith.constant 0 : i32
    %dma_start3A_3 = arith.constant 0 : i32
    %dma_start3A_4 = tpu.memref_slice %arg3[%dma_start3A, %add3A, %dma_start3A_1, %dma_start3A_2, %dma_start3A_3] : memref<2x32x25x5x80xi32, #tpu.memory_space<hbm>> -> memref<1x1x1x5x80xi32, #tpu.memory_space<hbm>>
    %dma_start3A_5 = tpu.memref_squeeze %dma_start3A_4 : memref<1x1x1x5x80xi32, #tpu.memory_space<hbm>> -> memref<5x80xi32, #tpu.memory_space<hbm>>
    %dma_start3A_6 = arith.constant 0 : i32
    %dma_start3A_7 = arith.constant 0 : i32
    %dma_start3A_8 = tpu.memref_slice %arg3[%dma_start3A, %add3A, %dma_start3A_1, %dma_start3A_6, %dma_start3A_7] : memref<2x32x25x5x80xi32, #tpu.memory_space<hbm>> -> memref<1x1x1x5x80xi32, #tpu.memory_space<hbm>>
    %dma_start3A_9 = tpu.memref_squeeze %dma_start3A_8 : memref<1x1x1x5x80xi32, #tpu.memory_space<hbm>> -> memref<5x80xi32, #tpu.memory_space<hbm>>
    tpu.enqueue_dma source(%dma_start3A_9 : memref<5x80xi32, #tpu.memory_space<hbm>>) target(%arg5 : memref<5x80xi32, #tpu.memory_space<vmem>>) target_semaphore(%arg18 : memref<!tpu.dma_semaphore, #tpu.memory_space<semaphore_mem>>)
    %dma_start3A_10 = arith.constant 0 : i32
    %dma_start3A_11 = arith.constant 0 : i32
    %dma_start3A_12 = arith.constant 0 : i32
    %dma_start3A_13 = arith.constant 0 : i32
    %dma_start3A_14 = tpu.memref_slice %arg3[%dma_start3A_10, %add3A, %dma_start3A_11, %dma_start3A_12, %dma_start3A_13] : memref<2x32x25x5x80xi32, #tpu.memory_space<hbm>> -> memref<1x1x1x5x80xi32, #tpu.memory_space<hbm>>
    %dma_start3A_15 = tpu.memref_squeeze %dma_start3A_14 : memref<1x1x1x5x80xi32, #tpu.memory_space<hbm>> -> memref<5x80xi32, #tpu.memory_space<hbm>>
    %dma_start3A_16 = arith.constant 0 : i32
    %dma_start3A_17 = arith.constant 0 : i32
    %dma_start3A_18 = tpu.memref_slice %arg3[%dma_start3A_10, %add3A, %dma_start3A_11, %dma_start3A_16, %dma_start3A_17] : memref<2x32x25x5x80xi32, #tpu.memory_space<hbm>> -> memref<1x1x1x5x80xi32, #tpu.memory_space<hbm>>
    %dma_start3A_19 = tpu.memref_squeeze %dma_start3A_18 : memref<1x1x1x5x80xi32, #tpu.memory_space<hbm>> -> memref<5x80xi32, #tpu.memory_space<hbm>>
    tpu.enqueue_dma source(%dma_start3A_19 : memref<5x80xi32, #tpu.memory_space<hbm>>) target(%arg7 : memref<5x80xi32, #tpu.memory_space<vmem>>) target_semaphore(%arg18 : memref<!tpu.dma_semaphore, #tpu.memory_space<semaphore_mem>>)
    %scan3A = arith.constant 0 : i32
    %scan3A_20 = arith.constant 0 : i32
    %scan3A_21 = arith.constant 78 : i32
    %scan3A_22 = arith.addi %scan3A_20, %scan3A_21 : i32
    %scan3A_23 = arith.constant 1 : i32
    scf.for %scan3A_326 = %scan3A_20 to %scan3A_22 step %scan3A_23  : i32 {
      %broadcast_in_dim3A = arith.constant 0.000000e+00 : f32
      %broadcast_in_dim3A_327 = vector.broadcast %broadcast_in_dim3A : f32 to vector<16xf32>
      %swap3A = arith.index_cast %scan3A_326 : i32 to index
      %swap3A_328 = arith.constant 0 : index
      %swap3A_329 = tpu.vector_load %arg9[%swap3A, %swap3A_328] {strides = array<i32>} : memref<80x128xf32, #tpu.memory_space<vmem>>, vector<1x16xf32>,
      %swap3A_330 = vector.shape_cast %swap3A_329 : vector<1x16xf32> to vector<16xf32>
      %swap3A_331 = vector.shape_cast %broadcast_in_dim3A_327 : vector<16xf32> to vector<1x16xf32>
      tpu.vector_store %arg9[%swap3A, %swap3A_328], %swap3A_331 {strides = array<i32>} : memref<80x128xf32, #tpu.memory_space<vmem>>, vector<1x16xf32>,
      %broadcast_in_dim3A_332 = arith.constant 0.000000e+00 : f32
      %broadcast_in_dim3A_333 = vector.broadcast %broadcast_in_dim3A_332 : f32 to vector<16xf32>
      %swap3A_334 = arith.index_cast %scan3A_326 : i32 to index
      %swap3A_335 = arith.constant 16 : index
      %swap3A_336 = tpu.vector_load %arg9[%swap3A_334, %swap3A_335] {strides = array<i32>} : memref<80x128xf32, #tpu.memory_space<vmem>>, vector<1x16xf32>,
      %swap3A_337 = vector.shape_cast %swap3A_336 : vector<1x16xf32> to vector<16xf32>
      %swap3A_338 = vector.shape_cast %broadcast_in_dim3A_333 : vector<16xf32> to vector<1x16xf32>
      tpu.vector_store %arg9[%swap3A_334, %swap3A_335], %swap3A_338 {strides = array<i32>} : memref<80x128xf32, #tpu.memory_space<vmem>>, vector<1x16xf32>,
      %broadcast_in_dim3A_339 = arith.constant 0.000000e+00 : f32
      %broadcast_in_dim3A_340 = vector.broadcast %broadcast_in_dim3A_339 : f32 to vector<16xf32>
      %swap3A_341 = arith.index_cast %scan3A_326 : i32 to index
      %swap3A_342 = arith.constant 32 : index
      %swap3A_343 = tpu.vector_load %arg9[%swap3A_341, %swap3A_342] {strides = array<i32>} : memref<80x128xf32, #tpu.memory_space<vmem>>, vector<1x16xf32>,
      %swap3A_344 = vector.shape_cast %swap3A_343 : vector<1x16xf32> to vector<16xf32>
      %swap3A_345 = vector.shape_cast %broadcast_in_dim3A_340 : vector<16xf32> to vector<1x16xf32>
      tpu.vector_store %arg9[%swap3A_341, %swap3A_342], %swap3A_345 {strides = array<i32>} : memref<80x128xf32, #tpu.memory_space<vmem>>, vector<1x16xf32>,
      %broadcast_in_dim3A_346 = arith.constant 0.000000e+00 : f32
      %broadcast_in_dim3A_347 = vector.broadcast %broadcast_in_dim3A_346 : f32 to vector<16xf32>
      %swap3A_348 = arith.index_cast %scan3A_326 : i32 to index
      %swap3A_349 = arith.constant 48 : index
      %swap3A_350 = tpu.vector_load %arg9[%swap3A_348, %swap3A_349] {strides = array<i32>} : memref<80x128xf32, #tpu.memory_space<vmem>>, vector<1x16xf32>,
      %swap3A_351 = vector.shape_cast %swap3A_350 : vector<1x16xf32> to vector<16xf32>
      %swap3A_352 = vector.shape_cast %broadcast_in_dim3A_347 : vector<16xf32> to vector<1x16xf32>
      tpu.vector_store %arg9[%swap3A_348, %swap3A_349], %swap3A_352 {strides = array<i32>} : memref<80x128xf32, #tpu.memory_space<vmem>>, vector<1x16xf32>,
      %broadcast_in_dim3A_353 = arith.constant 0.000000e+00 : f32
      %broadcast_in_dim3A_354 = vector.broadcast %broadcast_in_dim3A_353 : f32 to vector<16xf32>
      %swap3A_355 = arith.index_cast %scan3A_326 : i32 to index
      %swap3A_356 = arith.constant 64 : index
      %swap3A_357 = tpu.vector_load %arg9[%swap3A_355, %swap3A_356] {strides = array<i32>} : memref<80x128xf32, #tpu.memory_space<vmem>>, vector<1x16xf32>,
      %swap3A_358 = vector.shape_cast %swap3A_357 : vector<1x16xf32> to vector<16xf32>
      %swap3A_359 = vector.shape_cast %broadcast_in_dim3A_354 : vector<16xf32> to vector<1x16xf32>
      tpu.vector_store %arg9[%swap3A_355, %swap3A_356], %swap3A_359 {strides = array<i32>} : memref<80x128xf32, #tpu.memory_space<vmem>>, vector<1x16xf32>,
      %broadcast_in_dim3A_360 = arith.constant 0.000000e+00 : f32
      %broadcast_in_dim3A_361 = vector.broadcast %broadcast_in_dim3A_360 : f32 to vector<16xf32>
      %swap3A_362 = arith.index_cast %scan3A_326 : i32 to index
      %swap3A_363 = arith.constant 80 : index
      %swap3A_364 = tpu.vector_load %arg9[%swap3A_362, %swap3A_363] {strides = array<i32>} : memref<80x128xf32, #tpu.memory_space<vmem>>, vector<1x16xf32>,
      %swap3A_365 = vector.shape_cast %swap3A_364 : vector<1x16xf32> to vector<16xf32>
      %swap3A_366 = vector.shape_cast %broadcast_in_dim3A_361 : vector<16xf32> to vector<1x16xf32>
      tpu.vector_store %arg9[%swap3A_362, %swap3A_363], %swap3A_366 {strides = array<i32>} : memref<80x128xf32, #tpu.memory_space<vmem>>, vector<1x16xf32>,
      %broadcast_in_dim3A_367 = arith.constant 0.000000e+00 : f32
      %broadcast_in_dim3A_368 = vector.broadcast %broadcast_in_dim3A_367 : f32 to vector<16xf32>
      %swap3A_369 = arith.index_cast %scan3A_326 : i32 to index
      %swap3A_370 = arith.constant 96 : index
      %swap3A_371 = tpu.vector_load %arg9[%swap3A_369, %swap3A_370] {strides = array<i32>} : memref<80x128xf32, #tpu.memory_space<vmem>>, vector<1x16xf32>,
      %swap3A_372 = vector.shape_cast %swap3A_371 : vector<1x16xf32> to vector<16xf32>
      %swap3A_373 = vector.shape_cast %broadcast_in_dim3A_368 : vector<16xf32> to vector<1x16xf32>
      tpu.vector_store %arg9[%swap3A_369, %swap3A_370], %swap3A_373 {strides = array<i32>} : memref<80x128xf32, #tpu.memory_space<vmem>>, vector<1x16xf32>,
      %broadcast_in_dim3A_374 = arith.constant 0.000000e+00 : f32
      %broadcast_in_dim3A_375 = vector.broadcast %broadcast_in_dim3A_374 : f32 to vector<16xf32>
      %swap3A_376 = arith.index_cast %scan3A_326 : i32 to index
      %swap3A_377 = arith.constant 112 : index
      %swap3A_378 = tpu.vector_load %arg9[%swap3A_376, %swap3A_377] {strides = array<i32>} : memref<80x128xf32, #tpu.memory_space<vmem>>, vector<1x16xf32>,
      %swap3A_379 = vector.shape_cast %swap3A_378 : vector<1x16xf32> to vector<16xf32>
      %swap3A_380 = vector.shape_cast %broadcast_in_dim3A_375 : vector<16xf32> to vector<1x16xf32>
      tpu.vector_store %arg9[%swap3A_376, %swap3A_377], %swap3A_380 {strides = array<i32>} : memref<80x128xf32, #tpu.memory_space<vmem>>, vector<1x16xf32>,
    }
    %scan3A_24 = arith.constant 78 : i32
    %mul3A_25 = arith.constant 624 : i32
    %mul3A_26 = arith.muli %arg1, %mul3A_25 : i32
    %add3A_27 = arith.constant 0 : i32
    %add3A_28 = arith.addi %mul3A_26, %add3A_27 : i32
    %dma_start3A_29 = arith.constant 0 : i32
    %dma_start3A_30 = arith.constant 0 : i32
    %dma_start3A_31 = tpu.memref_slice %arg9[%dma_start3A_29, %dma_start3A_30] : memref<80x128xf32, #tpu.memory_space<vmem>> -> memref<78x128xf32, #tpu.memory_space<vmem>>
    %dma_start3A_32 = arith.constant 0 : i32
    %dma_start3A_33 = tpu.memref_slice %arg13[%add3A_28, %dma_start3A_32] : memref<10000x128xf32, #tpu.memory_space<vmem_shared>> -> memref<78x128xf32, #tpu.memory_space<vmem_shared>>
    %dma_start3A_34 = arith.constant 0 : i32
    %dma_start3A_35 = tpu.memref_slice %arg13[%add3A_28, %dma_start3A_34] : memref<10000x128xf32, #tpu.memory_space<vmem_shared>> -> memref<78x128xf32, #tpu.memory_space<vmem_shared>>
    %dma_start3A_36 = arith.constant 0 : i32
    %dma_start3A_37 = arith.constant 0 : i32
    %dma_start3A_38 = tpu.memref_slice %arg9[%dma_start3A_36, %dma_start3A_37] : memref<80x128xf32, #tpu.memory_space<vmem>> -> memref<78x128xf32, #tpu.memory_space<vmem>>
    tpu.enqueue_dma source(%dma_start3A_38 : memref<78x128xf32, #tpu.memory_space<vmem>>) target(%dma_start3A_35 : memref<78x128xf32, #tpu.memory_space<vmem_shared>>) target_semaphore(%arg17 : memref<!tpu.dma_semaphore, #tpu.memory_space<semaphore_mem>>)
    %add3A_39 = arith.constant 78 : i32
    %add3A_40 = arith.addi %mul3A_26, %add3A_39 : i32
    %dma_start3A_41 = arith.constant 0 : i32
    %dma_start3A_42 = arith.constant 0 : i32
    %dma_start3A_43 = tpu.memref_slice %arg9[%dma_start3A_41, %dma_start3A_42] : memref<80x128xf32, #tpu.memory_space<vmem>> -> memref<78x128xf32, #tpu.memory_space<vmem>>
    %dma_start3A_44 = arith.constant 0 : i32
    %dma_start3A_45 = tpu.memref_slice %arg13[%add3A_40, %dma_start3A_44] : memref<10000x128xf32, #tpu.memory_space<vmem_shared>> -> memref<78x128xf32, #tpu.memory_space<vmem_shared>>
    %dma_start3A_46 = arith.constant 0 : i32
    %dma_start3A_47 = tpu.memref_slice %arg13[%add3A_40, %dma_start3A_46] : memref<10000x128xf32, #tpu.memory_space<vmem_shared>> -> memref<78x128xf32, #tpu.memory_space<vmem_shared>>
    %dma_start3A_48 = arith.constant 0 : i32
    %dma_start3A_49 = arith.constant 0 : i32
    %dma_start3A_50 = tpu.memref_slice %arg9[%dma_start3A_48, %dma_start3A_49] : memref<80x128xf32, #tpu.memory_space<vmem>> -> memref<78x128xf32, #tpu.memory_space<vmem>>
    tpu.enqueue_dma source(%dma_start3A_50 : memref<78x128xf32, #tpu.memory_space<vmem>>) target(%dma_start3A_47 : memref<78x128xf32, #tpu.memory_space<vmem_shared>>) target_semaphore(%arg17 : memref<!tpu.dma_semaphore, #tpu.memory_space<semaphore_mem>>)
    %add3A_51 = arith.constant 156 : i32
    %add3A_52 = arith.addi %mul3A_26, %add3A_51 : i32
    %dma_start3A_53 = arith.constant 0 : i32
    %dma_start3A_54 = arith.constant 0 : i32
    %dma_start3A_55 = tpu.memref_slice %arg9[%dma_start3A_53, %dma_start3A_54] : memref<80x128xf32, #tpu.memory_space<vmem>> -> memref<78x128xf32, #tpu.memory_space<vmem>>
    %dma_start3A_56 = arith.constant 0 : i32
    %dma_start3A_57 = tpu.memref_slice %arg13[%add3A_52, %dma_start3A_56] : memref<10000x128xf32, #tpu.memory_space<vmem_shared>> -> memref<78x128xf32, #tpu.memory_space<vmem_shared>>
    %dma_start3A_58 = arith.constant 0 : i32
    %dma_start3A_59 = tpu.memref_slice %arg13[%add3A_52, %dma_start3A_58] : memref<10000x128xf32, #tpu.memory_space<vmem_shared>> -> memref<78x128xf32, #tpu.memory_space<vmem_shared>>
    %dma_start3A_60 = arith.constant 0 : i32
    %dma_start3A_61 = arith.constant 0 : i32
    %dma_start3A_62 = tpu.memref_slice %arg9[%dma_start3A_60, %dma_start3A_61] : memref<80x128xf32, #tpu.memory_space<vmem>> -> memref<78x128xf32, #tpu.memory_space<vmem>>
    tpu.enqueue_dma source(%dma_start3A_62 : memref<78x128xf32, #tpu.memory_space<vmem>>) target(%dma_start3A_59 : memref<78x128xf32, #tpu.memory_space<vmem_shared>>) target_semaphore(%arg17 : memref<!tpu.dma_semaphore, #tpu.memory_space<semaphore_mem>>)
    %add3A_63 = arith.constant 234 : i32
    %add3A_64 = arith.addi %mul3A_26, %add3A_63 : i32
    %dma_start3A_65 = arith.constant 0 : i32
    %dma_start3A_66 = arith.constant 0 : i32
    %dma_start3A_67 = tpu.memref_slice %arg9[%dma_start3A_65, %dma_start3A_66] : memref<80x128xf32, #tpu.memory_space<vmem>> -> memref<78x128xf32, #tpu.memory_space<vmem>>
    %dma_start3A_68 = arith.constant 0 : i32
    %dma_start3A_69 = tpu.memref_slice %arg13[%add3A_64, %dma_start3A_68] : memref<10000x128xf32, #tpu.memory_space<vmem_shared>> -> memref<78x128xf32, #tpu.memory_space<vmem_shared>>
    %dma_start3A_70 = arith.constant 0 : i32
    %dma_start3A_71 = tpu.memref_slice %arg13[%add3A_64, %dma_start3A_70] : memref<10000x128xf32, #tpu.memory_space<vmem_shared>> -> memref<78x128xf32, #tpu.memory_space<vmem_shared>>
    %dma_start3A_72 = arith.constant 0 : i32
    %dma_start3A_73 = arith.constant 0 : i32
    %dma_start3A_74 = tpu.memref_slice %arg9[%dma_start3A_72, %dma_start3A_73] : memref<80x128xf32, #tpu.memory_space<vmem>> -> memref<78x128xf32, #tpu.memory_space<vmem>>
    tpu.enqueue_dma source(%dma_start3A_74 : memref<78x128xf32, #tpu.memory_space<vmem>>) target(%dma_start3A_71 : memref<78x128xf32, #tpu.memory_space<vmem_shared>>) target_semaphore(%arg17 : memref<!tpu.dma_semaphore, #tpu.memory_space<semaphore_mem>>)
    %add3A_75 = arith.constant 312 : i32
    %add3A_76 = arith.addi %mul3A_26, %add3A_75 : i32
    %dma_start3A_77 = arith.constant 0 : i32
    %dma_start3A_78 = arith.constant 0 : i32
    %dma_start3A_79 = tpu.memref_slice %arg9[%dma_start3A_77, %dma_start3A_78] : memref<80x128xf32, #tpu.memory_space<vmem>> -> memref<78x128xf32, #tpu.memory_space<vmem>>
    %dma_start3A_80 = arith.constant 0 : i32
    %dma_start3A_81 = tpu.memref_slice %arg13[%add3A_76, %dma_start3A_80] : memref<10000x128xf32, #tpu.memory_space<vmem_shared>> -> memref<78x128xf32, #tpu.memory_space<vmem_shared>>
    %dma_start3A_82 = arith.constant 0 : i32
    %dma_start3A_83 = tpu.memref_slice %arg13[%add3A_76, %dma_start3A_82] : memref<10000x128xf32, #tpu.memory_space<vmem_shared>> -> memref<78x128xf32, #tpu.memory_space<vmem_shared>>
    %dma_start3A_84 = arith.constant 0 : i32
    %dma_start3A_85 = arith.constant 0 : i32
    %dma_start3A_86 = tpu.memref_slice %arg9[%dma_start3A_84, %dma_start3A_85] : memref<80x128xf32, #tpu.memory_space<vmem>> -> memref<78x128xf32, #tpu.memory_space<vmem>>
    tpu.enqueue_dma source(%dma_start3A_86 : memref<78x128xf32, #tpu.memory_space<vmem>>) target(%dma_start3A_83 : memref<78x128xf32, #tpu.memory_space<vmem_shared>>) target_semaphore(%arg17 : memref<!tpu.dma_semaphore, #tpu.memory_space<semaphore_mem>>)
    %add3A_87 = arith.constant 390 : i32
    %add3A_88 = arith.addi %mul3A_26, %add3A_87 : i32
    %dma_start3A_89 = arith.constant 0 : i32
    %dma_start3A_90 = arith.constant 0 : i32
    %dma_start3A_91 = tpu.memref_slice %arg9[%dma_start3A_89, %dma_start3A_90] : memref<80x128xf32, #tpu.memory_space<vmem>> -> memref<78x128xf32, #tpu.memory_space<vmem>>
    %dma_start3A_92 = arith.constant 0 : i32
    %dma_start3A_93 = tpu.memref_slice %arg13[%add3A_88, %dma_start3A_92] : memref<10000x128xf32, #tpu.memory_space<vmem_shared>> -> memref<78x128xf32, #tpu.memory_space<vmem_shared>>
    %dma_start3A_94 = arith.constant 0 : i32
    %dma_start3A_95 = tpu.memref_slice %arg13[%add3A_88, %dma_start3A_94] : memref<10000x128xf32, #tpu.memory_space<vmem_shared>> -> memref<78x128xf32, #tpu.memory_space<vmem_shared>>
    %dma_start3A_96 = arith.constant 0 : i32
    %dma_start3A_97 = arith.constant 0 : i32
    %dma_start3A_98 = tpu.memref_slice %arg9[%dma_start3A_96, %dma_start3A_97] : memref<80x128xf32, #tpu.memory_space<vmem>> -> memref<78x128xf32, #tpu.memory_space<vmem>>
    tpu.enqueue_dma source(%dma_start3A_98 : memref<78x128xf32, #tpu.memory_space<vmem>>) target(%dma_start3A_95 : memref<78x128xf32, #tpu.memory_space<vmem_shared>>) target_semaphore(%arg17 : memref<!tpu.dma_semaphore, #tpu.memory_space<semaphore_mem>>)
    %add3A_99 = arith.constant 468 : i32
    %add3A_100 = arith.addi %mul3A_26, %add3A_99 : i32
    %dma_start3A_101 = arith.constant 0 : i32
    %dma_start3A_102 = arith.constant 0 : i32
    %dma_start3A_103 = tpu.memref_slice %arg9[%dma_start3A_101, %dma_start3A_102] : memref<80x128xf32, #tpu.memory_space<vmem>> -> memref<78x128xf32, #tpu.memory_space<vmem>>
    %dma_start3A_104 = arith.constant 0 : i32
    %dma_start3A_105 = tpu.memref_slice %arg13[%add3A_100, %dma_start3A_104] : memref<10000x128xf32, #tpu.memory_space<vmem_shared>> -> memref<78x128xf32, #tpu.memory_space<vmem_shared>>
    %dma_start3A_106 = arith.constant 0 : i32
    %dma_start3A_107 = tpu.memref_slice %arg13[%add3A_100, %dma_start3A_106] : memref<10000x128xf32, #tpu.memory_space<vmem_shared>> -> memref<78x128xf32, #tpu.memory_space<vmem_shared>>
    %dma_start3A_108 = arith.constant 0 : i32
    %dma_start3A_109 = arith.constant 0 : i32
    %dma_start3A_110 = tpu.memref_slice %arg9[%dma_start3A_108, %dma_start3A_109] : memref<80x128xf32, #tpu.memory_space<vmem>> -> memref<78x128xf32, #tpu.memory_space<vmem>>
    tpu.enqueue_dma source(%dma_start3A_110 : memref<78x128xf32, #tpu.memory_space<vmem>>) target(%dma_start3A_107 : memref<78x128xf32, #tpu.memory_space<vmem_shared>>) target_semaphore(%arg17 : memref<!tpu.dma_semaphore, #tpu.memory_space<semaphore_mem>>)
    %add3A_111 = arith.constant 546 : i32
    %add3A_112 = arith.addi %mul3A_26, %add3A_111 : i32
    %dma_start3A_113 = arith.constant 0 : i32
    %dma_start3A_114 = arith.constant 0 : i32
    %dma_start3A_115 = tpu.memref_slice %arg9[%dma_start3A_113, %dma_start3A_114] : memref<80x128xf32, #tpu.memory_space<vmem>> -> memref<78x128xf32, #tpu.memory_space<vmem>>
    %dma_start3A_116 = arith.constant 0 : i32
    %dma_start3A_117 = tpu.memref_slice %arg13[%add3A_112, %dma_start3A_116] : memref<10000x128xf32, #tpu.memory_space<vmem_shared>> -> memref<78x128xf32, #tpu.memory_space<vmem_shared>>
    %dma_start3A_118 = arith.constant 0 : i32
    %dma_start3A_119 = tpu.memref_slice %arg13[%add3A_112, %dma_start3A_118] : memref<10000x128xf32, #tpu.memory_space<vmem_shared>> -> memref<78x128xf32, #tpu.memory_space<vmem_shared>>
    %dma_start3A_120 = arith.constant 0 : i32
    %dma_start3A_121 = arith.constant 0 : i32
    %dma_start3A_122 = tpu.memref_slice %arg9[%dma_start3A_120, %dma_start3A_121] : memref<80x128xf32, #tpu.memory_space<vmem>> -> memref<78x128xf32, #tpu.memory_space<vmem>>
    tpu.enqueue_dma source(%dma_start3A_122 : memref<78x128xf32, #tpu.memory_space<vmem>>) target(%dma_start3A_119 : memref<78x128xf32, #tpu.memory_space<vmem_shared>>) target_semaphore(%arg17 : memref<!tpu.dma_semaphore, #tpu.memory_space<semaphore_mem>>)
    %eq3A = arith.constant 15 : i32
    %eq3A_123 = arith.cmpi eq, %arg1, %eq3A : i32
    %convert_element_type3A = arith.extui %eq3A_123 : i1 to i32
    %cond3A = arith.constant 0 : i32
    %cond3A_124 = arith.cmpi ne, %convert_element_type3A, %cond3A : i32
    scf.if %cond3A_124 {
      "tpu.region"() ({
        %run_scoped3A_326 = tpu.sem_alloc : memref<!tpu.dma_semaphore, #tpu.memory_space<semaphore_mem>>
        %dma_start3A_327 = arith.constant 0 : i32
        %dma_start3A_328 = arith.constant 0 : i32
        %dma_start3A_329 = tpu.memref_slice %arg9[%dma_start3A_327, %dma_start3A_328] : memref<80x128xf32, #tpu.memory_space<vmem>> -> memref<16x128xf32, #tpu.memory_space<vmem>>
        %dma_start3A_330 = arith.constant 9984 : i32
        %dma_start3A_331 = arith.constant 0 : i32
        %dma_start3A_332 = tpu.memref_slice %arg13[%dma_start3A_330, %dma_start3A_331] : memref<10000x128xf32, #tpu.memory_space<vmem_shared>> -> memref<16x128xf32, #tpu.memory_space<vmem_shared>>
        %dma_start3A_333 = arith.constant 9984 : i32
        %dma_start3A_334 = arith.constant 0 : i32
        %dma_start3A_335 = tpu.memref_slice %arg13[%dma_start3A_333, %dma_start3A_334] : memref<10000x128xf32, #tpu.memory_space<vmem_shared>> -> memref<16x128xf32, #tpu.memory_space<vmem_shared>>
        %dma_start3A_336 = arith.constant 0 : i32
        %dma_start3A_337 = arith.constant 0 : i32
        %dma_start3A_338 = tpu.memref_slice %arg9[%dma_start3A_336, %dma_start3A_337] : memref<80x128xf32, #tpu.memory_space<vmem>> -> memref<16x128xf32, #tpu.memory_space<vmem>>
        tpu.enqueue_dma source(%dma_start3A_338 : memref<16x128xf32, #tpu.memory_space<vmem>>) target(%dma_start3A_335 : memref<16x128xf32, #tpu.memory_space<vmem_shared>>) target_semaphore(%run_scoped3A_326 : memref<!tpu.dma_semaphore, #tpu.memory_space<semaphore_mem>>)
        %dma_wait3A_339 = arith.constant 0 : i32
        %dma_wait3A_340 = arith.constant 0 : i32
        %dma_wait3A_341 = tpu.memref_slice %arg9[%dma_wait3A_339, %dma_wait3A_340] : memref<80x128xf32, #tpu.memory_space<vmem>> -> memref<16x128xf32, #tpu.memory_space<vmem>>
        %dma_wait3A_342 = arith.constant 9984 : i32
        %dma_wait3A_343 = arith.constant 0 : i32
        %dma_wait3A_344 = tpu.memref_slice %arg13[%dma_wait3A_342, %dma_wait3A_343] : memref<10000x128xf32, #tpu.memory_space<vmem_shared>> -> memref<16x128xf32, #tpu.memory_space<vmem_shared>>
        %dma_wait3A_345 = arith.constant 9984 : i32
        %dma_wait3A_346 = arith.constant 0 : i32
        %dma_wait3A_347 = tpu.memref_slice %arg13[%dma_wait3A_345, %dma_wait3A_346] : memref<10000x128xf32, #tpu.memory_space<vmem_shared>> -> memref<16x128xf32, #tpu.memory_space<vmem_shared>>
        %dma_wait3A_348 = arith.constant 0 : i32
        %dma_wait3A_349 = arith.constant 0 : i32
        %dma_wait3A_350 = tpu.memref_slice %arg9[%dma_wait3A_348, %dma_wait3A_349] : memref<80x128xf32, #tpu.memory_space<vmem>> -> memref<16x128xf32, #tpu.memory_space<vmem>>
        tpu.wait_dma2 semaphore(%run_scoped3A_326 : memref<!tpu.dma_semaphore, #tpu.memory_space<semaphore_mem>>) src(%dma_wait3A_350 : memref<16x128xf32, #tpu.memory_space<vmem>>) dst(%dma_wait3A_347 : memref<16x128xf32, #tpu.memory_space<vmem_shared>>)
        tpu.yield
      }) : () -> ()
    } else {
    }
    %dma_wait3A = arith.constant 1 : i32
    %dma_wait3A_125 = arith.constant 0 : i32
    %dma_wait3A_126 = arith.constant 0 : i32
    %dma_wait3A_127 = arith.constant 0 : i32
    %dma_wait3A_128 = tpu.memref_slice %arg3[%dma_wait3A, %add3A, %dma_wait3A_125, %dma_wait3A_126, %dma_wait3A_127] : memref<2x32x25x5x80xi32, #tpu.memory_space<hbm>> -> memref<1x1x1x5x80xi32, #tpu.memory_space<hbm>>
    %dma_wait3A_129 = tpu.memref_squeeze %dma_wait3A_128 : memref<1x1x1x5x80xi32, #tpu.memory_space<hbm>> -> memref<5x80xi32, #tpu.memory_space<hbm>>
    %dma_wait3A_130 = arith.constant 0 : i32
    %dma_wait3A_131 = arith.constant 0 : i32
    %dma_wait3A_132 = tpu.memref_slice %arg3[%dma_wait3A, %add3A, %dma_wait3A_125, %dma_wait3A_130, %dma_wait3A_131] : memref<2x32x25x5x80xi32, #tpu.memory_space<hbm>> -> memref<1x1x1x5x80xi32, #tpu.memory_space<hbm>>
    %dma_wait3A_133 = tpu.memref_squeeze %dma_wait3A_132 : memref<1x1x1x5x80xi32, #tpu.memory_space<hbm>> -> memref<5x80xi32, #tpu.memory_space<hbm>>
    tpu.wait_dma2 semaphore(%arg18 : memref<!tpu.dma_semaphore, #tpu.memory_space<semaphore_mem>>) src(%dma_wait3A_133 : memref<5x80xi32, #tpu.memory_space<hbm>>) dst(%arg5 : memref<5x80xi32, #tpu.memory_space<vmem>>)
    %dma_wait3A_134 = arith.constant 0 : i32
    %dma_wait3A_135 = arith.constant 0 : i32
    %dma_wait3A_136 = arith.constant 0 : i32
    %dma_wait3A_137 = arith.constant 0 : i32
    %dma_wait3A_138 = tpu.memref_slice %arg3[%dma_wait3A_134, %add3A, %dma_wait3A_135, %dma_wait3A_136, %dma_wait3A_137] : memref<2x32x25x5x80xi32, #tpu.memory_space<hbm>> -> memref<1x1x1x5x80xi32, #tpu.memory_space<hbm>>
    %dma_wait3A_139 = tpu.memref_squeeze %dma_wait3A_138 : memref<1x1x1x5x80xi32, #tpu.memory_space<hbm>> -> memref<5x80xi32, #tpu.memory_space<hbm>>
    %dma_wait3A_140 = arith.constant 0 : i32
    %dma_wait3A_141 = arith.constant 0 : i32
    %dma_wait3A_142 = tpu.memref_slice %arg3[%dma_wait3A_134, %add3A, %dma_wait3A_135, %dma_wait3A_140, %dma_wait3A_141] : memref<2x32x25x5x80xi32, #tpu.memory_space<hbm>> -> memref<1x1x1x5x80xi32, #tpu.memory_space<hbm>>
    %dma_wait3A_143 = tpu.memref_squeeze %dma_wait3A_142 : memref<1x1x1x5x80xi32, #tpu.memory_space<hbm>> -> memref<5x80xi32, #tpu.memory_space<hbm>>
    tpu.wait_dma2 semaphore(%arg18 : memref<!tpu.dma_semaphore, #tpu.memory_space<semaphore_mem>>) src(%dma_wait3A_143 : memref<5x80xi32, #tpu.memory_space<hbm>>) dst(%arg7 : memref<5x80xi32, #tpu.memory_space<vmem>>)
    %dma_start3A_144 = arith.constant 1 : i32
    %dma_start3A_145 = arith.constant 0 : i32
    %dma_start3A_146 = tpu.memref_slice %arg5[%dma_start3A_144, %dma_start3A_145] : memref<5x80xi32, #tpu.memory_space<vmem>> -> memref<1x80xi32, #tpu.memory_space<vmem>>
    %dma_start3A_147 = tpu.memref_squeeze %dma_start3A_146 : memref<1x80xi32, #tpu.memory_space<vmem>> -> memref<80xi32, #tpu.memory_space<vmem>>
    %dma_start3A_148 = arith.constant 0 : i32
    %dma_start3A_149 = arith.constant 0 : i32
    %dma_start3A_150 = tpu.memref_slice %arg2[%dma_start3A_148, %dma_start3A_149] : memref<10000x128xf32, #tpu.memory_space<hbm>> -> memref<10000x128xf32, #tpu.memory_space<hbm>>
    tpu.enqueue_indirect_dma source(%dma_start3A_150 : memref<10000x128xf32, #tpu.memory_space<hbm>>) target(%arg10 : memref<80x128xf32, #tpu.memory_space<vmem>>) offsets(%dma_start3A_147 : memref<80xi32, #tpu.memory_space<vmem>>) semaphore(%arg15 : memref<!tpu.dma_semaphore, #tpu.memory_space<semaphore_mem>>)
    %dma_start3A_151 = arith.constant 2 : i32
    %dma_start3A_152 = arith.constant 0 : i32
    %dma_start3A_153 = tpu.memref_slice %arg5[%dma_start3A_151, %dma_start3A_152] : memref<5x80xi32, #tpu.memory_space<vmem>> -> memref<1x80xi32, #tpu.memory_space<vmem>>
    %dma_start3A_154 = tpu.memref_squeeze %dma_start3A_153 : memref<1x80xi32, #tpu.memory_space<vmem>> -> memref<80xi32, #tpu.memory_space<vmem>>
    %dma_start3A_155 = arith.constant 0 : i32
    %dma_start3A_156 = arith.constant 0 : i32
    %dma_start3A_157 = tpu.memref_slice %arg2[%dma_start3A_155, %dma_start3A_156] : memref<10000x128xf32, #tpu.memory_space<hbm>> -> memref<10000x128xf32, #tpu.memory_space<hbm>>
    tpu.enqueue_indirect_dma source(%dma_start3A_157 : memref<10000x128xf32, #tpu.memory_space<hbm>>) target(%arg11 : memref<80x128xf32, #tpu.memory_space<vmem>>) offsets(%dma_start3A_154 : memref<80xi32, #tpu.memory_space<vmem>>) semaphore(%arg16 : memref<!tpu.dma_semaphore, #tpu.memory_space<semaphore_mem>>)
    %add3A_158 = arith.constant 0 : i32
    %add3A_159 = arith.addi %mul3A_26, %add3A_158 : i32
    %dma_wait3A_160 = arith.constant 0 : i32
    %dma_wait3A_161 = arith.constant 0 : i32
    %dma_wait3A_162 = tpu.memref_slice %arg9[%dma_wait3A_160, %dma_wait3A_161] : memref<80x128xf32, #tpu.memory_space<vmem>> -> memref<78x128xf32, #tpu.memory_space<vmem>>
    %dma_wait3A_163 = arith.constant 0 : i32
    %dma_wait3A_164 = tpu.memref_slice %arg13[%add3A_159, %dma_wait3A_163] : memref<10000x128xf32, #tpu.memory_space<vmem_shared>> -> memref<78x128xf32, #tpu.memory_space<vmem_shared>>
    %dma_wait3A_165 = arith.constant 0 : i32
    %dma_wait3A_166 = tpu.memref_slice %arg13[%add3A_159, %dma_wait3A_165] : memref<10000x128xf32, #tpu.memory_space<vmem_shared>> -> memref<78x128xf32, #tpu.memory_space<vmem_shared>>
    %dma_wait3A_167 = arith.constant 0 : i32
    %dma_wait3A_168 = arith.constant 0 : i32
    %dma_wait3A_169 = tpu.memref_slice %arg9[%dma_wait3A_167, %dma_wait3A_168] : memref<80x128xf32, #tpu.memory_space<vmem>> -> memref<78x128xf32, #tpu.memory_space<vmem>>
    tpu.wait_dma2 semaphore(%arg17 : memref<!tpu.dma_semaphore, #tpu.memory_space<semaphore_mem>>) src(%dma_wait3A_169 : memref<78x128xf32, #tpu.memory_space<vmem>>) dst(%dma_wait3A_166 : memref<78x128xf32, #tpu.memory_space<vmem_shared>>)
    %add3A_170 = arith.constant 78 : i32
    %add3A_171 = arith.addi %mul3A_26, %add3A_170 : i32
    %dma_wait3A_172 = arith.constant 0 : i32
    %dma_wait3A_173 = arith.constant 0 : i32
    %dma_wait3A_174 = tpu.memref_slice %arg9[%dma_wait3A_172, %dma_wait3A_173] : memref<80x128xf32, #tpu.memory_space<vmem>> -> memref<78x128xf32, #tpu.memory_space<vmem>>
    %dma_wait3A_175 = arith.constant 0 : i32
    %dma_wait3A_176 = tpu.memref_slice %arg13[%add3A_171, %dma_wait3A_175] : memref<10000x128xf32, #tpu.memory_space<vmem_shared>> -> memref<78x128xf32, #tpu.memory_space<vmem_shared>>
    %dma_wait3A_177 = arith.constant 0 : i32
    %dma_wait3A_178 = tpu.memref_slice %arg13[%add3A_171, %dma_wait3A_177] : memref<10000x128xf32, #tpu.memory_space<vmem_shared>> -> memref<78x128xf32, #tpu.memory_space<vmem_shared>>
    %dma_wait3A_179 = arith.constant 0 : i32
    %dma_wait3A_180 = arith.constant 0 : i32
    %dma_wait3A_181 = tpu.memref_slice %arg9[%dma_wait3A_179, %dma_wait3A_180] : memref<80x128xf32, #tpu.memory_space<vmem>> -> memref<78x128xf32, #tpu.memory_space<vmem>>
    tpu.wait_dma2 semaphore(%arg17 : memref<!tpu.dma_semaphore, #tpu.memory_space<semaphore_mem>>) src(%dma_wait3A_181 : memref<78x128xf32, #tpu.memory_space<vmem>>) dst(%dma_wait3A_178 : memref<78x128xf32, #tpu.memory_space<vmem_shared>>)
    %add3A_182 = arith.constant 156 : i32
    %add3A_183 = arith.addi %mul3A_26, %add3A_182 : i32
    %dma_wait3A_184 = arith.constant 0 : i32
    %dma_wait3A_185 = arith.constant 0 : i32
    %dma_wait3A_186 = tpu.memref_slice %arg9[%dma_wait3A_184, %dma_wait3A_185] : memref<80x128xf32, #tpu.memory_space<vmem>> -> memref<78x128xf32, #tpu.memory_space<vmem>>
    %dma_wait3A_187 = arith.constant 0 : i32
    %dma_wait3A_188 = tpu.memref_slice %arg13[%add3A_183, %dma_wait3A_187] : memref<10000x128xf32, #tpu.memory_space<vmem_shared>> -> memref<78x128xf32, #tpu.memory_space<vmem_shared>>
    %dma_wait3A_189 = arith.constant 0 : i32
    %dma_wait3A_190 = tpu.memref_slice %arg13[%add3A_183, %dma_wait3A_189] : memref<10000x128xf32, #tpu.memory_space<vmem_shared>> -> memref<78x128xf32, #tpu.memory_space<vmem_shared>>
    %dma_wait3A_191 = arith.constant 0 : i32
    %dma_wait3A_192 = arith.constant 0 : i32
    %dma_wait3A_193 = tpu.memref_slice %arg9[%dma_wait3A_191, %dma_wait3A_192] : memref<80x128xf32, #tpu.memory_space<vmem>> -> memref<78x128xf32, #tpu.memory_space<vmem>>
    tpu.wait_dma2 semaphore(%arg17 : memref<!tpu.dma_semaphore, #tpu.memory_space<semaphore_mem>>) src(%dma_wait3A_193 : memref<78x128xf32, #tpu.memory_space<vmem>>) dst(%dma_wait3A_190 : memref<78x128xf32, #tpu.memory_space<vmem_shared>>)
    %add3A_194 = arith.constant 234 : i32
    %add3A_195 = arith.addi %mul3A_26, %add3A_194 : i32
    %dma_wait3A_196 = arith.constant 0 : i32
    %dma_wait3A_197 = arith.constant 0 : i32
    %dma_wait3A_198 = tpu.memref_slice %arg9[%dma_wait3A_196, %dma_wait3A_197] : memref<80x128xf32, #tpu.memory_space<vmem>> -> memref<78x128xf32, #tpu.memory_space<vmem>>
    %dma_wait3A_199 = arith.constant 0 : i32
    %dma_wait3A_200 = tpu.memref_slice %arg13[%add3A_195, %dma_wait3A_199] : memref<10000x128xf32, #tpu.memory_space<vmem_shared>> -> memref<78x128xf32, #tpu.memory_space<vmem_shared>>
    %dma_wait3A_201 = arith.constant 0 : i32
    %dma_wait3A_202 = tpu.memref_slice %arg13[%add3A_195, %dma_wait3A_201] : memref<10000x128xf32, #tpu.memory_space<vmem_shared>> -> memref<78x128xf32, #tpu.memory_space<vmem_shared>>
    %dma_wait3A_203 = arith.constant 0 : i32
    %dma_wait3A_204 = arith.constant 0 : i32
    %dma_wait3A_205 = tpu.memref_slice %arg9[%dma_wait3A_203, %dma_wait3A_204] : memref<80x128xf32, #tpu.memory_space<vmem>> -> memref<78x128xf32, #tpu.memory_space<vmem>>
    tpu.wait_dma2 semaphore(%arg17 : memref<!tpu.dma_semaphore, #tpu.memory_space<semaphore_mem>>) src(%dma_wait3A_205 : memref<78x128xf32, #tpu.memory_space<vmem>>) dst(%dma_wait3A_202 : memref<78x128xf32, #tpu.memory_space<vmem_shared>>)
    %add3A_206 = arith.constant 312 : i32
    %add3A_207 = arith.addi %mul3A_26, %add3A_206 : i32
    %dma_wait3A_208 = arith.constant 0 : i32
    %dma_wait3A_209 = arith.constant 0 : i32
    %dma_wait3A_210 = tpu.memref_slice %arg9[%dma_wait3A_208, %dma_wait3A_209] : memref<80x128xf32, #tpu.memory_space<vmem>> -> memref<78x128xf32, #tpu.memory_space<vmem>>
    %dma_wait3A_211 = arith.constant 0 : i32
    %dma_wait3A_212 = tpu.memref_slice %arg13[%add3A_207, %dma_wait3A_211] : memref<10000x128xf32, #tpu.memory_space<vmem_shared>> -> memref<78x128xf32, #tpu.memory_space<vmem_shared>>
    %dma_wait3A_213 = arith.constant 0 : i32
    %dma_wait3A_214 = tpu.memref_slice %arg13[%add3A_207, %dma_wait3A_213] : memref<10000x128xf32, #tpu.memory_space<vmem_shared>> -> memref<78x128xf32, #tpu.memory_space<vmem_shared>>
    %dma_wait3A_215 = arith.constant 0 : i32
    %dma_wait3A_216 = arith.constant 0 : i32
    %dma_wait3A_217 = tpu.memref_slice %arg9[%dma_wait3A_215, %dma_wait3A_216] : memref<80x128xf32, #tpu.memory_space<vmem>> -> memref<78x128xf32, #tpu.memory_space<vmem>>
    tpu.wait_dma2 semaphore(%arg17 : memref<!tpu.dma_semaphore, #tpu.memory_space<semaphore_mem>>) src(%dma_wait3A_217 : memref<78x128xf32, #tpu.memory_space<vmem>>) dst(%dma_wait3A_214 : memref<78x128xf32, #tpu.memory_space<vmem_shared>>)
    %add3A_218 = arith.constant 390 : i32
    %add3A_219 = arith.addi %mul3A_26, %add3A_218 : i32
    %dma_wait3A_220 = arith.constant 0 : i32
    %dma_wait3A_221 = arith.constant 0 : i32
    %dma_wait3A_222 = tpu.memref_slice %arg9[%dma_wait3A_220, %dma_wait3A_221] : memref<80x128xf32, #tpu.memory_space<vmem>> -> memref<78x128xf32, #tpu.memory_space<vmem>>
    %dma_wait3A_223 = arith.constant 0 : i32
    %dma_wait3A_224 = tpu.memref_slice %arg13[%add3A_219, %dma_wait3A_223] : memref<10000x128xf32, #tpu.memory_space<vmem_shared>> -> memref<78x128xf32, #tpu.memory_space<vmem_shared>>
    %dma_wait3A_225 = arith.constant 0 : i32
    %dma_wait3A_226 = tpu.memref_slice %arg13[%add3A_219, %dma_wait3A_225] : memref<10000x128xf32, #tpu.memory_space<vmem_shared>> -> memref<78x128xf32, #tpu.memory_space<vmem_shared>>
    %dma_wait3A_227 = arith.constant 0 : i32
    %dma_wait3A_228 = arith.constant 0 : i32
    %dma_wait3A_229 = tpu.memref_slice %arg9[%dma_wait3A_227, %dma_wait3A_228] : memref<80x128xf32, #tpu.memory_space<vmem>> -> memref<78x128xf32, #tpu.memory_space<vmem>>
    tpu.wait_dma2 semaphore(%arg17 : memref<!tpu.dma_semaphore, #tpu.memory_space<semaphore_mem>>) src(%dma_wait3A_229 : memref<78x128xf32, #tpu.memory_space<vmem>>) dst(%dma_wait3A_226 : memref<78x128xf32, #tpu.memory_space<vmem_shared>>)
    %add3A_230 = arith.constant 468 : i32
    %add3A_231 = arith.addi %mul3A_26, %add3A_230 : i32
    %dma_wait3A_232 = arith.constant 0 : i32
    %dma_wait3A_233 = arith.constant 0 : i32
    %dma_wait3A_234 = tpu.memref_slice %arg9[%dma_wait3A_232, %dma_wait3A_233] : memref<80x128xf32, #tpu.memory_space<vmem>> -> memref<78x128xf32, #tpu.memory_space<vmem>>
    %dma_wait3A_235 = arith.constant 0 : i32
    %dma_wait3A_236 = tpu.memref_slice %arg13[%add3A_231, %dma_wait3A_235] : memref<10000x128xf32, #tpu.memory_space<vmem_shared>> -> memref<78x128xf32, #tpu.memory_space<vmem_shared>>
    %dma_wait3A_237 = arith.constant 0 : i32
    %dma_wait3A_238 = tpu.memref_slice %arg13[%add3A_231, %dma_wait3A_237] : memref<10000x128xf32, #tpu.memory_space<vmem_shared>> -> memref<78x128xf32, #tpu.memory_space<vmem_shared>>
    %dma_wait3A_239 = arith.constant 0 : i32
    %dma_wait3A_240 = arith.constant 0 : i32
    %dma_wait3A_241 = tpu.memref_slice %arg9[%dma_wait3A_239, %dma_wait3A_240] : memref<80x128xf32, #tpu.memory_space<vmem>> -> memref<78x128xf32, #tpu.memory_space<vmem>>
    tpu.wait_dma2 semaphore(%arg17 : memref<!tpu.dma_semaphore, #tpu.memory_space<semaphore_mem>>) src(%dma_wait3A_241 : memref<78x128xf32, #tpu.memory_space<vmem>>) dst(%dma_wait3A_238 : memref<78x128xf32, #tpu.memory_space<vmem_shared>>)
    %add3A_242 = arith.constant 546 : i32
    %add3A_243 = arith.addi %mul3A_26, %add3A_242 : i32
    %dma_wait3A_244 = arith.constant 0 : i32
    %dma_wait3A_245 = arith.constant 0 : i32
    %dma_wait3A_246 = tpu.memref_slice %arg9[%dma_wait3A_244, %dma_wait3A_245] : memref<80x128xf32, #tpu.memory_space<vmem>> -> memref<78x128xf32, #tpu.memory_space<vmem>>
    %dma_wait3A_247 = arith.constant 0 : i32
    %dma_wait3A_248 = tpu.memref_slice %arg13[%add3A_243, %dma_wait3A_247] : memref<10000x128xf32, #tpu.memory_space<vmem_shared>> -> memref<78x128xf32, #tpu.memory_space<vmem_shared>>
    %dma_wait3A_249 = arith.constant 0 : i32
    %dma_wait3A_250 = tpu.memref_slice %arg13[%add3A_243, %dma_wait3A_249] : memref<10000x128xf32, #tpu.memory_space<vmem_shared>> -> memref<78x128xf32, #tpu.memory_space<vmem_shared>>
    %dma_wait3A_251 = arith.constant 0 : i32
    %dma_wait3A_252 = arith.constant 0 : i32
    %dma_wait3A_253 = tpu.memref_slice %arg9[%dma_wait3A_251, %dma_wait3A_252] : memref<80x128xf32, #tpu.memory_space<vmem>> -> memref<78x128xf32, #tpu.memory_space<vmem>>
    tpu.wait_dma2 semaphore(%arg17 : memref<!tpu.dma_semaphore, #tpu.memory_space<semaphore_mem>>) src(%dma_wait3A_253 : memref<78x128xf32, #tpu.memory_space<vmem>>) dst(%dma_wait3A_250 : memref<78x128xf32, #tpu.memory_space<vmem_shared>>)
    %dma_start3A_254 = arith.constant 0 : i32
    %dma_start3A_255 = arith.constant 0 : i32
    %dma_start3A_256 = tpu.memref_slice %arg5[%dma_start3A_254, %dma_start3A_255] : memref<5x80xi32, #tpu.memory_space<vmem>> -> memref<1x80xi32, #tpu.memory_space<vmem>>
    %dma_start3A_257 = tpu.memref_squeeze %dma_start3A_256 : memref<1x80xi32, #tpu.memory_space<vmem>> -> memref<80xi32, #tpu.memory_space<vmem>>
    %dma_start3A_258 = arith.constant 0 : i32
    %dma_start3A_259 = arith.constant 0 : i32
    %dma_start3A_260 = tpu.memref_slice %arg2[%dma_start3A_258, %dma_start3A_259] : memref<10000x128xf32, #tpu.memory_space<hbm>> -> memref<10000x128xf32, #tpu.memory_space<hbm>>
    tpu.enqueue_indirect_dma source(%dma_start3A_260 : memref<10000x128xf32, #tpu.memory_space<hbm>>) target(%arg9 : memref<80x128xf32, #tpu.memory_space<vmem>>) offsets(%dma_start3A_257 : memref<80xi32, #tpu.memory_space<vmem>>) semaphore(%arg14 : memref<!tpu.dma_semaphore, #tpu.memory_space<semaphore_mem>>)
    %barrier3A = arith.constant 0 : index
    tpu.barrier barrier_id(%barrier3A)
    %scan3A_261 = arith.constant 0 : i32
    %scan3A_262 = arith.constant 0 : i32
    %scan3A_263 = arith.constant 6 : i32
    %scan3A_264 = arith.addi %scan3A_262, %scan3A_263 : i32
    %scan3A_265 = arith.constant 1 : i32
    scf.for %scan3A_326 = %scan3A_262 to %scan3A_264 step %scan3A_265  : i32 {
      %mul3A_327 = arith.constant 4 : i32
      %mul3A_328 = arith.muli %scan3A_326, %mul3A_327 : i32
      %add3A_329 = arith.constant 0 : i32
      %add3A_330 = arith.addi %mul3A_328, %add3A_329 : i32
      %add3A_331 = arith.constant 1 : i32
      %add3A_332 = arith.addi %add3A_330, %add3A_331 : i32
      %dma_start3A_333 = arith.constant 1 : i32
      %dma_start3A_334 = arith.constant 0 : i32
      %dma_start3A_335 = arith.constant 0 : i32
      %dma_start3A_336 = tpu.memref_slice %arg3[%dma_start3A_333, %add3A, %add3A_332, %dma_start3A_334, %dma_start3A_335] : memref<2x32x25x5x80xi32, #tpu.memory_space<hbm>> -> memref<1x1x1x5x80xi32, #tpu.memory_space<hbm>>
      %dma_start3A_337 = tpu.memref_squeeze %dma_start3A_336 : memref<1x1x1x5x80xi32, #tpu.memory_space<hbm>> -> memref<5x80xi32, #tpu.memory_space<hbm>>
      %dma_start3A_338 = arith.constant 0 : i32
      %dma_start3A_339 = arith.constant 0 : i32
      %dma_start3A_340 = tpu.memref_slice %arg3[%dma_start3A_333, %add3A, %add3A_332, %dma_start3A_338, %dma_start3A_339] : memref<2x32x25x5x80xi32, #tpu.memory_space<hbm>> -> memref<1x1x1x5x80xi32, #tpu.memory_space<hbm>>
      %dma_start3A_341 = tpu.memref_squeeze %dma_start3A_340 : memref<1x1x1x5x80xi32, #tpu.memory_space<hbm>> -> memref<5x80xi32, #tpu.memory_space<hbm>>
      tpu.enqueue_dma source(%dma_start3A_341 : memref<5x80xi32, #tpu.memory_space<hbm>>) target(%arg6 : memref<5x80xi32, #tpu.memory_space<vmem>>) target_semaphore(%arg18 : memref<!tpu.dma_semaphore, #tpu.memory_space<semaphore_mem>>)
      %dma_start3A_342 = arith.constant 0 : i32
      %dma_start3A_343 = arith.constant 0 : i32
      %dma_start3A_344 = arith.constant 0 : i32
      %dma_start3A_345 = tpu.memref_slice %arg3[%dma_start3A_342, %add3A, %add3A_332, %dma_start3A_343, %dma_start3A_344] : memref<2x32x25x5x80xi32, #tpu.memory_space<hbm>> -> memref<1x1x1x5x80xi32, #tpu.memory_space<hbm>>
      %dma_start3A_346 = tpu.memref_squeeze %dma_start3A_345 : memref<1x1x1x5x80xi32, #tpu.memory_space<hbm>> -> memref<5x80xi32, #tpu.memory_space<hbm>>
      %dma_start3A_347 = arith.constant 0 : i32
      %dma_start3A_348 = arith.constant 0 : i32
      %dma_start3A_349 = tpu.memref_slice %arg3[%dma_start3A_342, %add3A, %add3A_332, %dma_start3A_347, %dma_start3A_348] : memref<2x32x25x5x80xi32, #tpu.memory_space<hbm>> -> memref<1x1x1x5x80xi32, #tpu.memory_space<hbm>>
      %dma_start3A_350 = tpu.memref_squeeze %dma_start3A_349 : memref<1x1x1x5x80xi32, #tpu.memory_space<hbm>> -> memref<5x80xi32, #tpu.memory_space<hbm>>
      tpu.enqueue_dma source(%dma_start3A_350 : memref<5x80xi32, #tpu.memory_space<hbm>>) target(%arg8 : memref<5x80xi32, #tpu.memory_space<vmem>>) target_semaphore(%arg18 : memref<!tpu.dma_semaphore, #tpu.memory_space<semaphore_mem>>)
      %dma_start3A_351 = arith.constant 3 : i32
      %dma_start3A_352 = arith.constant 0 : i32
      %dma_start3A_353 = tpu.memref_slice %arg5[%dma_start3A_351, %dma_start3A_352] : memref<5x80xi32, #tpu.memory_space<vmem>> -> memref<1x80xi32, #tpu.memory_space<vmem>>
      %dma_start3A_354 = tpu.memref_squeeze %dma_start3A_353 : memref<1x80xi32, #tpu.memory_space<vmem>> -> memref<80xi32, #tpu.memory_space<vmem>>
      %dma_start3A_355 = arith.constant 0 : i32
      %dma_start3A_356 = arith.constant 0 : i32
      %dma_start3A_357 = tpu.memref_slice %arg2[%dma_start3A_355, %dma_start3A_356] : memref<10000x128xf32, #tpu.memory_space<hbm>> -> memref<10000x128xf32, #tpu.memory_space<hbm>>
      tpu.enqueue_indirect_dma source(%dma_start3A_357 : memref<10000x128xf32, #tpu.memory_space<hbm>>) target(%arg12 : memref<80x128xf32, #tpu.memory_space<vmem>>) offsets(%dma_start3A_354 : memref<80xi32, #tpu.memory_space<vmem>>) semaphore(%arg17 : memref<!tpu.dma_semaphore, #tpu.memory_space<semaphore_mem>>)
      %dma_wait3A_358 = arith.constant 0 : i32
      %dma_wait3A_359 = arith.constant 0 : i32
      %dma_wait3A_360 = tpu.memref_slice %arg5[%dma_wait3A_358, %dma_wait3A_359] : memref<5x80xi32, #tpu.memory_space<vmem>> -> memref<1x80xi32, #tpu.memory_space<vmem>>
      %dma_wait3A_361 = tpu.memref_squeeze %dma_wait3A_360 : memref<1x80xi32, #tpu.memory_space<vmem>> -> memref<80xi32, #tpu.memory_space<vmem>>
      %dma_wait3A_362 = arith.constant 0 : i32
      %dma_wait3A_363 = arith.constant 0 : i32
      %dma_wait3A_364 = tpu.memref_slice %arg2[%dma_wait3A_362, %dma_wait3A_363] : memref<10000x128xf32, #tpu.memory_space<hbm>> -> memref<10000x128xf32, #tpu.memory_space<hbm>>
      tpu.wait_indirect_dma semaphore(%arg14 : memref<!tpu.dma_semaphore, #tpu.memory_space<semaphore_mem>>) src(%dma_wait3A_364 : memref<10000x128xf32, #tpu.memory_space<hbm>>) dst(%arg9 : memref<80x128xf32, #tpu.memory_space<vmem>>)
      %run_scoped3A_365 = arith.constant 0 : i32
      "tpu.region"() ({
        %run_scoped3A_819 = tpu.sem_alloc : memref<!tpu.dma_semaphore, #tpu.memory_space<semaphore_mem>>
        %dma_start3A_820 = arith.constant 0 : i32
        %dma_start3A_821 = tpu.memref_slice %arg7[%run_scoped3A_365, %dma_start3A_820] : memref<5x80xi32, #tpu.memory_space<vmem>> -> memref<1x80xi32, #tpu.memory_space<vmem>>
        %dma_start3A_822 = tpu.memref_squeeze %dma_start3A_821 : memref<1x80xi32, #tpu.memory_space<vmem>> -> memref<80xi32, #tpu.memory_space<vmem>>
        %dma_start3A_823 = arith.constant 0 : i32
        %dma_start3A_824 = arith.constant 0 : i32
        %dma_start3A_825 = tpu.memref_slice %arg13[%dma_start3A_823, %dma_start3A_824] : memref<10000x128xf32, #tpu.memory_space<vmem_shared>> -> memref<10000x128xf32, #tpu.memory_space<vmem_shared>>
        tpu.enqueue_indirect_dma source(%arg9 : memref<80x128xf32, #tpu.memory_space<vmem>>) target(%dma_start3A_825 : memref<10000x128xf32, #tpu.memory_space<vmem_shared>>) offsets(%dma_start3A_822 : memref<80xi32, #tpu.memory_space<vmem>>) semaphore(%run_scoped3A_819 : memref<!tpu.dma_semaphore, #tpu.memory_space<semaphore_mem>>) {add = true}
        %dma_wait3A_826 = arith.constant 0 : i32
        %dma_wait3A_827 = tpu.memref_slice %arg7[%run_scoped3A_365, %dma_wait3A_826] : memref<5x80xi32, #tpu.memory_space<vmem>> -> memref<1x80xi32, #tpu.memory_space<vmem>>
        %dma_wait3A_828 = tpu.memref_squeeze %dma_wait3A_827 : memref<1x80xi32, #tpu.memory_space<vmem>> -> memref<80xi32, #tpu.memory_space<vmem>>
        %dma_wait3A_829 = arith.constant 0 : i32
        %dma_wait3A_830 = arith.constant 0 : i32
        %dma_wait3A_831 = tpu.memref_slice %arg13[%dma_wait3A_829, %dma_wait3A_830] : memref<10000x128xf32, #tpu.memory_space<vmem_shared>> -> memref<10000x128xf32, #tpu.memory_space<vmem_shared>>
        tpu.wait_indirect_dma semaphore(%run_scoped3A_819 : memref<!tpu.dma_semaphore, #tpu.memory_space<semaphore_mem>>) src(%arg9 : memref<80x128xf32, #tpu.memory_space<vmem>>) dst(%dma_wait3A_831 : memref<10000x128xf32, #tpu.memory_space<vmem_shared>>)
        tpu.yield
      }) : () -> ()
      %dma_start3A_366 = arith.constant 4 : i32
      %dma_start3A_367 = arith.constant 0 : i32
      %dma_start3A_368 = tpu.memref_slice %arg5[%dma_start3A_366, %dma_start3A_367] : memref<5x80xi32, #tpu.memory_space<vmem>> -> memref<1x80xi32, #tpu.memory_space<vmem>>
      %dma_start3A_369 = tpu.memref_squeeze %dma_start3A_368 : memref<1x80xi32, #tpu.memory_space<vmem>> -> memref<80xi32, #tpu.memory_space<vmem>>
      %dma_start3A_370 = arith.constant 0 : i32
      %dma_start3A_371 = arith.constant 0 : i32
      %dma_start3A_372 = tpu.memref_slice %arg2[%dma_start3A_370, %dma_start3A_371] : memref<10000x128xf32, #tpu.memory_space<hbm>> -> memref<10000x128xf32, #tpu.memory_space<hbm>>
      tpu.enqueue_indirect_dma source(%dma_start3A_372 : memref<10000x128xf32, #tpu.memory_space<hbm>>) target(%arg9 : memref<80x128xf32, #tpu.memory_space<vmem>>) offsets(%dma_start3A_369 : memref<80xi32, #tpu.memory_space<vmem>>) semaphore(%arg14 : memref<!tpu.dma_semaphore, #tpu.memory_space<semaphore_mem>>)
      %dma_wait3A_373 = arith.constant 1 : i32
      %dma_wait3A_374 = arith.constant 0 : i32
      %dma_wait3A_375 = tpu.memref_slice %arg5[%dma_wait3A_373, %dma_wait3A_374] : memref<5x80xi32, #tpu.memory_space<vmem>> -> memref<1x80xi32, #tpu.memory_space<vmem>>
      %dma_wait3A_376 = tpu.memref_squeeze %dma_wait3A_375 : memref<1x80xi32, #tpu.memory_space<vmem>> -> memref<80xi32, #tpu.memory_space<vmem>>
      %dma_wait3A_377 = arith.constant 0 : i32
      %dma_wait3A_378 = arith.constant 0 : i32
      %dma_wait3A_379 = tpu.memref_slice %arg2[%dma_wait3A_377, %dma_wait3A_378] : memref<10000x128xf32, #tpu.memory_space<hbm>> -> memref<10000x128xf32, #tpu.memory_space<hbm>>
      tpu.wait_indirect_dma semaphore(%arg15 : memref<!tpu.dma_semaphore, #tpu.memory_space<semaphore_mem>>) src(%dma_wait3A_379 : memref<10000x128xf32, #tpu.memory_space<hbm>>) dst(%arg10 : memref<80x128xf32, #tpu.memory_space<vmem>>)
      %run_scoped3A_380 = arith.constant 1 : i32
      "tpu.region"() ({
        %run_scoped3A_819 = tpu.sem_alloc : memref<!tpu.dma_semaphore, #tpu.memory_space<semaphore_mem>>
        %dma_start3A_820 = arith.constant 0 : i32
        %dma_start3A_821 = tpu.memref_slice %arg7[%run_scoped3A_380, %dma_start3A_820] : memref<5x80xi32, #tpu.memory_space<vmem>> -> memref<1x80xi32, #tpu.memory_space<vmem>>
        %dma_start3A_822 = tpu.memref_squeeze %dma_start3A_821 : memref<1x80xi32, #tpu.memory_space<vmem>> -> memref<80xi32, #tpu.memory_space<vmem>>
        %dma_start3A_823 = arith.constant 0 : i32
        %dma_start3A_824 = arith.constant 0 : i32
        %dma_start3A_825 = tpu.memref_slice %arg13[%dma_start3A_823, %dma_start3A_824] : memref<10000x128xf32, #tpu.memory_space<vmem_shared>> -> memref<10000x128xf32, #tpu.memory_space<vmem_shared>>
        tpu.enqueue_indirect_dma source(%arg10 : memref<80x128xf32, #tpu.memory_space<vmem>>) target(%dma_start3A_825 : memref<10000x128xf32, #tpu.memory_space<vmem_shared>>) offsets(%dma_start3A_822 : memref<80xi32, #tpu.memory_space<vmem>>) semaphore(%run_scoped3A_819 : memref<!tpu.dma_semaphore, #tpu.memory_space<semaphore_mem>>) {add = true}
        %dma_wait3A_826 = arith.constant 0 : i32
        %dma_wait3A_827 = tpu.memref_slice %arg7[%run_scoped3A_380, %dma_wait3A_826] : memref<5x80xi32, #tpu.memory_space<vmem>> -> memref<1x80xi32, #tpu.memory_space<vmem>>
        %dma_wait3A_828 = tpu.memref_squeeze %dma_wait3A_827 : memref<1x80xi32, #tpu.memory_space<vmem>> -> memref<80xi32, #tpu.memory_space<vmem>>
        %dma_wait3A_829 = arith.constant 0 : i32
        %dma_wait3A_830 = arith.constant 0 : i32
        %dma_wait3A_831 = tpu.memref_slice %arg13[%dma_wait3A_829, %dma_wait3A_830] : memref<10000x128xf32, #tpu.memory_space<vmem_shared>> -> memref<10000x128xf32, #tpu.memory_space<vmem_shared>>
        tpu.wait_indirect_dma semaphore(%run_scoped3A_819 : memref<!tpu.dma_semaphore, #tpu.memory_space<semaphore_mem>>) src(%arg10 : memref<80x128xf32, #tpu.memory_space<vmem>>) dst(%dma_wait3A_831 : memref<10000x128xf32, #tpu.memory_space<vmem_shared>>)
        tpu.yield
      }) : () -> ()
      %mul3A_381 = arith.constant 4 : i32
      %mul3A_382 = arith.muli %scan3A_326, %mul3A_381 : i32
      %add3A_383 = arith.constant 0 : i32
      %add3A_384 = arith.addi %mul3A_382, %add3A_383 : i32
      %add3A_385 = arith.constant 1 : i32
      %add3A_386 = arith.addi %add3A_384, %add3A_385 : i32
      %dma_wait3A_387 = arith.constant 1 : i32
      %dma_wait3A_388 = arith.constant 0 : i32
      %dma_wait3A_389 = arith.constant 0 : i32
      %dma_wait3A_390 = tpu.memref_slice %arg3[%dma_wait3A_387, %add3A, %add3A_386, %dma_wait3A_388, %dma_wait3A_389] : memref<2x32x25x5x80xi32, #tpu.memory_space<hbm>> -> memref<1x1x1x5x80xi32, #tpu.memory_space<hbm>>
      %dma_wait3A_391 = tpu.memref_squeeze %dma_wait3A_390 : memref<1x1x1x5x80xi32, #tpu.memory_space<hbm>> -> memref<5x80xi32, #tpu.memory_space<hbm>>
      %dma_wait3A_392 = arith.constant 0 : i32
      %dma_wait3A_393 = arith.constant 0 : i32
      %dma_wait3A_394 = tpu.memref_slice %arg3[%dma_wait3A_387, %add3A, %add3A_386, %dma_wait3A_392, %dma_wait3A_393] : memref<2x32x25x5x80xi32, #tpu.memory_space<hbm>> -> memref<1x1x1x5x80xi32, #tpu.memory_space<hbm>>
      %dma_wait3A_395 = tpu.memref_squeeze %dma_wait3A_394 : memref<1x1x1x5x80xi32, #tpu.memory_space<hbm>> -> memref<5x80xi32, #tpu.memory_space<hbm>>
      tpu.wait_dma2 semaphore(%arg18 : memref<!tpu.dma_semaphore, #tpu.memory_space<semaphore_mem>>) src(%dma_wait3A_395 : memref<5x80xi32, #tpu.memory_space<hbm>>) dst(%arg6 : memref<5x80xi32, #tpu.memory_space<vmem>>)
      %dma_wait3A_396 = arith.constant 0 : i32
      %dma_wait3A_397 = arith.constant 0 : i32
      %dma_wait3A_398 = arith.constant 0 : i32
      %dma_wait3A_399 = tpu.memref_slice %arg3[%dma_wait3A_396, %add3A, %add3A_386, %dma_wait3A_397, %dma_wait3A_398] : memref<2x32x25x5x80xi32, #tpu.memory_space<hbm>> -> memref<1x1x1x5x80xi32, #tpu.memory_space<hbm>>
      %dma_wait3A_400 = tpu.memref_squeeze %dma_wait3A_399 : memref<1x1x1x5x80xi32, #tpu.memory_space<hbm>> -> memref<5x80xi32, #tpu.memory_space<hbm>>
      %dma_wait3A_401 = arith.constant 0 : i32
      %dma_wait3A_402 = arith.constant 0 : i32
      %dma_wait3A_403 = tpu.memref_slice %arg3[%dma_wait3A_396, %add3A, %add3A_386, %dma_wait3A_401, %dma_wait3A_402] : memref<2x32x25x5x80xi32, #tpu.memory_space<hbm>> -> memref<1x1x1x5x80xi32, #tpu.memory_space<hbm>>
      %dma_wait3A_404 = tpu.memref_squeeze %dma_wait3A_403 : memref<1x1x1x5x80xi32, #tpu.memory_space<hbm>> -> memref<5x80xi32, #tpu.memory_space<hbm>>
      tpu.wait_dma2 semaphore(%arg18 : memref<!tpu.dma_semaphore, #tpu.memory_space<semaphore_mem>>) src(%dma_wait3A_404 : memref<5x80xi32, #tpu.memory_space<hbm>>) dst(%arg8 : memref<5x80xi32, #tpu.memory_space<vmem>>)
      %dma_start3A_405 = arith.constant 0 : i32
      %dma_start3A_406 = arith.constant 0 : i32
      %dma_start3A_407 = tpu.memref_slice %arg6[%dma_start3A_405, %dma_start3A_406] : memref<5x80xi32, #tpu.memory_space<vmem>> -> memref<1x80xi32, #tpu.memory_space<vmem>>
      %dma_start3A_408 = tpu.memref_squeeze %dma_start3A_407 : memref<1x80xi32, #tpu.memory_space<vmem>> -> memref<80xi32, #tpu.memory_space<vmem>>
      %dma_start3A_409 = arith.constant 0 : i32
      %dma_start3A_410 = arith.constant 0 : i32
      %dma_start3A_411 = tpu.memref_slice %arg2[%dma_start3A_409, %dma_start3A_410] : memref<10000x128xf32, #tpu.memory_space<hbm>> -> memref<10000x128xf32, #tpu.memory_space<hbm>>
      tpu.enqueue_indirect_dma source(%dma_start3A_411 : memref<10000x128xf32, #tpu.memory_space<hbm>>) target(%arg10 : memref<80x128xf32, #tpu.memory_space<vmem>>) offsets(%dma_start3A_408 : memref<80xi32, #tpu.memory_space<vmem>>) semaphore(%arg15 : memref<!tpu.dma_semaphore, #tpu.memory_space<semaphore_mem>>)
      %dma_wait3A_412 = arith.constant 2 : i32
      %dma_wait3A_413 = arith.constant 0 : i32
      %dma_wait3A_414 = tpu.memref_slice %arg5[%dma_wait3A_412, %dma_wait3A_413] : memref<5x80xi32, #tpu.memory_space<vmem>> -> memref<1x80xi32, #tpu.memory_space<vmem>>
      %dma_wait3A_415 = tpu.memref_squeeze %dma_wait3A_414 : memref<1x80xi32, #tpu.memory_space<vmem>> -> memref<80xi32, #tpu.memory_space<vmem>>
      %dma_wait3A_416 = arith.constant 0 : i32
      %dma_wait3A_417 = arith.constant 0 : i32
      %dma_wait3A_418 = tpu.memref_slice %arg2[%dma_wait3A_416, %dma_wait3A_417] : memref<10000x128xf32, #tpu.memory_space<hbm>> -> memref<10000x128xf32, #tpu.memory_space<hbm>>
      tpu.wait_indirect_dma semaphore(%arg16 : memref<!tpu.dma_semaphore, #tpu.memory_space<semaphore_mem>>) src(%dma_wait3A_418 : memref<10000x128xf32, #tpu.memory_space<hbm>>) dst(%arg11 : memref<80x128xf32, #tpu.memory_space<vmem>>)
      %run_scoped3A_419 = arith.constant 2 : i32
      "tpu.region"() ({
        %run_scoped3A_819 = tpu.sem_alloc : memref<!tpu.dma_semaphore, #tpu.memory_space<semaphore_mem>>
        %dma_start3A_820 = arith.constant 0 : i32
        %dma_start3A_821 = tpu.memref_slice %arg7[%run_scoped3A_419, %dma_start3A_820] : memref<5x80xi32, #tpu.memory_space<vmem>> -> memref<1x80xi32, #tpu.memory_space<vmem>>
        %dma_start3A_822 = tpu.memref_squeeze %dma_start3A_821 : memref<1x80xi32, #tpu.memory_space<vmem>> -> memref<80xi32, #tpu.memory_space<vmem>>
        %dma_start3A_823 = arith.constant 0 : i32
        %dma_start3A_824 = arith.constant 0 : i32
        %dma_start3A_825 = tpu.memref_slice %arg13[%dma_start3A_823, %dma_start3A_824] : memref<10000x128xf32, #tpu.memory_space<vmem_shared>> -> memref<10000x128xf32, #tpu.memory_space<vmem_shared>>
        tpu.enqueue_indirect_dma source(%arg11 : memref<80x128xf32, #tpu.memory_space<vmem>>) target(%dma_start3A_825 : memref<10000x128xf32, #tpu.memory_space<vmem_shared>>) offsets(%dma_start3A_822 : memref<80xi32, #tpu.memory_space<vmem>>) semaphore(%run_scoped3A_819 : memref<!tpu.dma_semaphore, #tpu.memory_space<semaphore_mem>>) {add = true}
        %dma_wait3A_826 = arith.constant 0 : i32
        %dma_wait3A_827 = tpu.memref_slice %arg7[%run_scoped3A_419, %dma_wait3A_826] : memref<5x80xi32, #tpu.memory_space<vmem>> -> memref<1x80xi32, #tpu.memory_space<vmem>>
        %dma_wait3A_828 = tpu.memref_squeeze %dma_wait3A_827 : memref<1x80xi32, #tpu.memory_space<vmem>> -> memref<80xi32, #tpu.memory_space<vmem>>
        %dma_wait3A_829 = arith.constant 0 : i32
        %dma_wait3A_830 = arith.constant 0 : i32
        %dma_wait3A_831 = tpu.memref_slice %arg13[%dma_wait3A_829, %dma_wait3A_830] : memref<10000x128xf32, #tpu.memory_space<vmem_shared>> -> memref<10000x128xf32, #tpu.memory_space<vmem_shared>>
        tpu.wait_indirect_dma semaphore(%run_scoped3A_819 : memref<!tpu.dma_semaphore, #tpu.memory_space<semaphore_mem>>) src(%arg11 : memref<80x128xf32, #tpu.memory_space<vmem>>) dst(%dma_wait3A_831 : memref<10000x128xf32, #tpu.memory_space<vmem_shared>>)
        tpu.yield
      }) : () -> ()
      %dma_start3A_420 = arith.constant 1 : i32
      %dma_start3A_421 = arith.constant 0 : i32
      %dma_start3A_422 = tpu.memref_slice %arg6[%dma_start3A_420, %dma_start3A_421] : memref<5x80xi32, #tpu.memory_space<vmem>> -> memref<1x80xi32, #tpu.memory_space<vmem>>
      %dma_start3A_423 = tpu.memref_squeeze %dma_start3A_422 : memref<1x80xi32, #tpu.memory_space<vmem>> -> memref<80xi32, #tpu.memory_space<vmem>>
      %dma_start3A_424 = arith.constant 0 : i32
      %dma_start3A_425 = arith.constant 0 : i32
      %dma_start3A_426 = tpu.memref_slice %arg2[%dma_start3A_424, %dma_start3A_425] : memref<10000x128xf32, #tpu.memory_space<hbm>> -> memref<10000x128xf32, #tpu.memory_space<hbm>>
      tpu.enqueue_indirect_dma source(%dma_start3A_426 : memref<10000x128xf32, #tpu.memory_space<hbm>>) target(%arg11 : memref<80x128xf32, #tpu.memory_space<vmem>>) offsets(%dma_start3A_423 : memref<80xi32, #tpu.memory_space<vmem>>) semaphore(%arg16 : memref<!tpu.dma_semaphore, #tpu.memory_space<semaphore_mem>>)
      %dma_wait3A_427 = arith.constant 3 : i32
      %dma_wait3A_428 = arith.constant 0 : i32
      %dma_wait3A_429 = tpu.memref_slice %arg5[%dma_wait3A_427, %dma_wait3A_428] : memref<5x80xi32, #tpu.memory_space<vmem>> -> memref<1x80xi32, #tpu.memory_space<vmem>>
      %dma_wait3A_430 = tpu.memref_squeeze %dma_wait3A_429 : memref<1x80xi32, #tpu.memory_space<vmem>> -> memref<80xi32, #tpu.memory_space<vmem>>
      %dma_wait3A_431 = arith.constant 0 : i32
      %dma_wait3A_432 = arith.constant 0 : i32
      %dma_wait3A_433 = tpu.memref_slice %arg2[%dma_wait3A_431, %dma_wait3A_432] : memref<10000x128xf32, #tpu.memory_space<hbm>> -> memref<10000x128xf32, #tpu.memory_space<hbm>>
      tpu.wait_indirect_dma semaphore(%arg17 : memref<!tpu.dma_semaphore, #tpu.memory_space<semaphore_mem>>) src(%dma_wait3A_433 : memref<10000x128xf32, #tpu.memory_space<hbm>>) dst(%arg12 : memref<80x128xf32, #tpu.memory_space<vmem>>)
      %run_scoped3A_434 = arith.constant 3 : i32
      "tpu.region"() ({
        %run_scoped3A_819 = tpu.sem_alloc : memref<!tpu.dma_semaphore, #tpu.memory_space<semaphore_mem>>
        %dma_start3A_820 = arith.constant 0 : i32
        %dma_start3A_821 = tpu.memref_slice %arg7[%run_scoped3A_434, %dma_start3A_820] : memref<5x80xi32, #tpu.memory_space<vmem>> -> memref<1x80xi32, #tpu.memory_space<vmem>>
        %dma_start3A_822 = tpu.memref_squeeze %dma_start3A_821 : memref<1x80xi32, #tpu.memory_space<vmem>> -> memref<80xi32, #tpu.memory_space<vmem>>
        %dma_start3A_823 = arith.constant 0 : i32
        %dma_start3A_824 = arith.constant 0 : i32
        %dma_start3A_825 = tpu.memref_slice %arg13[%dma_start3A_823, %dma_start3A_824] : memref<10000x128xf32, #tpu.memory_space<vmem_shared>> -> memref<10000x128xf32, #tpu.memory_space<vmem_shared>>
        tpu.enqueue_indirect_dma source(%arg12 : memref<80x128xf32, #tpu.memory_space<vmem>>) target(%dma_start3A_825 : memref<10000x128xf32, #tpu.memory_space<vmem_shared>>) offsets(%dma_start3A_822 : memref<80xi32, #tpu.memory_space<vmem>>) semaphore(%run_scoped3A_819 : memref<!tpu.dma_semaphore, #tpu.memory_space<semaphore_mem>>) {add = true}
        %dma_wait3A_826 = arith.constant 0 : i32
        %dma_wait3A_827 = tpu.memref_slice %arg7[%run_scoped3A_434, %dma_wait3A_826] : memref<5x80xi32, #tpu.memory_space<vmem>> -> memref<1x80xi32, #tpu.memory_space<vmem>>
        %dma_wait3A_828 = tpu.memref_squeeze %dma_wait3A_827 : memref<1x80xi32, #tpu.memory_space<vmem>> -> memref<80xi32, #tpu.memory_space<vmem>>
        %dma_wait3A_829 = arith.constant 0 : i32
        %dma_wait3A_830 = arith.constant 0 : i32
        %dma_wait3A_831 = tpu.memref_slice %arg13[%dma_wait3A_829, %dma_wait3A_830] : memref<10000x128xf32, #tpu.memory_space<vmem_shared>> -> memref<10000x128xf32, #tpu.memory_space<vmem_shared>>
        tpu.wait_indirect_dma semaphore(%run_scoped3A_819 : memref<!tpu.dma_semaphore, #tpu.memory_space<semaphore_mem>>) src(%arg12 : memref<80x128xf32, #tpu.memory_space<vmem>>) dst(%dma_wait3A_831 : memref<10000x128xf32, #tpu.memory_space<vmem_shared>>)
        tpu.yield
      }) : () -> ()
      %dma_start3A_435 = arith.constant 2 : i32
      %dma_start3A_436 = arith.constant 0 : i32
      %dma_start3A_437 = tpu.memref_slice %arg6[%dma_start3A_435, %dma_start3A_436] : memref<5x80xi32, #tpu.memory_space<vmem>> -> memref<1x80xi32, #tpu.memory_space<vmem>>
      %dma_start3A_438 = tpu.memref_squeeze %dma_start3A_437 : memref<1x80xi32, #tpu.memory_space<vmem>> -> memref<80xi32, #tpu.memory_space<vmem>>
      %dma_start3A_439 = arith.constant 0 : i32
      %dma_start3A_440 = arith.constant 0 : i32
      %dma_start3A_441 = tpu.memref_slice %arg2[%dma_start3A_439, %dma_start3A_440] : memref<10000x128xf32, #tpu.memory_space<hbm>> -> memref<10000x128xf32, #tpu.memory_space<hbm>>
      tpu.enqueue_indirect_dma source(%dma_start3A_441 : memref<10000x128xf32, #tpu.memory_space<hbm>>) target(%arg12 : memref<80x128xf32, #tpu.memory_space<vmem>>) offsets(%dma_start3A_438 : memref<80xi32, #tpu.memory_space<vmem>>) semaphore(%arg17 : memref<!tpu.dma_semaphore, #tpu.memory_space<semaphore_mem>>)
      %dma_wait3A_442 = arith.constant 4 : i32
      %dma_wait3A_443 = arith.constant 0 : i32
      %dma_wait3A_444 = tpu.memref_slice %arg5[%dma_wait3A_442, %dma_wait3A_443] : memref<5x80xi32, #tpu.memory_space<vmem>> -> memref<1x80xi32, #tpu.memory_space<vmem>>
      %dma_wait3A_445 = tpu.memref_squeeze %dma_wait3A_444 : memref<1x80xi32, #tpu.memory_space<vmem>> -> memref<80xi32, #tpu.memory_space<vmem>>
      %dma_wait3A_446 = arith.constant 0 : i32
      %dma_wait3A_447 = arith.constant 0 : i32
      %dma_wait3A_448 = tpu.memref_slice %arg2[%dma_wait3A_446, %dma_wait3A_447] : memref<10000x128xf32, #tpu.memory_space<hbm>> -> memref<10000x128xf32, #tpu.memory_space<hbm>>
      tpu.wait_indirect_dma semaphore(%arg14 : memref<!tpu.dma_semaphore, #tpu.memory_space<semaphore_mem>>) src(%dma_wait3A_448 : memref<10000x128xf32, #tpu.memory_space<hbm>>) dst(%arg9 : memref<80x128xf32, #tpu.memory_space<vmem>>)
      %run_scoped3A_449 = arith.constant 4 : i32
      "tpu.region"() ({
        %run_scoped3A_819 = tpu.sem_alloc : memref<!tpu.dma_semaphore, #tpu.memory_space<semaphore_mem>>
        %dma_start3A_820 = arith.constant 0 : i32
        %dma_start3A_821 = tpu.memref_slice %arg7[%run_scoped3A_449, %dma_start3A_820] : memref<5x80xi32, #tpu.memory_space<vmem>> -> memref<1x80xi32, #tpu.memory_space<vmem>>
        %dma_start3A_822 = tpu.memref_squeeze %dma_start3A_821 : memref<1x80xi32, #tpu.memory_space<vmem>> -> memref<80xi32, #tpu.memory_space<vmem>>
        %dma_start3A_823 = arith.constant 0 : i32
        %dma_start3A_824 = arith.constant 0 : i32
        %dma_start3A_825 = tpu.memref_slice %arg13[%dma_start3A_823, %dma_start3A_824] : memref<10000x128xf32, #tpu.memory_space<vmem_shared>> -> memref<10000x128xf32, #tpu.memory_space<vmem_shared>>
        tpu.enqueue_indirect_dma source(%arg9 : memref<80x128xf32, #tpu.memory_space<vmem>>) target(%dma_start3A_825 : memref<10000x128xf32, #tpu.memory_space<vmem_shared>>) offsets(%dma_start3A_822 : memref<80xi32, #tpu.memory_space<vmem>>) semaphore(%run_scoped3A_819 : memref<!tpu.dma_semaphore, #tpu.memory_space<semaphore_mem>>) {add = true}
        %dma_wait3A_826 = arith.constant 0 : i32
        %dma_wait3A_827 = tpu.memref_slice %arg7[%run_scoped3A_449, %dma_wait3A_826] : memref<5x80xi32, #tpu.memory_space<vmem>> -> memref<1x80xi32, #tpu.memory_space<vmem>>
        %dma_wait3A_828 = tpu.memref_squeeze %dma_wait3A_827 : memref<1x80xi32, #tpu.memory_space<vmem>> -> memref<80xi32, #tpu.memory_space<vmem>>
        %dma_wait3A_829 = arith.constant 0 : i32
        %dma_wait3A_830 = arith.constant 0 : i32
        %dma_wait3A_831 = tpu.memref_slice %arg13[%dma_wait3A_829, %dma_wait3A_830] : memref<10000x128xf32, #tpu.memory_space<vmem_shared>> -> memref<10000x128xf32, #tpu.memory_space<vmem_shared>>
        tpu.wait_indirect_dma semaphore(%run_scoped3A_819 : memref<!tpu.dma_semaphore, #tpu.memory_space<semaphore_mem>>) src(%arg9 : memref<80x128xf32, #tpu.memory_space<vmem>>) dst(%dma_wait3A_831 : memref<10000x128xf32, #tpu.memory_space<vmem_shared>>)
        tpu.yield
      }) : () -> ()
      %mul3A_450 = arith.constant 4 : i32
      %mul3A_451 = arith.muli %scan3A_326, %mul3A_450 : i32
      %add3A_452 = arith.constant 1 : i32
      %add3A_453 = arith.addi %mul3A_451, %add3A_452 : i32
      %add3A_454 = arith.constant 1 : i32
      %add3A_455 = arith.addi %add3A_453, %add3A_454 : i32
      %dma_start3A_456 = arith.constant 1 : i32
      %dma_start3A_457 = arith.constant 0 : i32
      %dma_start3A_458 = arith.constant 0 : i32
      %dma_start3A_459 = tpu.memref_slice %arg3[%dma_start3A_456, %add3A, %add3A_455, %dma_start3A_457, %dma_start3A_458] : memref<2x32x25x5x80xi32, #tpu.memory_space<hbm>> -> memref<1x1x1x5x80xi32, #tpu.memory_space<hbm>>
      %dma_start3A_460 = tpu.memref_squeeze %dma_start3A_459 : memref<1x1x1x5x80xi32, #tpu.memory_space<hbm>> -> memref<5x80xi32, #tpu.memory_space<hbm>>
      %dma_start3A_461 = arith.constant 0 : i32
      %dma_start3A_462 = arith.constant 0 : i32
      %dma_start3A_463 = tpu.memref_slice %arg3[%dma_start3A_456, %add3A, %add3A_455, %dma_start3A_461, %dma_start3A_462] : memref<2x32x25x5x80xi32, #tpu.memory_space<hbm>> -> memref<1x1x1x5x80xi32, #tpu.memory_space<hbm>>
      %dma_start3A_464 = tpu.memref_squeeze %dma_start3A_463 : memref<1x1x1x5x80xi32, #tpu.memory_space<hbm>> -> memref<5x80xi32, #tpu.memory_space<hbm>>
      tpu.enqueue_dma source(%dma_start3A_464 : memref<5x80xi32, #tpu.memory_space<hbm>>) target(%arg5 : memref<5x80xi32, #tpu.memory_space<vmem>>) target_semaphore(%arg18 : memref<!tpu.dma_semaphore, #tpu.memory_space<semaphore_mem>>)
      %dma_start3A_465 = arith.constant 0 : i32
      %dma_start3A_466 = arith.constant 0 : i32
      %dma_start3A_467 = arith.constant 0 : i32
      %dma_start3A_468 = tpu.memref_slice %arg3[%dma_start3A_465, %add3A, %add3A_455, %dma_start3A_466, %dma_start3A_467] : memref<2x32x25x5x80xi32, #tpu.memory_space<hbm>> -> memref<1x1x1x5x80xi32, #tpu.memory_space<hbm>>
      %dma_start3A_469 = tpu.memref_squeeze %dma_start3A_468 : memref<1x1x1x5x80xi32, #tpu.memory_space<hbm>> -> memref<5x80xi32, #tpu.memory_space<hbm>>
      %dma_start3A_470 = arith.constant 0 : i32
      %dma_start3A_471 = arith.constant 0 : i32
      %dma_start3A_472 = tpu.memref_slice %arg3[%dma_start3A_465, %add3A, %add3A_455, %dma_start3A_470, %dma_start3A_471] : memref<2x32x25x5x80xi32, #tpu.memory_space<hbm>> -> memref<1x1x1x5x80xi32, #tpu.memory_space<hbm>>
      %dma_start3A_473 = tpu.memref_squeeze %dma_start3A_472 : memref<1x1x1x5x80xi32, #tpu.memory_space<hbm>> -> memref<5x80xi32, #tpu.memory_space<hbm>>
      tpu.enqueue_dma source(%dma_start3A_473 : memref<5x80xi32, #tpu.memory_space<hbm>>) target(%arg7 : memref<5x80xi32, #tpu.memory_space<vmem>>) target_semaphore(%arg18 : memref<!tpu.dma_semaphore, #tpu.memory_space<semaphore_mem>>)
      %dma_start3A_474 = arith.constant 3 : i32
      %dma_start3A_475 = arith.constant 0 : i32
      %dma_start3A_476 = tpu.memref_slice %arg6[%dma_start3A_474, %dma_start3A_475] : memref<5x80xi32, #tpu.memory_space<vmem>> -> memref<1x80xi32, #tpu.memory_space<vmem>>
      %dma_start3A_477 = tpu.memref_squeeze %dma_start3A_476 : memref<1x80xi32, #tpu.memory_space<vmem>> -> memref<80xi32, #tpu.memory_space<vmem>>
      %dma_start3A_478 = arith.constant 0 : i32
      %dma_start3A_479 = arith.constant 0 : i32
      %dma_start3A_480 = tpu.memref_slice %arg2[%dma_start3A_478, %dma_start3A_479] : memref<10000x128xf32, #tpu.memory_space<hbm>> -> memref<10000x128xf32, #tpu.memory_space<hbm>>
      tpu.enqueue_indirect_dma source(%dma_start3A_480 : memref<10000x128xf32, #tpu.memory_space<hbm>>) target(%arg9 : memref<80x128xf32, #tpu.memory_space<vmem>>) offsets(%dma_start3A_477 : memref<80xi32, #tpu.memory_space<vmem>>) semaphore(%arg14 : memref<!tpu.dma_semaphore, #tpu.memory_space<semaphore_mem>>)
      %dma_wait3A_481 = arith.constant 0 : i32
      %dma_wait3A_482 = arith.constant 0 : i32
      %dma_wait3A_483 = tpu.memref_slice %arg6[%dma_wait3A_481, %dma_wait3A_482] : memref<5x80xi32, #tpu.memory_space<vmem>> -> memref<1x80xi32, #tpu.memory_space<vmem>>
      %dma_wait3A_484 = tpu.memref_squeeze %dma_wait3A_483 : memref<1x80xi32, #tpu.memory_space<vmem>> -> memref<80xi32, #tpu.memory_space<vmem>>
      %dma_wait3A_485 = arith.constant 0 : i32
      %dma_wait3A_486 = arith.constant 0 : i32
      %dma_wait3A_487 = tpu.memref_slice %arg2[%dma_wait3A_485, %dma_wait3A_486] : memref<10000x128xf32, #tpu.memory_space<hbm>> -> memref<10000x128xf32, #tpu.memory_space<hbm>>
      tpu.wait_indirect_dma semaphore(%arg15 : memref<!tpu.dma_semaphore, #tpu.memory_space<semaphore_mem>>) src(%dma_wait3A_487 : memref<10000x128xf32, #tpu.memory_space<hbm>>) dst(%arg10 : memref<80x128xf32, #tpu.memory_space<vmem>>)
      %run_scoped3A_488 = arith.constant 0 : i32
      "tpu.region"() ({
        %run_scoped3A_819 = tpu.sem_alloc : memref<!tpu.dma_semaphore, #tpu.memory_space<semaphore_mem>>
        %dma_start3A_820 = arith.constant 0 : i32
        %dma_start3A_821 = tpu.memref_slice %arg8[%run_scoped3A_488, %dma_start3A_820] : memref<5x80xi32, #tpu.memory_space<vmem>> -> memref<1x80xi32, #tpu.memory_space<vmem>>
        %dma_start3A_822 = tpu.memref_squeeze %dma_start3A_821 : memref<1x80xi32, #tpu.memory_space<vmem>> -> memref<80xi32, #tpu.memory_space<vmem>>
        %dma_start3A_823 = arith.constant 0 : i32
        %dma_start3A_824 = arith.constant 0 : i32
        %dma_start3A_825 = tpu.memref_slice %arg13[%dma_start3A_823, %dma_start3A_824] : memref<10000x128xf32, #tpu.memory_space<vmem_shared>> -> memref<10000x128xf32, #tpu.memory_space<vmem_shared>>
        tpu.enqueue_indirect_dma source(%arg10 : memref<80x128xf32, #tpu.memory_space<vmem>>) target(%dma_start3A_825 : memref<10000x128xf32, #tpu.memory_space<vmem_shared>>) offsets(%dma_start3A_822 : memref<80xi32, #tpu.memory_space<vmem>>) semaphore(%run_scoped3A_819 : memref<!tpu.dma_semaphore, #tpu.memory_space<semaphore_mem>>) {add = true}
        %dma_wait3A_826 = arith.constant 0 : i32
        %dma_wait3A_827 = tpu.memref_slice %arg8[%run_scoped3A_488, %dma_wait3A_826] : memref<5x80xi32, #tpu.memory_space<vmem>> -> memref<1x80xi32, #tpu.memory_space<vmem>>
        %dma_wait3A_828 = tpu.memref_squeeze %dma_wait3A_827 : memref<1x80xi32, #tpu.memory_space<vmem>> -> memref<80xi32, #tpu.memory_space<vmem>>
        %dma_wait3A_829 = arith.constant 0 : i32
        %dma_wait3A_830 = arith.constant 0 : i32
        %dma_wait3A_831 = tpu.memref_slice %arg13[%dma_wait3A_829, %dma_wait3A_830] : memref<10000x128xf32, #tpu.memory_space<vmem_shared>> -> memref<10000x128xf32, #tpu.memory_space<vmem_shared>>
        tpu.wait_indirect_dma semaphore(%run_scoped3A_819 : memref<!tpu.dma_semaphore, #tpu.memory_space<semaphore_mem>>) src(%arg10 : memref<80x128xf32, #tpu.memory_space<vmem>>) dst(%dma_wait3A_831 : memref<10000x128xf32, #tpu.memory_space<vmem_shared>>)
        tpu.yield
      }) : () -> ()
      %dma_start3A_489 = arith.constant 4 : i32
      %dma_start3A_490 = arith.constant 0 : i32
      %dma_start3A_491 = tpu.memref_slice %arg6[%dma_start3A_489, %dma_start3A_490] : memref<5x80xi32, #tpu.memory_space<vmem>> -> memref<1x80xi32, #tpu.memory_space<vmem>>
      %dma_start3A_492 = tpu.memref_squeeze %dma_start3A_491 : memref<1x80xi32, #tpu.memory_space<vmem>> -> memref<80xi32, #tpu.memory_space<vmem>>
      %dma_start3A_493 = arith.constant 0 : i32
      %dma_start3A_494 = arith.constant 0 : i32
      %dma_start3A_495 = tpu.memref_slice %arg2[%dma_start3A_493, %dma_start3A_494] : memref<10000x128xf32, #tpu.memory_space<hbm>> -> memref<10000x128xf32, #tpu.memory_space<hbm>>
      tpu.enqueue_indirect_dma source(%dma_start3A_495 : memref<10000x128xf32, #tpu.memory_space<hbm>>) target(%arg10 : memref<80x128xf32, #tpu.memory_space<vmem>>) offsets(%dma_start3A_492 : memref<80xi32, #tpu.memory_space<vmem>>) semaphore(%arg15 : memref<!tpu.dma_semaphore, #tpu.memory_space<semaphore_mem>>)
      %dma_wait3A_496 = arith.constant 1 : i32
      %dma_wait3A_497 = arith.constant 0 : i32
      %dma_wait3A_498 = tpu.memref_slice %arg6[%dma_wait3A_496, %dma_wait3A_497] : memref<5x80xi32, #tpu.memory_space<vmem>> -> memref<1x80xi32, #tpu.memory_space<vmem>>
      %dma_wait3A_499 = tpu.memref_squeeze %dma_wait3A_498 : memref<1x80xi32, #tpu.memory_space<vmem>> -> memref<80xi32, #tpu.memory_space<vmem>>
      %dma_wait3A_500 = arith.constant 0 : i32
      %dma_wait3A_501 = arith.constant 0 : i32
      %dma_wait3A_502 = tpu.memref_slice %arg2[%dma_wait3A_500, %dma_wait3A_501] : memref<10000x128xf32, #tpu.memory_space<hbm>> -> memref<10000x128xf32, #tpu.memory_space<hbm>>
      tpu.wait_indirect_dma semaphore(%arg16 : memref<!tpu.dma_semaphore, #tpu.memory_space<semaphore_mem>>) src(%dma_wait3A_502 : memref<10000x128xf32, #tpu.memory_space<hbm>>) dst(%arg11 : memref<80x128xf32, #tpu.memory_space<vmem>>)
      %run_scoped3A_503 = arith.constant 1 : i32
      "tpu.region"() ({
        %run_scoped3A_819 = tpu.sem_alloc : memref<!tpu.dma_semaphore, #tpu.memory_space<semaphore_mem>>
        %dma_start3A_820 = arith.constant 0 : i32
        %dma_start3A_821 = tpu.memref_slice %arg8[%run_scoped3A_503, %dma_start3A_820] : memref<5x80xi32, #tpu.memory_space<vmem>> -> memref<1x80xi32, #tpu.memory_space<vmem>>
        %dma_start3A_822 = tpu.memref_squeeze %dma_start3A_821 : memref<1x80xi32, #tpu.memory_space<vmem>> -> memref<80xi32, #tpu.memory_space<vmem>>
        %dma_start3A_823 = arith.constant 0 : i32
        %dma_start3A_824 = arith.constant 0 : i32
        %dma_start3A_825 = tpu.memref_slice %arg13[%dma_start3A_823, %dma_start3A_824] : memref<10000x128xf32, #tpu.memory_space<vmem_shared>> -> memref<10000x128xf32, #tpu.memory_space<vmem_shared>>
        tpu.enqueue_indirect_dma source(%arg11 : memref<80x128xf32, #tpu.memory_space<vmem>>) target(%dma_start3A_825 : memref<10000x128xf32, #tpu.memory_space<vmem_shared>>) offsets(%dma_start3A_822 : memref<80xi32, #tpu.memory_space<vmem>>) semaphore(%run_scoped3A_819 : memref<!tpu.dma_semaphore, #tpu.memory_space<semaphore_mem>>) {add = true}
        %dma_wait3A_826 = arith.constant 0 : i32
        %dma_wait3A_827 = tpu.memref_slice %arg8[%run_scoped3A_503, %dma_wait3A_826] : memref<5x80xi32, #tpu.memory_space<vmem>> -> memref<1x80xi32, #tpu.memory_space<vmem>>
        %dma_wait3A_828 = tpu.memref_squeeze %dma_wait3A_827 : memref<1x80xi32, #tpu.memory_space<vmem>> -> memref<80xi32, #tpu.memory_space<vmem>>
        %dma_wait3A_829 = arith.constant 0 : i32
        %dma_wait3A_830 = arith.constant 0 : i32
        %dma_wait3A_831 = tpu.memref_slice %arg13[%dma_wait3A_829, %dma_wait3A_830] : memref<10000x128xf32, #tpu.memory_space<vmem_shared>> -> memref<10000x128xf32, #tpu.memory_space<vmem_shared>>
        tpu.wait_indirect_dma semaphore(%run_scoped3A_819 : memref<!tpu.dma_semaphore, #tpu.memory_space<semaphore_mem>>) src(%arg11 : memref<80x128xf32, #tpu.memory_space<vmem>>) dst(%dma_wait3A_831 : memref<10000x128xf32, #tpu.memory_space<vmem_shared>>)
        tpu.yield
      }) : () -> ()
      %mul3A_504 = arith.constant 4 : i32
      %mul3A_505 = arith.muli %scan3A_326, %mul3A_504 : i32
      %add3A_506 = arith.constant 1 : i32
      %add3A_507 = arith.addi %mul3A_505, %add3A_506 : i32
      %add3A_508 = arith.constant 1 : i32
      %add3A_509 = arith.addi %add3A_507, %add3A_508 : i32
      %dma_wait3A_510 = arith.constant 1 : i32
      %dma_wait3A_511 = arith.constant 0 : i32
      %dma_wait3A_512 = arith.constant 0 : i32
      %dma_wait3A_513 = tpu.memref_slice %arg3[%dma_wait3A_510, %add3A, %add3A_509, %dma_wait3A_511, %dma_wait3A_512] : memref<2x32x25x5x80xi32, #tpu.memory_space<hbm>> -> memref<1x1x1x5x80xi32, #tpu.memory_space<hbm>>
      %dma_wait3A_514 = tpu.memref_squeeze %dma_wait3A_513 : memref<1x1x1x5x80xi32, #tpu.memory_space<hbm>> -> memref<5x80xi32, #tpu.memory_space<hbm>>
      %dma_wait3A_515 = arith.constant 0 : i32
      %dma_wait3A_516 = arith.constant 0 : i32
      %dma_wait3A_517 = tpu.memref_slice %arg3[%dma_wait3A_510, %add3A, %add3A_509, %dma_wait3A_515, %dma_wait3A_516] : memref<2x32x25x5x80xi32, #tpu.memory_space<hbm>> -> memref<1x1x1x5x80xi32, #tpu.memory_space<hbm>>
      %dma_wait3A_518 = tpu.memref_squeeze %dma_wait3A_517 : memref<1x1x1x5x80xi32, #tpu.memory_space<hbm>> -> memref<5x80xi32, #tpu.memory_space<hbm>>
      tpu.wait_dma2 semaphore(%arg18 : memref<!tpu.dma_semaphore, #tpu.memory_space<semaphore_mem>>) src(%dma_wait3A_518 : memref<5x80xi32, #tpu.memory_space<hbm>>) dst(%arg5 : memref<5x80xi32, #tpu.memory_space<vmem>>)
      %dma_wait3A_519 = arith.constant 0 : i32
      %dma_wait3A_520 = arith.constant 0 : i32
      %dma_wait3A_521 = arith.constant 0 : i32
      %dma_wait3A_522 = tpu.memref_slice %arg3[%dma_wait3A_519, %add3A, %add3A_509, %dma_wait3A_520, %dma_wait3A_521] : memref<2x32x25x5x80xi32, #tpu.memory_space<hbm>> -> memref<1x1x1x5x80xi32, #tpu.memory_space<hbm>>
      %dma_wait3A_523 = tpu.memref_squeeze %dma_wait3A_522 : memref<1x1x1x5x80xi32, #tpu.memory_space<hbm>> -> memref<5x80xi32, #tpu.memory_space<hbm>>
      %dma_wait3A_524 = arith.constant 0 : i32
      %dma_wait3A_525 = arith.constant 0 : i32
      %dma_wait3A_526 = tpu.memref_slice %arg3[%dma_wait3A_519, %add3A, %add3A_509, %dma_wait3A_524, %dma_wait3A_525] : memref<2x32x25x5x80xi32, #tpu.memory_space<hbm>> -> memref<1x1x1x5x80xi32, #tpu.memory_space<hbm>>
      %dma_wait3A_527 = tpu.memref_squeeze %dma_wait3A_526 : memref<1x1x1x5x80xi32, #tpu.memory_space<hbm>> -> memref<5x80xi32, #tpu.memory_space<hbm>>
      tpu.wait_dma2 semaphore(%arg18 : memref<!tpu.dma_semaphore, #tpu.memory_space<semaphore_mem>>) src(%dma_wait3A_527 : memref<5x80xi32, #tpu.memory_space<hbm>>) dst(%arg7 : memref<5x80xi32, #tpu.memory_space<vmem>>)
      %dma_start3A_528 = arith.constant 0 : i32
      %dma_start3A_529 = arith.constant 0 : i32
      %dma_start3A_530 = tpu.memref_slice %arg5[%dma_start3A_528, %dma_start3A_529] : memref<5x80xi32, #tpu.memory_space<vmem>> -> memref<1x80xi32, #tpu.memory_space<vmem>>
      %dma_start3A_531 = tpu.memref_squeeze %dma_start3A_530 : memref<1x80xi32, #tpu.memory_space<vmem>> -> memref<80xi32, #tpu.memory_space<vmem>>
      %dma_start3A_532 = arith.constant 0 : i32
      %dma_start3A_533 = arith.constant 0 : i32
      %dma_start3A_534 = tpu.memref_slice %arg2[%dma_start3A_532, %dma_start3A_533] : memref<10000x128xf32, #tpu.memory_space<hbm>> -> memref<10000x128xf32, #tpu.memory_space<hbm>>
      tpu.enqueue_indirect_dma source(%dma_start3A_534 : memref<10000x128xf32, #tpu.memory_space<hbm>>) target(%arg11 : memref<80x128xf32, #tpu.memory_space<vmem>>) offsets(%dma_start3A_531 : memref<80xi32, #tpu.memory_space<vmem>>) semaphore(%arg16 : memref<!tpu.dma_semaphore, #tpu.memory_space<semaphore_mem>>)
      %dma_wait3A_535 = arith.constant 2 : i32
      %dma_wait3A_536 = arith.constant 0 : i32
      %dma_wait3A_537 = tpu.memref_slice %arg6[%dma_wait3A_535, %dma_wait3A_536] : memref<5x80xi32, #tpu.memory_space<vmem>> -> memref<1x80xi32, #tpu.memory_space<vmem>>
      %dma_wait3A_538 = tpu.memref_squeeze %dma_wait3A_537 : memref<1x80xi32, #tpu.memory_space<vmem>> -> memref<80xi32, #tpu.memory_space<vmem>>
      %dma_wait3A_539 = arith.constant 0 : i32
      %dma_wait3A_540 = arith.constant 0 : i32
      %dma_wait3A_541 = tpu.memref_slice %arg2[%dma_wait3A_539, %dma_wait3A_540] : memref<10000x128xf32, #tpu.memory_space<hbm>> -> memref<10000x128xf32, #tpu.memory_space<hbm>>
      tpu.wait_indirect_dma semaphore(%arg17 : memref<!tpu.dma_semaphore, #tpu.memory_space<semaphore_mem>>) src(%dma_wait3A_541 : memref<10000x128xf32, #tpu.memory_space<hbm>>) dst(%arg12 : memref<80x128xf32, #tpu.memory_space<vmem>>)
      %run_scoped3A_542 = arith.constant 2 : i32
      "tpu.region"() ({
        %run_scoped3A_819 = tpu.sem_alloc : memref<!tpu.dma_semaphore, #tpu.memory_space<semaphore_mem>>
        %dma_start3A_820 = arith.constant 0 : i32
        %dma_start3A_821 = tpu.memref_slice %arg8[%run_scoped3A_542, %dma_start3A_820] : memref<5x80xi32, #tpu.memory_space<vmem>> -> memref<1x80xi32, #tpu.memory_space<vmem>>
        %dma_start3A_822 = tpu.memref_squeeze %dma_start3A_821 : memref<1x80xi32, #tpu.memory_space<vmem>> -> memref<80xi32, #tpu.memory_space<vmem>>
        %dma_start3A_823 = arith.constant 0 : i32
        %dma_start3A_824 = arith.constant 0 : i32
        %dma_start3A_825 = tpu.memref_slice %arg13[%dma_start3A_823, %dma_start3A_824] : memref<10000x128xf32, #tpu.memory_space<vmem_shared>> -> memref<10000x128xf32, #tpu.memory_space<vmem_shared>>
        tpu.enqueue_indirect_dma source(%arg12 : memref<80x128xf32, #tpu.memory_space<vmem>>) target(%dma_start3A_825 : memref<10000x128xf32, #tpu.memory_space<vmem_shared>>) offsets(%dma_start3A_822 : memref<80xi32, #tpu.memory_space<vmem>>) semaphore(%run_scoped3A_819 : memref<!tpu.dma_semaphore, #tpu.memory_space<semaphore_mem>>) {add = true}
        %dma_wait3A_826 = arith.constant 0 : i32
        %dma_wait3A_827 = tpu.memref_slice %arg8[%run_scoped3A_542, %dma_wait3A_826] : memref<5x80xi32, #tpu.memory_space<vmem>> -> memref<1x80xi32, #tpu.memory_space<vmem>>
        %dma_wait3A_828 = tpu.memref_squeeze %dma_wait3A_827 : memref<1x80xi32, #tpu.memory_space<vmem>> -> memref<80xi32, #tpu.memory_space<vmem>>
        %dma_wait3A_829 = arith.constant 0 : i32
        %dma_wait3A_830 = arith.constant 0 : i32
        %dma_wait3A_831 = tpu.memref_slice %arg13[%dma_wait3A_829, %dma_wait3A_830] : memref<10000x128xf32, #tpu.memory_space<vmem_shared>> -> memref<10000x128xf32, #tpu.memory_space<vmem_shared>>
        tpu.wait_indirect_dma semaphore(%run_scoped3A_819 : memref<!tpu.dma_semaphore, #tpu.memory_space<semaphore_mem>>) src(%arg12 : memref<80x128xf32, #tpu.memory_space<vmem>>) dst(%dma_wait3A_831 : memref<10000x128xf32, #tpu.memory_space<vmem_shared>>)
        tpu.yield
      }) : () -> ()
      %dma_start3A_543 = arith.constant 1 : i32
      %dma_start3A_544 = arith.constant 0 : i32
      %dma_start3A_545 = tpu.memref_slice %arg5[%dma_start3A_543, %dma_start3A_544] : memref<5x80xi32, #tpu.memory_space<vmem>> -> memref<1x80xi32, #tpu.memory_space<vmem>>
      %dma_start3A_546 = tpu.memref_squeeze %dma_start3A_545 : memref<1x80xi32, #tpu.memory_space<vmem>> -> memref<80xi32, #tpu.memory_space<vmem>>
      %dma_start3A_547 = arith.constant 0 : i32
      %dma_start3A_548 = arith.constant 0 : i32
      %dma_start3A_549 = tpu.memref_slice %arg2[%dma_start3A_547, %dma_start3A_548] : memref<10000x128xf32, #tpu.memory_space<hbm>> -> memref<10000x128xf32, #tpu.memory_space<hbm>>
      tpu.enqueue_indirect_dma source(%dma_start3A_549 : memref<10000x128xf32, #tpu.memory_space<hbm>>) target(%arg12 : memref<80x128xf32, #tpu.memory_space<vmem>>) offsets(%dma_start3A_546 : memref<80xi32, #tpu.memory_space<vmem>>) semaphore(%arg17 : memref<!tpu.dma_semaphore, #tpu.memory_space<semaphore_mem>>)
      %dma_wait3A_550 = arith.constant 3 : i32
      %dma_wait3A_551 = arith.constant 0 : i32
      %dma_wait3A_552 = tpu.memref_slice %arg6[%dma_wait3A_550, %dma_wait3A_551] : memref<5x80xi32, #tpu.memory_space<vmem>> -> memref<1x80xi32, #tpu.memory_space<vmem>>
      %dma_wait3A_553 = tpu.memref_squeeze %dma_wait3A_552 : memref<1x80xi32, #tpu.memory_space<vmem>> -> memref<80xi32, #tpu.memory_space<vmem>>
      %dma_wait3A_554 = arith.constant 0 : i32
      %dma_wait3A_555 = arith.constant 0 : i32
      %dma_wait3A_556 = tpu.memref_slice %arg2[%dma_wait3A_554, %dma_wait3A_555] : memref<10000x128xf32, #tpu.memory_space<hbm>> -> memref<10000x128xf32, #tpu.memory_space<hbm>>
      tpu.wait_indirect_dma semaphore(%arg14 : memref<!tpu.dma_semaphore, #tpu.memory_space<semaphore_mem>>) src(%dma_wait3A_556 : memref<10000x128xf32, #tpu.memory_space<hbm>>) dst(%arg9 : memref<80x128xf32, #tpu.memory_space<vmem>>)
      %run_scoped3A_557 = arith.constant 3 : i32
      "tpu.region"() ({
        %run_scoped3A_819 = tpu.sem_alloc : memref<!tpu.dma_semaphore, #tpu.memory_space<semaphore_mem>>
        %dma_start3A_820 = arith.constant 0 : i32
        %dma_start3A_821 = tpu.memref_slice %arg8[%run_scoped3A_557, %dma_start3A_820] : memref<5x80xi32, #tpu.memory_space<vmem>> -> memref<1x80xi32, #tpu.memory_space<vmem>>
        %dma_start3A_822 = tpu.memref_squeeze %dma_start3A_821 : memref<1x80xi32, #tpu.memory_space<vmem>> -> memref<80xi32, #tpu.memory_space<vmem>>
        %dma_start3A_823 = arith.constant 0 : i32
        %dma_start3A_824 = arith.constant 0 : i32
        %dma_start3A_825 = tpu.memref_slice %arg13[%dma_start3A_823, %dma_start3A_824] : memref<10000x128xf32, #tpu.memory_space<vmem_shared>> -> memref<10000x128xf32, #tpu.memory_space<vmem_shared>>
        tpu.enqueue_indirect_dma source(%arg9 : memref<80x128xf32, #tpu.memory_space<vmem>>) target(%dma_start3A_825 : memref<10000x128xf32, #tpu.memory_space<vmem_shared>>) offsets(%dma_start3A_822 : memref<80xi32, #tpu.memory_space<vmem>>) semaphore(%run_scoped3A_819 : memref<!tpu.dma_semaphore, #tpu.memory_space<semaphore_mem>>) {add = true}
        %dma_wait3A_826 = arith.constant 0 : i32
        %dma_wait3A_827 = tpu.memref_slice %arg8[%run_scoped3A_557, %dma_wait3A_826] : memref<5x80xi32, #tpu.memory_space<vmem>> -> memref<1x80xi32, #tpu.memory_space<vmem>>
        %dma_wait3A_828 = tpu.memref_squeeze %dma_wait3A_827 : memref<1x80xi32, #tpu.memory_space<vmem>> -> memref<80xi32, #tpu.memory_space<vmem>>
        %dma_wait3A_829 = arith.constant 0 : i32
        %dma_wait3A_830 = arith.constant 0 : i32
        %dma_wait3A_831 = tpu.memref_slice %arg13[%dma_wait3A_829, %dma_wait3A_830] : memref<10000x128xf32, #tpu.memory_space<vmem_shared>> -> memref<10000x128xf32, #tpu.memory_space<vmem_shared>>
        tpu.wait_indirect_dma semaphore(%run_scoped3A_819 : memref<!tpu.dma_semaphore, #tpu.memory_space<semaphore_mem>>) src(%arg9 : memref<80x128xf32, #tpu.memory_space<vmem>>) dst(%dma_wait3A_831 : memref<10000x128xf32, #tpu.memory_space<vmem_shared>>)
        tpu.yield
      }) : () -> ()
      %dma_start3A_558 = arith.constant 2 : i32
      %dma_start3A_559 = arith.constant 0 : i32
      %dma_start3A_560 = tpu.memref_slice %arg5[%dma_start3A_558, %dma_start3A_559] : memref<5x80xi32, #tpu.memory_space<vmem>> -> memref<1x80xi32, #tpu.memory_space<vmem>>
      %dma_start3A_561 = tpu.memref_squeeze %dma_start3A_560 : memref<1x80xi32, #tpu.memory_space<vmem>> -> memref<80xi32, #tpu.memory_space<vmem>>
      %dma_start3A_562 = arith.constant 0 : i32
      %dma_start3A_563 = arith.constant 0 : i32
      %dma_start3A_564 = tpu.memref_slice %arg2[%dma_start3A_562, %dma_start3A_563] : memref<10000x128xf32, #tpu.memory_space<hbm>> -> memref<10000x128xf32, #tpu.memory_space<hbm>>
      tpu.enqueue_indirect_dma source(%dma_start3A_564 : memref<10000x128xf32, #tpu.memory_space<hbm>>) target(%arg9 : memref<80x128xf32, #tpu.memory_space<vmem>>) offsets(%dma_start3A_561 : memref<80xi32, #tpu.memory_space<vmem>>) semaphore(%arg14 : memref<!tpu.dma_semaphore, #tpu.memory_space<semaphore_mem>>)
      %dma_wait3A_565 = arith.constant 4 : i32
      %dma_wait3A_566 = arith.constant 0 : i32
      %dma_wait3A_567 = tpu.memref_slice %arg6[%dma_wait3A_565, %dma_wait3A_566] : memref<5x80xi32, #tpu.memory_space<vmem>> -> memref<1x80xi32, #tpu.memory_space<vmem>>
      %dma_wait3A_568 = tpu.memref_squeeze %dma_wait3A_567 : memref<1x80xi32, #tpu.memory_space<vmem>> -> memref<80xi32, #tpu.memory_space<vmem>>
      %dma_wait3A_569 = arith.constant 0 : i32
      %dma_wait3A_570 = arith.constant 0 : i32
      %dma_wait3A_571 = tpu.memref_slice %arg2[%dma_wait3A_569, %dma_wait3A_570] : memref<10000x128xf32, #tpu.memory_space<hbm>> -> memref<10000x128xf32, #tpu.memory_space<hbm>>
      tpu.wait_indirect_dma semaphore(%arg15 : memref<!tpu.dma_semaphore, #tpu.memory_space<semaphore_mem>>) src(%dma_wait3A_571 : memref<10000x128xf32, #tpu.memory_space<hbm>>) dst(%arg10 : memref<80x128xf32, #tpu.memory_space<vmem>>)
      %run_scoped3A_572 = arith.constant 4 : i32
      "tpu.region"() ({
        %run_scoped3A_819 = tpu.sem_alloc : memref<!tpu.dma_semaphore, #tpu.memory_space<semaphore_mem>>
        %dma_start3A_820 = arith.constant 0 : i32
        %dma_start3A_821 = tpu.memref_slice %arg8[%run_scoped3A_572, %dma_start3A_820] : memref<5x80xi32, #tpu.memory_space<vmem>> -> memref<1x80xi32, #tpu.memory_space<vmem>>
        %dma_start3A_822 = tpu.memref_squeeze %dma_start3A_821 : memref<1x80xi32, #tpu.memory_space<vmem>> -> memref<80xi32, #tpu.memory_space<vmem>>
        %dma_start3A_823 = arith.constant 0 : i32
        %dma_start3A_824 = arith.constant 0 : i32
        %dma_start3A_825 = tpu.memref_slice %arg13[%dma_start3A_823, %dma_start3A_824] : memref<10000x128xf32, #tpu.memory_space<vmem_shared>> -> memref<10000x128xf32, #tpu.memory_space<vmem_shared>>
        tpu.enqueue_indirect_dma source(%arg10 : memref<80x128xf32, #tpu.memory_space<vmem>>) target(%dma_start3A_825 : memref<10000x128xf32, #tpu.memory_space<vmem_shared>>) offsets(%dma_start3A_822 : memref<80xi32, #tpu.memory_space<vmem>>) semaphore(%run_scoped3A_819 : memref<!tpu.dma_semaphore, #tpu.memory_space<semaphore_mem>>) {add = true}
        %dma_wait3A_826 = arith.constant 0 : i32
        %dma_wait3A_827 = tpu.memref_slice %arg8[%run_scoped3A_572, %dma_wait3A_826] : memref<5x80xi32, #tpu.memory_space<vmem>> -> memref<1x80xi32, #tpu.memory_space<vmem>>
        %dma_wait3A_828 = tpu.memref_squeeze %dma_wait3A_827 : memref<1x80xi32, #tpu.memory_space<vmem>> -> memref<80xi32, #tpu.memory_space<vmem>>
        %dma_wait3A_829 = arith.constant 0 : i32
        %dma_wait3A_830 = arith.constant 0 : i32
        %dma_wait3A_831 = tpu.memref_slice %arg13[%dma_wait3A_829, %dma_wait3A_830] : memref<10000x128xf32, #tpu.memory_space<vmem_shared>> -> memref<10000x128xf32, #tpu.memory_space<vmem_shared>>
        tpu.wait_indirect_dma semaphore(%run_scoped3A_819 : memref<!tpu.dma_semaphore, #tpu.memory_space<semaphore_mem>>) src(%arg10 : memref<80x128xf32, #tpu.memory_space<vmem>>) dst(%dma_wait3A_831 : memref<10000x128xf32, #tpu.memory_space<vmem_shared>>)
        tpu.yield
      }) : () -> ()
      %mul3A_573 = arith.constant 4 : i32
      %mul3A_574 = arith.muli %scan3A_326, %mul3A_573 : i32
      %add3A_575 = arith.constant 2 : i32
      %add3A_576 = arith.addi %mul3A_574, %add3A_575 : i32
      %add3A_577 = arith.constant 1 : i32
      %add3A_578 = arith.addi %add3A_576, %add3A_577 : i32
      %dma_start3A_579 = arith.constant 1 : i32
      %dma_start3A_580 = arith.constant 0 : i32
      %dma_start3A_581 = arith.constant 0 : i32
      %dma_start3A_582 = tpu.memref_slice %arg3[%dma_start3A_579, %add3A, %add3A_578, %dma_start3A_580, %dma_start3A_581] : memref<2x32x25x5x80xi32, #tpu.memory_space<hbm>> -> memref<1x1x1x5x80xi32, #tpu.memory_space<hbm>>
      %dma_start3A_583 = tpu.memref_squeeze %dma_start3A_582 : memref<1x1x1x5x80xi32, #tpu.memory_space<hbm>> -> memref<5x80xi32, #tpu.memory_space<hbm>>
      %dma_start3A_584 = arith.constant 0 : i32
      %dma_start3A_585 = arith.constant 0 : i32
      %dma_start3A_586 = tpu.memref_slice %arg3[%dma_start3A_579, %add3A, %add3A_578, %dma_start3A_584, %dma_start3A_585] : memref<2x32x25x5x80xi32, #tpu.memory_space<hbm>> -> memref<1x1x1x5x80xi32, #tpu.memory_space<hbm>>
      %dma_start3A_587 = tpu.memref_squeeze %dma_start3A_586 : memref<1x1x1x5x80xi32, #tpu.memory_space<hbm>> -> memref<5x80xi32, #tpu.memory_space<hbm>>
      tpu.enqueue_dma source(%dma_start3A_587 : memref<5x80xi32, #tpu.memory_space<hbm>>) target(%arg6 : memref<5x80xi32, #tpu.memory_space<vmem>>) target_semaphore(%arg18 : memref<!tpu.dma_semaphore, #tpu.memory_space<semaphore_mem>>)
      %dma_start3A_588 = arith.constant 0 : i32
      %dma_start3A_589 = arith.constant 0 : i32
      %dma_start3A_590 = arith.constant 0 : i32
      %dma_start3A_591 = tpu.memref_slice %arg3[%dma_start3A_588, %add3A, %add3A_578, %dma_start3A_589, %dma_start3A_590] : memref<2x32x25x5x80xi32, #tpu.memory_space<hbm>> -> memref<1x1x1x5x80xi32, #tpu.memory_space<hbm>>
      %dma_start3A_592 = tpu.memref_squeeze %dma_start3A_591 : memref<1x1x1x5x80xi32, #tpu.memory_space<hbm>> -> memref<5x80xi32, #tpu.memory_space<hbm>>
      %dma_start3A_593 = arith.constant 0 : i32
      %dma_start3A_594 = arith.constant 0 : i32
      %dma_start3A_595 = tpu.memref_slice %arg3[%dma_start3A_588, %add3A, %add3A_578, %dma_start3A_593, %dma_start3A_594] : memref<2x32x25x5x80xi32, #tpu.memory_space<hbm>> -> memref<1x1x1x5x80xi32, #tpu.memory_space<hbm>>
      %dma_start3A_596 = tpu.memref_squeeze %dma_start3A_595 : memref<1x1x1x5x80xi32, #tpu.memory_space<hbm>> -> memref<5x80xi32, #tpu.memory_space<hbm>>
      tpu.enqueue_dma source(%dma_start3A_596 : memref<5x80xi32, #tpu.memory_space<hbm>>) target(%arg8 : memref<5x80xi32, #tpu.memory_space<vmem>>) target_semaphore(%arg18 : memref<!tpu.dma_semaphore, #tpu.memory_space<semaphore_mem>>)
      %dma_start3A_597 = arith.constant 3 : i32
      %dma_start3A_598 = arith.constant 0 : i32
      %dma_start3A_599 = tpu.memref_slice %arg5[%dma_start3A_597, %dma_start3A_598] : memref<5x80xi32, #tpu.memory_space<vmem>> -> memref<1x80xi32, #tpu.memory_space<vmem>>
      %dma_start3A_600 = tpu.memref_squeeze %dma_start3A_599 : memref<1x80xi32, #tpu.memory_space<vmem>> -> memref<80xi32, #tpu.memory_space<vmem>>
      %dma_start3A_601 = arith.constant 0 : i32
      %dma_start3A_602 = arith.constant 0 : i32
      %dma_start3A_603 = tpu.memref_slice %arg2[%dma_start3A_601, %dma_start3A_602] : memref<10000x128xf32, #tpu.memory_space<hbm>> -> memref<10000x128xf32, #tpu.memory_space<hbm>>
      tpu.enqueue_indirect_dma source(%dma_start3A_603 : memref<10000x128xf32, #tpu.memory_space<hbm>>) target(%arg10 : memref<80x128xf32, #tpu.memory_space<vmem>>) offsets(%dma_start3A_600 : memref<80xi32, #tpu.memory_space<vmem>>) semaphore(%arg15 : memref<!tpu.dma_semaphore, #tpu.memory_space<semaphore_mem>>)
      %dma_wait3A_604 = arith.constant 0 : i32
      %dma_wait3A_605 = arith.constant 0 : i32
      %dma_wait3A_606 = tpu.memref_slice %arg5[%dma_wait3A_604, %dma_wait3A_605] : memref<5x80xi32, #tpu.memory_space<vmem>> -> memref<1x80xi32, #tpu.memory_space<vmem>>
      %dma_wait3A_607 = tpu.memref_squeeze %dma_wait3A_606 : memref<1x80xi32, #tpu.memory_space<vmem>> -> memref<80xi32, #tpu.memory_space<vmem>>
      %dma_wait3A_608 = arith.constant 0 : i32
      %dma_wait3A_609 = arith.constant 0 : i32
      %dma_wait3A_610 = tpu.memref_slice %arg2[%dma_wait3A_608, %dma_wait3A_609] : memref<10000x128xf32, #tpu.memory_space<hbm>> -> memref<10000x128xf32, #tpu.memory_space<hbm>>
      tpu.wait_indirect_dma semaphore(%arg16 : memref<!tpu.dma_semaphore, #tpu.memory_space<semaphore_mem>>) src(%dma_wait3A_610 : memref<10000x128xf32, #tpu.memory_space<hbm>>) dst(%arg11 : memref<80x128xf32, #tpu.memory_space<vmem>>)
      %run_scoped3A_611 = arith.constant 0 : i32
      "tpu.region"() ({
        %run_scoped3A_819 = tpu.sem_alloc : memref<!tpu.dma_semaphore, #tpu.memory_space<semaphore_mem>>
        %dma_start3A_820 = arith.constant 0 : i32
        %dma_start3A_821 = tpu.memref_slice %arg7[%run_scoped3A_611, %dma_start3A_820] : memref<5x80xi32, #tpu.memory_space<vmem>> -> memref<1x80xi32, #tpu.memory_space<vmem>>
        %dma_start3A_822 = tpu.memref_squeeze %dma_start3A_821 : memref<1x80xi32, #tpu.memory_space<vmem>> -> memref<80xi32, #tpu.memory_space<vmem>>
        %dma_start3A_823 = arith.constant 0 : i32
        %dma_start3A_824 = arith.constant 0 : i32
        %dma_start3A_825 = tpu.memref_slice %arg13[%dma_start3A_823, %dma_start3A_824] : memref<10000x128xf32, #tpu.memory_space<vmem_shared>> -> memref<10000x128xf32, #tpu.memory_space<vmem_shared>>
        tpu.enqueue_indirect_dma source(%arg11 : memref<80x128xf32, #tpu.memory_space<vmem>>) target(%dma_start3A_825 : memref<10000x128xf32, #tpu.memory_space<vmem_shared>>) offsets(%dma_start3A_822 : memref<80xi32, #tpu.memory_space<vmem>>) semaphore(%run_scoped3A_819 : memref<!tpu.dma_semaphore, #tpu.memory_space<semaphore_mem>>) {add = true}
        %dma_wait3A_826 = arith.constant 0 : i32
        %dma_wait3A_827 = tpu.memref_slice %arg7[%run_scoped3A_611, %dma_wait3A_826] : memref<5x80xi32, #tpu.memory_space<vmem>> -> memref<1x80xi32, #tpu.memory_space<vmem>>
        %dma_wait3A_828 = tpu.memref_squeeze %dma_wait3A_827 : memref<1x80xi32, #tpu.memory_space<vmem>> -> memref<80xi32, #tpu.memory_space<vmem>>
        %dma_wait3A_829 = arith.constant 0 : i32
        %dma_wait3A_830 = arith.constant 0 : i32
        %dma_wait3A_831 = tpu.memref_slice %arg13[%dma_wait3A_829, %dma_wait3A_830] : memref<10000x128xf32, #tpu.memory_space<vmem_shared>> -> memref<10000x128xf32, #tpu.memory_space<vmem_shared>>
        tpu.wait_indirect_dma semaphore(%run_scoped3A_819 : memref<!tpu.dma_semaphore, #tpu.memory_space<semaphore_mem>>) src(%arg11 : memref<80x128xf32, #tpu.memory_space<vmem>>) dst(%dma_wait3A_831 : memref<10000x128xf32, #tpu.memory_space<vmem_shared>>)
        tpu.yield
      }) : () -> ()
      %dma_start3A_612 = arith.constant 4 : i32
      %dma_start3A_613 = arith.constant 0 : i32
      %dma_start3A_614 = tpu.memref_slice %arg5[%dma_start3A_612, %dma_start3A_613] : memref<5x80xi32, #tpu.memory_space<vmem>> -> memref<1x80xi32, #tpu.memory_space<vmem>>
      %dma_start3A_615 = tpu.memref_squeeze %dma_start3A_614 : memref<1x80xi32, #tpu.memory_space<vmem>> -> memref<80xi32, #tpu.memory_space<vmem>>
      %dma_start3A_616 = arith.constant 0 : i32
      %dma_start3A_617 = arith.constant 0 : i32
      %dma_start3A_618 = tpu.memref_slice %arg2[%dma_start3A_616, %dma_start3A_617] : memref<10000x128xf32, #tpu.memory_space<hbm>> -> memref<10000x128xf32, #tpu.memory_space<hbm>>
      tpu.enqueue_indirect_dma source(%dma_start3A_618 : memref<10000x128xf32, #tpu.memory_space<hbm>>) target(%arg11 : memref<80x128xf32, #tpu.memory_space<vmem>>) offsets(%dma_start3A_615 : memref<80xi32, #tpu.memory_space<vmem>>) semaphore(%arg16 : memref<!tpu.dma_semaphore, #tpu.memory_space<semaphore_mem>>)
      %dma_wait3A_619 = arith.constant 1 : i32
      %dma_wait3A_620 = arith.constant 0 : i32
      %dma_wait3A_621 = tpu.memref_slice %arg5[%dma_wait3A_619, %dma_wait3A_620] : memref<5x80xi32, #tpu.memory_space<vmem>> -> memref<1x80xi32, #tpu.memory_space<vmem>>
      %dma_wait3A_622 = tpu.memref_squeeze %dma_wait3A_621 : memref<1x80xi32, #tpu.memory_space<vmem>> -> memref<80xi32, #tpu.memory_space<vmem>>
      %dma_wait3A_623 = arith.constant 0 : i32
      %dma_wait3A_624 = arith.constant 0 : i32
      %dma_wait3A_625 = tpu.memref_slice %arg2[%dma_wait3A_623, %dma_wait3A_624] : memref<10000x128xf32, #tpu.memory_space<hbm>> -> memref<10000x128xf32, #tpu.memory_space<hbm>>
      tpu.wait_indirect_dma semaphore(%arg17 : memref<!tpu.dma_semaphore, #tpu.memory_space<semaphore_mem>>) src(%dma_wait3A_625 : memref<10000x128xf32, #tpu.memory_space<hbm>>) dst(%arg12 : memref<80x128xf32, #tpu.memory_space<vmem>>)
      %run_scoped3A_626 = arith.constant 1 : i32
      "tpu.region"() ({
        %run_scoped3A_819 = tpu.sem_alloc : memref<!tpu.dma_semaphore, #tpu.memory_space<semaphore_mem>>
        %dma_start3A_820 = arith.constant 0 : i32
        %dma_start3A_821 = tpu.memref_slice %arg7[%run_scoped3A_626, %dma_start3A_820] : memref<5x80xi32, #tpu.memory_space<vmem>> -> memref<1x80xi32, #tpu.memory_space<vmem>>
        %dma_start3A_822 = tpu.memref_squeeze %dma_start3A_821 : memref<1x80xi32, #tpu.memory_space<vmem>> -> memref<80xi32, #tpu.memory_space<vmem>>
        %dma_start3A_823 = arith.constant 0 : i32
        %dma_start3A_824 = arith.constant 0 : i32
        %dma_start3A_825 = tpu.memref_slice %arg13[%dma_start3A_823, %dma_start3A_824] : memref<10000x128xf32, #tpu.memory_space<vmem_shared>> -> memref<10000x128xf32, #tpu.memory_space<vmem_shared>>
        tpu.enqueue_indirect_dma source(%arg12 : memref<80x128xf32, #tpu.memory_space<vmem>>) target(%dma_start3A_825 : memref<10000x128xf32, #tpu.memory_space<vmem_shared>>) offsets(%dma_start3A_822 : memref<80xi32, #tpu.memory_space<vmem>>) semaphore(%run_scoped3A_819 : memref<!tpu.dma_semaphore, #tpu.memory_space<semaphore_mem>>) {add = true}
        %dma_wait3A_826 = arith.constant 0 : i32
        %dma_wait3A_827 = tpu.memref_slice %arg7[%run_scoped3A_626, %dma_wait3A_826] : memref<5x80xi32, #tpu.memory_space<vmem>> -> memref<1x80xi32, #tpu.memory_space<vmem>>
        %dma_wait3A_828 = tpu.memref_squeeze %dma_wait3A_827 : memref<1x80xi32, #tpu.memory_space<vmem>> -> memref<80xi32, #tpu.memory_space<vmem>>
        %dma_wait3A_829 = arith.constant 0 : i32
        %dma_wait3A_830 = arith.constant 0 : i32
        %dma_wait3A_831 = tpu.memref_slice %arg13[%dma_wait3A_829, %dma_wait3A_830] : memref<10000x128xf32, #tpu.memory_space<vmem_shared>> -> memref<10000x128xf32, #tpu.memory_space<vmem_shared>>
        tpu.wait_indirect_dma semaphore(%run_scoped3A_819 : memref<!tpu.dma_semaphore, #tpu.memory_space<semaphore_mem>>) src(%arg12 : memref<80x128xf32, #tpu.memory_space<vmem>>) dst(%dma_wait3A_831 : memref<10000x128xf32, #tpu.memory_space<vmem_shared>>)
        tpu.yield
      }) : () -> ()
      %mul3A_627 = arith.constant 4 : i32
      %mul3A_628 = arith.muli %scan3A_326, %mul3A_627 : i32
      %add3A_629 = arith.constant 2 : i32
      %add3A_630 = arith.addi %mul3A_628, %add3A_629 : i32
      %add3A_631 = arith.constant 1 : i32
      %add3A_632 = arith.addi %add3A_630, %add3A_631 : i32
      %dma_wait3A_633 = arith.constant 1 : i32
      %dma_wait3A_634 = arith.constant 0 : i32
      %dma_wait3A_635 = arith.constant 0 : i32
      %dma_wait3A_636 = tpu.memref_slice %arg3[%dma_wait3A_633, %add3A, %add3A_632, %dma_wait3A_634, %dma_wait3A_635] : memref<2x32x25x5x80xi32, #tpu.memory_space<hbm>> -> memref<1x1x1x5x80xi32, #tpu.memory_space<hbm>>
      %dma_wait3A_637 = tpu.memref_squeeze %dma_wait3A_636 : memref<1x1x1x5x80xi32, #tpu.memory_space<hbm>> -> memref<5x80xi32, #tpu.memory_space<hbm>>
      %dma_wait3A_638 = arith.constant 0 : i32
      %dma_wait3A_639 = arith.constant 0 : i32
      %dma_wait3A_640 = tpu.memref_slice %arg3[%dma_wait3A_633, %add3A, %add3A_632, %dma_wait3A_638, %dma_wait3A_639] : memref<2x32x25x5x80xi32, #tpu.memory_space<hbm>> -> memref<1x1x1x5x80xi32, #tpu.memory_space<hbm>>
      %dma_wait3A_641 = tpu.memref_squeeze %dma_wait3A_640 : memref<1x1x1x5x80xi32, #tpu.memory_space<hbm>> -> memref<5x80xi32, #tpu.memory_space<hbm>>
      tpu.wait_dma2 semaphore(%arg18 : memref<!tpu.dma_semaphore, #tpu.memory_space<semaphore_mem>>) src(%dma_wait3A_641 : memref<5x80xi32, #tpu.memory_space<hbm>>) dst(%arg6 : memref<5x80xi32, #tpu.memory_space<vmem>>)
      %dma_wait3A_642 = arith.constant 0 : i32
      %dma_wait3A_643 = arith.constant 0 : i32
      %dma_wait3A_644 = arith.constant 0 : i32
      %dma_wait3A_645 = tpu.memref_slice %arg3[%dma_wait3A_642, %add3A, %add3A_632, %dma_wait3A_643, %dma_wait3A_644] : memref<2x32x25x5x80xi32, #tpu.memory_space<hbm>> -> memref<1x1x1x5x80xi32, #tpu.memory_space<hbm>>
      %dma_wait3A_646 = tpu.memref_squeeze %dma_wait3A_645 : memref<1x1x1x5x80xi32, #tpu.memory_space<hbm>> -> memref<5x80xi32, #tpu.memory_space<hbm>>
      %dma_wait3A_647 = arith.constant 0 : i32
      %dma_wait3A_648 = arith.constant 0 : i32
      %dma_wait3A_649 = tpu.memref_slice %arg3[%dma_wait3A_642, %add3A, %add3A_632, %dma_wait3A_647, %dma_wait3A_648] : memref<2x32x25x5x80xi32, #tpu.memory_space<hbm>> -> memref<1x1x1x5x80xi32, #tpu.memory_space<hbm>>
      %dma_wait3A_650 = tpu.memref_squeeze %dma_wait3A_649 : memref<1x1x1x5x80xi32, #tpu.memory_space<hbm>> -> memref<5x80xi32, #tpu.memory_space<hbm>>
      tpu.wait_dma2 semaphore(%arg18 : memref<!tpu.dma_semaphore, #tpu.memory_space<semaphore_mem>>) src(%dma_wait3A_650 : memref<5x80xi32, #tpu.memory_space<hbm>>) dst(%arg8 : memref<5x80xi32, #tpu.memory_space<vmem>>)
      %dma_start3A_651 = arith.constant 0 : i32
      %dma_start3A_652 = arith.constant 0 : i32
      %dma_start3A_653 = tpu.memref_slice %arg6[%dma_start3A_651, %dma_start3A_652] : memref<5x80xi32, #tpu.memory_space<vmem>> -> memref<1x80xi32, #tpu.memory_space<vmem>>
      %dma_start3A_654 = tpu.memref_squeeze %dma_start3A_653 : memref<1x80xi32, #tpu.memory_space<vmem>> -> memref<80xi32, #tpu.memory_space<vmem>>
      %dma_start3A_655 = arith.constant 0 : i32
      %dma_start3A_656 = arith.constant 0 : i32
      %dma_start3A_657 = tpu.memref_slice %arg2[%dma_start3A_655, %dma_start3A_656] : memref<10000x128xf32, #tpu.memory_space<hbm>> -> memref<10000x128xf32, #tpu.memory_space<hbm>>
      tpu.enqueue_indirect_dma source(%dma_start3A_657 : memref<10000x128xf32, #tpu.memory_space<hbm>>) target(%arg12 : memref<80x128xf32, #tpu.memory_space<vmem>>) offsets(%dma_start3A_654 : memref<80xi32, #tpu.memory_space<vmem>>) semaphore(%arg17 : memref<!tpu.dma_semaphore, #tpu.memory_space<semaphore_mem>>)
      %dma_wait3A_658 = arith.constant 2 : i32
      %dma_wait3A_659 = arith.constant 0 : i32
      %dma_wait3A_660 = tpu.memref_slice %arg5[%dma_wait3A_658, %dma_wait3A_659] : memref<5x80xi32, #tpu.memory_space<vmem>> -> memref<1x80xi32, #tpu.memory_space<vmem>>
      %dma_wait3A_661 = tpu.memref_squeeze %dma_wait3A_660 : memref<1x80xi32, #tpu.memory_space<vmem>> -> memref<80xi32, #tpu.memory_space<vmem>>
      %dma_wait3A_662 = arith.constant 0 : i32
      %dma_wait3A_663 = arith.constant 0 : i32
      %dma_wait3A_664 = tpu.memref_slice %arg2[%dma_wait3A_662, %dma_wait3A_663] : memref<10000x128xf32, #tpu.memory_space<hbm>> -> memref<10000x128xf32, #tpu.memory_space<hbm>>
      tpu.wait_indirect_dma semaphore(%arg14 : memref<!tpu.dma_semaphore, #tpu.memory_space<semaphore_mem>>) src(%dma_wait3A_664 : memref<10000x128xf32, #tpu.memory_space<hbm>>) dst(%arg9 : memref<80x128xf32, #tpu.memory_space<vmem>>)
      %run_scoped3A_665 = arith.constant 2 : i32
      "tpu.region"() ({
        %run_scoped3A_819 = tpu.sem_alloc : memref<!tpu.dma_semaphore, #tpu.memory_space<semaphore_mem>>
        %dma_start3A_820 = arith.constant 0 : i32
        %dma_start3A_821 = tpu.memref_slice %arg7[%run_scoped3A_665, %dma_start3A_820] : memref<5x80xi32, #tpu.memory_space<vmem>> -> memref<1x80xi32, #tpu.memory_space<vmem>>
        %dma_start3A_822 = tpu.memref_squeeze %dma_start3A_821 : memref<1x80xi32, #tpu.memory_space<vmem>> -> memref<80xi32, #tpu.memory_space<vmem>>
        %dma_start3A_823 = arith.constant 0 : i32
        %dma_start3A_824 = arith.constant 0 : i32
        %dma_start3A_825 = tpu.memref_slice %arg13[%dma_start3A_823, %dma_start3A_824] : memref<10000x128xf32, #tpu.memory_space<vmem_shared>> -> memref<10000x128xf32, #tpu.memory_space<vmem_shared>>
        tpu.enqueue_indirect_dma source(%arg9 : memref<80x128xf32, #tpu.memory_space<vmem>>) target(%dma_start3A_825 : memref<10000x128xf32, #tpu.memory_space<vmem_shared>>) offsets(%dma_start3A_822 : memref<80xi32, #tpu.memory_space<vmem>>) semaphore(%run_scoped3A_819 : memref<!tpu.dma_semaphore, #tpu.memory_space<semaphore_mem>>) {add = true}
        %dma_wait3A_826 = arith.constant 0 : i32
        %dma_wait3A_827 = tpu.memref_slice %arg7[%run_scoped3A_665, %dma_wait3A_826] : memref<5x80xi32, #tpu.memory_space<vmem>> -> memref<1x80xi32, #tpu.memory_space<vmem>>
        %dma_wait3A_828 = tpu.memref_squeeze %dma_wait3A_827 : memref<1x80xi32, #tpu.memory_space<vmem>> -> memref<80xi32, #tpu.memory_space<vmem>>
        %dma_wait3A_829 = arith.constant 0 : i32
        %dma_wait3A_830 = arith.constant 0 : i32
        %dma_wait3A_831 = tpu.memref_slice %arg13[%dma_wait3A_829, %dma_wait3A_830] : memref<10000x128xf32, #tpu.memory_space<vmem_shared>> -> memref<10000x128xf32, #tpu.memory_space<vmem_shared>>
        tpu.wait_indirect_dma semaphore(%run_scoped3A_819 : memref<!tpu.dma_semaphore, #tpu.memory_space<semaphore_mem>>) src(%arg9 : memref<80x128xf32, #tpu.memory_space<vmem>>) dst(%dma_wait3A_831 : memref<10000x128xf32, #tpu.memory_space<vmem_shared>>)
        tpu.yield
      }) : () -> ()
      %dma_start3A_666 = arith.constant 1 : i32
      %dma_start3A_667 = arith.constant 0 : i32
      %dma_start3A_668 = tpu.memref_slice %arg6[%dma_start3A_666, %dma_start3A_667] : memref<5x80xi32, #tpu.memory_space<vmem>> -> memref<1x80xi32, #tpu.memory_space<vmem>>
      %dma_start3A_669 = tpu.memref_squeeze %dma_start3A_668 : memref<1x80xi32, #tpu.memory_space<vmem>> -> memref<80xi32, #tpu.memory_space<vmem>>
      %dma_start3A_670 = arith.constant 0 : i32
      %dma_start3A_671 = arith.constant 0 : i32
      %dma_start3A_672 = tpu.memref_slice %arg2[%dma_start3A_670, %dma_start3A_671] : memref<10000x128xf32, #tpu.memory_space<hbm>> -> memref<10000x128xf32, #tpu.memory_space<hbm>>
      tpu.enqueue_indirect_dma source(%dma_start3A_672 : memref<10000x128xf32, #tpu.memory_space<hbm>>) target(%arg9 : memref<80x128xf32, #tpu.memory_space<vmem>>) offsets(%dma_start3A_669 : memref<80xi32, #tpu.memory_space<vmem>>) semaphore(%arg14 : memref<!tpu.dma_semaphore, #tpu.memory_space<semaphore_mem>>)
      %dma_wait3A_673 = arith.constant 3 : i32
      %dma_wait3A_674 = arith.constant 0 : i32
      %dma_wait3A_675 = tpu.memref_slice %arg5[%dma_wait3A_673, %dma_wait3A_674] : memref<5x80xi32, #tpu.memory_space<vmem>> -> memref<1x80xi32, #tpu.memory_space<vmem>>
      %dma_wait3A_676 = tpu.memref_squeeze %dma_wait3A_675 : memref<1x80xi32, #tpu.memory_space<vmem>> -> memref<80xi32, #tpu.memory_space<vmem>>
      %dma_wait3A_677 = arith.constant 0 : i32
      %dma_wait3A_678 = arith.constant 0 : i32
      %dma_wait3A_679 = tpu.memref_slice %arg2[%dma_wait3A_677, %dma_wait3A_678] : memref<10000x128xf32, #tpu.memory_space<hbm>> -> memref<10000x128xf32, #tpu.memory_space<hbm>>
      tpu.wait_indirect_dma semaphore(%arg15 : memref<!tpu.dma_semaphore, #tpu.memory_space<semaphore_mem>>) src(%dma_wait3A_679 : memref<10000x128xf32, #tpu.memory_space<hbm>>) dst(%arg10 : memref<80x128xf32, #tpu.memory_space<vmem>>)
      %run_scoped3A_680 = arith.constant 3 : i32
      "tpu.region"() ({
        %run_scoped3A_819 = tpu.sem_alloc : memref<!tpu.dma_semaphore, #tpu.memory_space<semaphore_mem>>
        %dma_start3A_820 = arith.constant 0 : i32
        %dma_start3A_821 = tpu.memref_slice %arg7[%run_scoped3A_680, %dma_start3A_820] : memref<5x80xi32, #tpu.memory_space<vmem>> -> memref<1x80xi32, #tpu.memory_space<vmem>>
        %dma_start3A_822 = tpu.memref_squeeze %dma_start3A_821 : memref<1x80xi32, #tpu.memory_space<vmem>> -> memref<80xi32, #tpu.memory_space<vmem>>
        %dma_start3A_823 = arith.constant 0 : i32
        %dma_start3A_824 = arith.constant 0 : i32
        %dma_start3A_825 = tpu.memref_slice %arg13[%dma_start3A_823, %dma_start3A_824] : memref<10000x128xf32, #tpu.memory_space<vmem_shared>> -> memref<10000x128xf32, #tpu.memory_space<vmem_shared>>
        tpu.enqueue_indirect_dma source(%arg10 : memref<80x128xf32, #tpu.memory_space<vmem>>) target(%dma_start3A_825 : memref<10000x128xf32, #tpu.memory_space<vmem_shared>>) offsets(%dma_start3A_822 : memref<80xi32, #tpu.memory_space<vmem>>) semaphore(%run_scoped3A_819 : memref<!tpu.dma_semaphore, #tpu.memory_space<semaphore_mem>>) {add = true}
        %dma_wait3A_826 = arith.constant 0 : i32
        %dma_wait3A_827 = tpu.memref_slice %arg7[%run_scoped3A_680, %dma_wait3A_826] : memref<5x80xi32, #tpu.memory_space<vmem>> -> memref<1x80xi32, #tpu.memory_space<vmem>>
        %dma_wait3A_828 = tpu.memref_squeeze %dma_wait3A_827 : memref<1x80xi32, #tpu.memory_space<vmem>> -> memref<80xi32, #tpu.memory_space<vmem>>
        %dma_wait3A_829 = arith.constant 0 : i32
        %dma_wait3A_830 = arith.constant 0 : i32
        %dma_wait3A_831 = tpu.memref_slice %arg13[%dma_wait3A_829, %dma_wait3A_830] : memref<10000x128xf32, #tpu.memory_space<vmem_shared>> -> memref<10000x128xf32, #tpu.memory_space<vmem_shared>>
        tpu.wait_indirect_dma semaphore(%run_scoped3A_819 : memref<!tpu.dma_semaphore, #tpu.memory_space<semaphore_mem>>) src(%arg10 : memref<80x128xf32, #tpu.memory_space<vmem>>) dst(%dma_wait3A_831 : memref<10000x128xf32, #tpu.memory_space<vmem_shared>>)
        tpu.yield
      }) : () -> ()
      %dma_start3A_681 = arith.constant 2 : i32
      %dma_start3A_682 = arith.constant 0 : i32
      %dma_start3A_683 = tpu.memref_slice %arg6[%dma_start3A_681, %dma_start3A_682] : memref<5x80xi32, #tpu.memory_space<vmem>> -> memref<1x80xi32, #tpu.memory_space<vmem>>
      %dma_start3A_684 = tpu.memref_squeeze %dma_start3A_683 : memref<1x80xi32, #tpu.memory_space<vmem>> -> memref<80xi32, #tpu.memory_space<vmem>>
      %dma_start3A_685 = arith.constant 0 : i32
      %dma_start3A_686 = arith.constant 0 : i32
      %dma_start3A_687 = tpu.memref_slice %arg2[%dma_start3A_685, %dma_start3A_686] : memref<10000x128xf32, #tpu.memory_space<hbm>> -> memref<10000x128xf32, #tpu.memory_space<hbm>>
      tpu.enqueue_indirect_dma source(%dma_start3A_687 : memref<10000x128xf32, #tpu.memory_space<hbm>>) target(%arg10 : memref<80x128xf32, #tpu.memory_space<vmem>>) offsets(%dma_start3A_684 : memref<80xi32, #tpu.memory_space<vmem>>) semaphore(%arg15 : memref<!tpu.dma_semaphore, #tpu.memory_space<semaphore_mem>>)
      %dma_wait3A_688 = arith.constant 4 : i32
      %dma_wait3A_689 = arith.constant 0 : i32
      %dma_wait3A_690 = tpu.memref_slice %arg5[%dma_wait3A_688, %dma_wait3A_689] : memref<5x80xi32, #tpu.memory_space<vmem>> -> memref<1x80xi32, #tpu.memory_space<vmem>>
      %dma_wait3A_691 = tpu.memref_squeeze %dma_wait3A_690 : memref<1x80xi32, #tpu.memory_space<vmem>> -> memref<80xi32, #tpu.memory_space<vmem>>
      %dma_wait3A_692 = arith.constant 0 : i32
      %dma_wait3A_693 = arith.constant 0 : i32
      %dma_wait3A_694 = tpu.memref_slice %arg2[%dma_wait3A_692, %dma_wait3A_693] : memref<10000x128xf32, #tpu.memory_space<hbm>> -> memref<10000x128xf32, #tpu.memory_space<hbm>>
      tpu.wait_indirect_dma semaphore(%arg16 : memref<!tpu.dma_semaphore, #tpu.memory_space<semaphore_mem>>) src(%dma_wait3A_694 : memref<10000x128xf32, #tpu.memory_space<hbm>>) dst(%arg11 : memref<80x128xf32, #tpu.memory_space<vmem>>)
      %run_scoped3A_695 = arith.constant 4 : i32
      "tpu.region"() ({
        %run_scoped3A_819 = tpu.sem_alloc : memref<!tpu.dma_semaphore, #tpu.memory_space<semaphore_mem>>
        %dma_start3A_820 = arith.constant 0 : i32
        %dma_start3A_821 = tpu.memref_slice %arg7[%run_scoped3A_695, %dma_start3A_820] : memref<5x80xi32, #tpu.memory_space<vmem>> -> memref<1x80xi32, #tpu.memory_space<vmem>>
        %dma_start3A_822 = tpu.memref_squeeze %dma_start3A_821 : memref<1x80xi32, #tpu.memory_space<vmem>> -> memref<80xi32, #tpu.memory_space<vmem>>
        %dma_start3A_823 = arith.constant 0 : i32
        %dma_start3A_824 = arith.constant 0 : i32
        %dma_start3A_825 = tpu.memref_slice %arg13[%dma_start3A_823, %dma_start3A_824] : memref<10000x128xf32, #tpu.memory_space<vmem_shared>> -> memref<10000x128xf32, #tpu.memory_space<vmem_shared>>
        tpu.enqueue_indirect_dma source(%arg11 : memref<80x128xf32, #tpu.memory_space<vmem>>) target(%dma_start3A_825 : memref<10000x128xf32, #tpu.memory_space<vmem_shared>>) offsets(%dma_start3A_822 : memref<80xi32, #tpu.memory_space<vmem>>) semaphore(%run_scoped3A_819 : memref<!tpu.dma_semaphore, #tpu.memory_space<semaphore_mem>>) {add = true}
        %dma_wait3A_826 = arith.constant 0 : i32
        %dma_wait3A_827 = tpu.memref_slice %arg7[%run_scoped3A_695, %dma_wait3A_826] : memref<5x80xi32, #tpu.memory_space<vmem>> -> memref<1x80xi32, #tpu.memory_space<vmem>>
        %dma_wait3A_828 = tpu.memref_squeeze %dma_wait3A_827 : memref<1x80xi32, #tpu.memory_space<vmem>> -> memref<80xi32, #tpu.memory_space<vmem>>
        %dma_wait3A_829 = arith.constant 0 : i32
        %dma_wait3A_830 = arith.constant 0 : i32
        %dma_wait3A_831 = tpu.memref_slice %arg13[%dma_wait3A_829, %dma_wait3A_830] : memref<10000x128xf32, #tpu.memory_space<vmem_shared>> -> memref<10000x128xf32, #tpu.memory_space<vmem_shared>>
        tpu.wait_indirect_dma semaphore(%run_scoped3A_819 : memref<!tpu.dma_semaphore, #tpu.memory_space<semaphore_mem>>) src(%arg11 : memref<80x128xf32, #tpu.memory_space<vmem>>) dst(%dma_wait3A_831 : memref<10000x128xf32, #tpu.memory_space<vmem_shared>>)
        tpu.yield
      }) : () -> ()
      %mul3A_696 = arith.constant 4 : i32
      %mul3A_697 = arith.muli %scan3A_326, %mul3A_696 : i32
      %add3A_698 = arith.constant 3 : i32
      %add3A_699 = arith.addi %mul3A_697, %add3A_698 : i32
      %add3A_700 = arith.constant 1 : i32
      %add3A_701 = arith.addi %add3A_699, %add3A_700 : i32
      %dma_start3A_702 = arith.constant 1 : i32
      %dma_start3A_703 = arith.constant 0 : i32
      %dma_start3A_704 = arith.constant 0 : i32
      %dma_start3A_705 = tpu.memref_slice %arg3[%dma_start3A_702, %add3A, %add3A_701, %dma_start3A_703, %dma_start3A_704] : memref<2x32x25x5x80xi32, #tpu.memory_space<hbm>> -> memref<1x1x1x5x80xi32, #tpu.memory_space<hbm>>
      %dma_start3A_706 = tpu.memref_squeeze %dma_start3A_705 : memref<1x1x1x5x80xi32, #tpu.memory_space<hbm>> -> memref<5x80xi32, #tpu.memory_space<hbm>>
      %dma_start3A_707 = arith.constant 0 : i32
      %dma_start3A_708 = arith.constant 0 : i32
      %dma_start3A_709 = tpu.memref_slice %arg3[%dma_start3A_702, %add3A, %add3A_701, %dma_start3A_707, %dma_start3A_708] : memref<2x32x25x5x80xi32, #tpu.memory_space<hbm>> -> memref<1x1x1x5x80xi32, #tpu.memory_space<hbm>>
      %dma_start3A_710 = tpu.memref_squeeze %dma_start3A_709 : memref<1x1x1x5x80xi32, #tpu.memory_space<hbm>> -> memref<5x80xi32, #tpu.memory_space<hbm>>
      tpu.enqueue_dma source(%dma_start3A_710 : memref<5x80xi32, #tpu.memory_space<hbm>>) target(%arg5 : memref<5x80xi32, #tpu.memory_space<vmem>>) target_semaphore(%arg18 : memref<!tpu.dma_semaphore, #tpu.memory_space<semaphore_mem>>)
      %dma_start3A_711 = arith.constant 0 : i32
      %dma_start3A_712 = arith.constant 0 : i32
      %dma_start3A_713 = arith.constant 0 : i32
      %dma_start3A_714 = tpu.memref_slice %arg3[%dma_start3A_711, %add3A, %add3A_701, %dma_start3A_712, %dma_start3A_713] : memref<2x32x25x5x80xi32, #tpu.memory_space<hbm>> -> memref<1x1x1x5x80xi32, #tpu.memory_space<hbm>>
      %dma_start3A_715 = tpu.memref_squeeze %dma_start3A_714 : memref<1x1x1x5x80xi32, #tpu.memory_space<hbm>> -> memref<5x80xi32, #tpu.memory_space<hbm>>
      %dma_start3A_716 = arith.constant 0 : i32
      %dma_start3A_717 = arith.constant 0 : i32
      %dma_start3A_718 = tpu.memref_slice %arg3[%dma_start3A_711, %add3A, %add3A_701, %dma_start3A_716, %dma_start3A_717] : memref<2x32x25x5x80xi32, #tpu.memory_space<hbm>> -> memref<1x1x1x5x80xi32, #tpu.memory_space<hbm>>
      %dma_start3A_719 = tpu.memref_squeeze %dma_start3A_718 : memref<1x1x1x5x80xi32, #tpu.memory_space<hbm>> -> memref<5x80xi32, #tpu.memory_space<hbm>>
      tpu.enqueue_dma source(%dma_start3A_719 : memref<5x80xi32, #tpu.memory_space<hbm>>) target(%arg7 : memref<5x80xi32, #tpu.memory_space<vmem>>) target_semaphore(%arg18 : memref<!tpu.dma_semaphore, #tpu.memory_space<semaphore_mem>>)
      %dma_start3A_720 = arith.constant 3 : i32
      %dma_start3A_721 = arith.constant 0 : i32
      %dma_start3A_722 = tpu.memref_slice %arg6[%dma_start3A_720, %dma_start3A_721] : memref<5x80xi32, #tpu.memory_space<vmem>> -> memref<1x80xi32, #tpu.memory_space<vmem>>
      %dma_start3A_723 = tpu.memref_squeeze %dma_start3A_722 : memref<1x80xi32, #tpu.memory_space<vmem>> -> memref<80xi32, #tpu.memory_space<vmem>>
      %dma_start3A_724 = arith.constant 0 : i32
      %dma_start3A_725 = arith.constant 0 : i32
      %dma_start3A_726 = tpu.memref_slice %arg2[%dma_start3A_724, %dma_start3A_725] : memref<10000x128xf32, #tpu.memory_space<hbm>> -> memref<10000x128xf32, #tpu.memory_space<hbm>>
      tpu.enqueue_indirect_dma source(%dma_start3A_726 : memref<10000x128xf32, #tpu.memory_space<hbm>>) target(%arg11 : memref<80x128xf32, #tpu.memory_space<vmem>>) offsets(%dma_start3A_723 : memref<80xi32, #tpu.memory_space<vmem>>) semaphore(%arg16 : memref<!tpu.dma_semaphore, #tpu.memory_space<semaphore_mem>>)
      %dma_wait3A_727 = arith.constant 0 : i32
      %dma_wait3A_728 = arith.constant 0 : i32
      %dma_wait3A_729 = tpu.memref_slice %arg6[%dma_wait3A_727, %dma_wait3A_728] : memref<5x80xi32, #tpu.memory_space<vmem>> -> memref<1x80xi32, #tpu.memory_space<vmem>>
      %dma_wait3A_730 = tpu.memref_squeeze %dma_wait3A_729 : memref<1x80xi32, #tpu.memory_space<vmem>> -> memref<80xi32, #tpu.memory_space<vmem>>
      %dma_wait3A_731 = arith.constant 0 : i32
      %dma_wait3A_732 = arith.constant 0 : i32
      %dma_wait3A_733 = tpu.memref_slice %arg2[%dma_wait3A_731, %dma_wait3A_732] : memref<10000x128xf32, #tpu.memory_space<hbm>> -> memref<10000x128xf32, #tpu.memory_space<hbm>>
      tpu.wait_indirect_dma semaphore(%arg17 : memref<!tpu.dma_semaphore, #tpu.memory_space<semaphore_mem>>) src(%dma_wait3A_733 : memref<10000x128xf32, #tpu.memory_space<hbm>>) dst(%arg12 : memref<80x128xf32, #tpu.memory_space<vmem>>)
      %run_scoped3A_734 = arith.constant 0 : i32
      "tpu.region"() ({
        %run_scoped3A_819 = tpu.sem_alloc : memref<!tpu.dma_semaphore, #tpu.memory_space<semaphore_mem>>
        %dma_start3A_820 = arith.constant 0 : i32
        %dma_start3A_821 = tpu.memref_slice %arg8[%run_scoped3A_734, %dma_start3A_820] : memref<5x80xi32, #tpu.memory_space<vmem>> -> memref<1x80xi32, #tpu.memory_space<vmem>>
        %dma_start3A_822 = tpu.memref_squeeze %dma_start3A_821 : memref<1x80xi32, #tpu.memory_space<vmem>> -> memref<80xi32, #tpu.memory_space<vmem>>
        %dma_start3A_823 = arith.constant 0 : i32
        %dma_start3A_824 = arith.constant 0 : i32
        %dma_start3A_825 = tpu.memref_slice %arg13[%dma_start3A_823, %dma_start3A_824] : memref<10000x128xf32, #tpu.memory_space<vmem_shared>> -> memref<10000x128xf32, #tpu.memory_space<vmem_shared>>
        tpu.enqueue_indirect_dma source(%arg12 : memref<80x128xf32, #tpu.memory_space<vmem>>) target(%dma_start3A_825 : memref<10000x128xf32, #tpu.memory_space<vmem_shared>>) offsets(%dma_start3A_822 : memref<80xi32, #tpu.memory_space<vmem>>) semaphore(%run_scoped3A_819 : memref<!tpu.dma_semaphore, #tpu.memory_space<semaphore_mem>>) {add = true}
        %dma_wait3A_826 = arith.constant 0 : i32
        %dma_wait3A_827 = tpu.memref_slice %arg8[%run_scoped3A_734, %dma_wait3A_826] : memref<5x80xi32, #tpu.memory_space<vmem>> -> memref<1x80xi32, #tpu.memory_space<vmem>>
        %dma_wait3A_828 = tpu.memref_squeeze %dma_wait3A_827 : memref<1x80xi32, #tpu.memory_space<vmem>> -> memref<80xi32, #tpu.memory_space<vmem>>
        %dma_wait3A_829 = arith.constant 0 : i32
        %dma_wait3A_830 = arith.constant 0 : i32
        %dma_wait3A_831 = tpu.memref_slice %arg13[%dma_wait3A_829, %dma_wait3A_830] : memref<10000x128xf32, #tpu.memory_space<vmem_shared>> -> memref<10000x128xf32, #tpu.memory_space<vmem_shared>>
        tpu.wait_indirect_dma semaphore(%run_scoped3A_819 : memref<!tpu.dma_semaphore, #tpu.memory_space<semaphore_mem>>) src(%arg12 : memref<80x128xf32, #tpu.memory_space<vmem>>) dst(%dma_wait3A_831 : memref<10000x128xf32, #tpu.memory_space<vmem_shared>>)
        tpu.yield
      }) : () -> ()
      %dma_start3A_735 = arith.constant 4 : i32
      %dma_start3A_736 = arith.constant 0 : i32
      %dma_start3A_737 = tpu.memref_slice %arg6[%dma_start3A_735, %dma_start3A_736] : memref<5x80xi32, #tpu.memory_space<vmem>> -> memref<1x80xi32, #tpu.memory_space<vmem>>
      %dma_start3A_738 = tpu.memref_squeeze %dma_start3A_737 : memref<1x80xi32, #tpu.memory_space<vmem>> -> memref<80xi32, #tpu.memory_space<vmem>>
      %dma_start3A_739 = arith.constant 0 : i32
      %dma_start3A_740 = arith.constant 0 : i32
      %dma_start3A_741 = tpu.memref_slice %arg2[%dma_start3A_739, %dma_start3A_740] : memref<10000x128xf32, #tpu.memory_space<hbm>> -> memref<10000x128xf32, #tpu.memory_space<hbm>>
      tpu.enqueue_indirect_dma source(%dma_start3A_741 : memref<10000x128xf32, #tpu.memory_space<hbm>>) target(%arg12 : memref<80x128xf32, #tpu.memory_space<vmem>>) offsets(%dma_start3A_738 : memref<80xi32, #tpu.memory_space<vmem>>) semaphore(%arg17 : memref<!tpu.dma_semaphore, #tpu.memory_space<semaphore_mem>>)
      %dma_wait3A_742 = arith.constant 1 : i32
      %dma_wait3A_743 = arith.constant 0 : i32
      %dma_wait3A_744 = tpu.memref_slice %arg6[%dma_wait3A_742, %dma_wait3A_743] : memref<5x80xi32, #tpu.memory_space<vmem>> -> memref<1x80xi32, #tpu.memory_space<vmem>>
      %dma_wait3A_745 = tpu.memref_squeeze %dma_wait3A_744 : memref<1x80xi32, #tpu.memory_space<vmem>> -> memref<80xi32, #tpu.memory_space<vmem>>
      %dma_wait3A_746 = arith.constant 0 : i32
      %dma_wait3A_747 = arith.constant 0 : i32
      %dma_wait3A_748 = tpu.memref_slice %arg2[%dma_wait3A_746, %dma_wait3A_747] : memref<10000x128xf32, #tpu.memory_space<hbm>> -> memref<10000x128xf32, #tpu.memory_space<hbm>>
      tpu.wait_indirect_dma semaphore(%arg14 : memref<!tpu.dma_semaphore, #tpu.memory_space<semaphore_mem>>) src(%dma_wait3A_748 : memref<10000x128xf32, #tpu.memory_space<hbm>>) dst(%arg9 : memref<80x128xf32, #tpu.memory_space<vmem>>)
      %run_scoped3A_749 = arith.constant 1 : i32
      "tpu.region"() ({
        %run_scoped3A_819 = tpu.sem_alloc : memref<!tpu.dma_semaphore, #tpu.memory_space<semaphore_mem>>
        %dma_start3A_820 = arith.constant 0 : i32
        %dma_start3A_821 = tpu.memref_slice %arg8[%run_scoped3A_749, %dma_start3A_820] : memref<5x80xi32, #tpu.memory_space<vmem>> -> memref<1x80xi32, #tpu.memory_space<vmem>>
        %dma_start3A_822 = tpu.memref_squeeze %dma_start3A_821 : memref<1x80xi32, #tpu.memory_space<vmem>> -> memref<80xi32, #tpu.memory_space<vmem>>
        %dma_start3A_823 = arith.constant 0 : i32
        %dma_start3A_824 = arith.constant 0 : i32
        %dma_start3A_825 = tpu.memref_slice %arg13[%dma_start3A_823, %dma_start3A_824] : memref<10000x128xf32, #tpu.memory_space<vmem_shared>> -> memref<10000x128xf32, #tpu.memory_space<vmem_shared>>
        tpu.enqueue_indirect_dma source(%arg9 : memref<80x128xf32, #tpu.memory_space<vmem>>) target(%dma_start3A_825 : memref<10000x128xf32, #tpu.memory_space<vmem_shared>>) offsets(%dma_start3A_822 : memref<80xi32, #tpu.memory_space<vmem>>) semaphore(%run_scoped3A_819 : memref<!tpu.dma_semaphore, #tpu.memory_space<semaphore_mem>>) {add = true}
        %dma_wait3A_826 = arith.constant 0 : i32
        %dma_wait3A_827 = tpu.memref_slice %arg8[%run_scoped3A_749, %dma_wait3A_826] : memref<5x80xi32, #tpu.memory_space<vmem>> -> memref<1x80xi32, #tpu.memory_space<vmem>>
        %dma_wait3A_828 = tpu.memref_squeeze %dma_wait3A_827 : memref<1x80xi32, #tpu.memory_space<vmem>> -> memref<80xi32, #tpu.memory_space<vmem>>
        %dma_wait3A_829 = arith.constant 0 : i32
        %dma_wait3A_830 = arith.constant 0 : i32
        %dma_wait3A_831 = tpu.memref_slice %arg13[%dma_wait3A_829, %dma_wait3A_830] : memref<10000x128xf32, #tpu.memory_space<vmem_shared>> -> memref<10000x128xf32, #tpu.memory_space<vmem_shared>>
        tpu.wait_indirect_dma semaphore(%run_scoped3A_819 : memref<!tpu.dma_semaphore, #tpu.memory_space<semaphore_mem>>) src(%arg9 : memref<80x128xf32, #tpu.memory_space<vmem>>) dst(%dma_wait3A_831 : memref<10000x128xf32, #tpu.memory_space<vmem_shared>>)
        tpu.yield
      }) : () -> ()
      %mul3A_750 = arith.constant 4 : i32
      %mul3A_751 = arith.muli %scan3A_326, %mul3A_750 : i32
      %add3A_752 = arith.constant 3 : i32
      %add3A_753 = arith.addi %mul3A_751, %add3A_752 : i32
      %add3A_754 = arith.constant 1 : i32
      %add3A_755 = arith.addi %add3A_753, %add3A_754 : i32
      %dma_wait3A_756 = arith.constant 1 : i32
      %dma_wait3A_757 = arith.constant 0 : i32
      %dma_wait3A_758 = arith.constant 0 : i32
      %dma_wait3A_759 = tpu.memref_slice %arg3[%dma_wait3A_756, %add3A, %add3A_755, %dma_wait3A_757, %dma_wait3A_758] : memref<2x32x25x5x80xi32, #tpu.memory_space<hbm>> -> memref<1x1x1x5x80xi32, #tpu.memory_space<hbm>>
      %dma_wait3A_760 = tpu.memref_squeeze %dma_wait3A_759 : memref<1x1x1x5x80xi32, #tpu.memory_space<hbm>> -> memref<5x80xi32, #tpu.memory_space<hbm>>
      %dma_wait3A_761 = arith.constant 0 : i32
      %dma_wait3A_762 = arith.constant 0 : i32
      %dma_wait3A_763 = tpu.memref_slice %arg3[%dma_wait3A_756, %add3A, %add3A_755, %dma_wait3A_761, %dma_wait3A_762] : memref<2x32x25x5x80xi32, #tpu.memory_space<hbm>> -> memref<1x1x1x5x80xi32, #tpu.memory_space<hbm>>
      %dma_wait3A_764 = tpu.memref_squeeze %dma_wait3A_763 : memref<1x1x1x5x80xi32, #tpu.memory_space<hbm>> -> memref<5x80xi32, #tpu.memory_space<hbm>>
      tpu.wait_dma2 semaphore(%arg18 : memref<!tpu.dma_semaphore, #tpu.memory_space<semaphore_mem>>) src(%dma_wait3A_764 : memref<5x80xi32, #tpu.memory_space<hbm>>) dst(%arg5 : memref<5x80xi32, #tpu.memory_space<vmem>>)
      %dma_wait3A_765 = arith.constant 0 : i32
      %dma_wait3A_766 = arith.constant 0 : i32
      %dma_wait3A_767 = arith.constant 0 : i32
      %dma_wait3A_768 = tpu.memref_slice %arg3[%dma_wait3A_765, %add3A, %add3A_755, %dma_wait3A_766, %dma_wait3A_767] : memref<2x32x25x5x80xi32, #tpu.memory_space<hbm>> -> memref<1x1x1x5x80xi32, #tpu.memory_space<hbm>>
      %dma_wait3A_769 = tpu.memref_squeeze %dma_wait3A_768 : memref<1x1x1x5x80xi32, #tpu.memory_space<hbm>> -> memref<5x80xi32, #tpu.memory_space<hbm>>
      %dma_wait3A_770 = arith.constant 0 : i32
      %dma_wait3A_771 = arith.constant 0 : i32
      %dma_wait3A_772 = tpu.memref_slice %arg3[%dma_wait3A_765, %add3A, %add3A_755, %dma_wait3A_770, %dma_wait3A_771] : memref<2x32x25x5x80xi32, #tpu.memory_space<hbm>> -> memref<1x1x1x5x80xi32, #tpu.memory_space<hbm>>
      %dma_wait3A_773 = tpu.memref_squeeze %dma_wait3A_772 : memref<1x1x1x5x80xi32, #tpu.memory_space<hbm>> -> memref<5x80xi32, #tpu.memory_space<hbm>>
      tpu.wait_dma2 semaphore(%arg18 : memref<!tpu.dma_semaphore, #tpu.memory_space<semaphore_mem>>) src(%dma_wait3A_773 : memref<5x80xi32, #tpu.memory_space<hbm>>) dst(%arg7 : memref<5x80xi32, #tpu.memory_space<vmem>>)
      %dma_start3A_774 = arith.constant 0 : i32
      %dma_start3A_775 = arith.constant 0 : i32
      %dma_start3A_776 = tpu.memref_slice %arg5[%dma_start3A_774, %dma_start3A_775] : memref<5x80xi32, #tpu.memory_space<vmem>> -> memref<1x80xi32, #tpu.memory_space<vmem>>
      %dma_start3A_777 = tpu.memref_squeeze %dma_start3A_776 : memref<1x80xi32, #tpu.memory_space<vmem>> -> memref<80xi32, #tpu.memory_space<vmem>>
      %dma_start3A_778 = arith.constant 0 : i32
      %dma_start3A_779 = arith.constant 0 : i32
      %dma_start3A_780 = tpu.memref_slice %arg2[%dma_start3A_778, %dma_start3A_779] : memref<10000x128xf32, #tpu.memory_space<hbm>> -> memref<10000x128xf32, #tpu.memory_space<hbm>>
      tpu.enqueue_indirect_dma source(%dma_start3A_780 : memref<10000x128xf32, #tpu.memory_space<hbm>>) target(%arg9 : memref<80x128xf32, #tpu.memory_space<vmem>>) offsets(%dma_start3A_777 : memref<80xi32, #tpu.memory_space<vmem>>) semaphore(%arg14 : memref<!tpu.dma_semaphore, #tpu.memory_space<semaphore_mem>>)
      %dma_wait3A_781 = arith.constant 2 : i32
      %dma_wait3A_782 = arith.constant 0 : i32
      %dma_wait3A_783 = tpu.memref_slice %arg6[%dma_wait3A_781, %dma_wait3A_782] : memref<5x80xi32, #tpu.memory_space<vmem>> -> memref<1x80xi32, #tpu.memory_space<vmem>>
      %dma_wait3A_784 = tpu.memref_squeeze %dma_wait3A_783 : memref<1x80xi32, #tpu.memory_space<vmem>> -> memref<80xi32, #tpu.memory_space<vmem>>
      %dma_wait3A_785 = arith.constant 0 : i32
      %dma_wait3A_786 = arith.constant 0 : i32
      %dma_wait3A_787 = tpu.memref_slice %arg2[%dma_wait3A_785, %dma_wait3A_786] : memref<10000x128xf32, #tpu.memory_space<hbm>> -> memref<10000x128xf32, #tpu.memory_space<hbm>>
      tpu.wait_indirect_dma semaphore(%arg15 : memref<!tpu.dma_semaphore, #tpu.memory_space<semaphore_mem>>) src(%dma_wait3A_787 : memref<10000x128xf32, #tpu.memory_space<hbm>>) dst(%arg10 : memref<80x128xf32, #tpu.memory_space<vmem>>)
      %run_scoped3A_788 = arith.constant 2 : i32
      "tpu.region"() ({
        %run_scoped3A_819 = tpu.sem_alloc : memref<!tpu.dma_semaphore, #tpu.memory_space<semaphore_mem>>
        %dma_start3A_820 = arith.constant 0 : i32
        %dma_start3A_821 = tpu.memref_slice %arg8[%run_scoped3A_788, %dma_start3A_820] : memref<5x80xi32, #tpu.memory_space<vmem>> -> memref<1x80xi32, #tpu.memory_space<vmem>>
        %dma_start3A_822 = tpu.memref_squeeze %dma_start3A_821 : memref<1x80xi32, #tpu.memory_space<vmem>> -> memref<80xi32, #tpu.memory_space<vmem>>
        %dma_start3A_823 = arith.constant 0 : i32
        %dma_start3A_824 = arith.constant 0 : i32
        %dma_start3A_825 = tpu.memref_slice %arg13[%dma_start3A_823, %dma_start3A_824] : memref<10000x128xf32, #tpu.memory_space<vmem_shared>> -> memref<10000x128xf32, #tpu.memory_space<vmem_shared>>
        tpu.enqueue_indirect_dma source(%arg10 : memref<80x128xf32, #tpu.memory_space<vmem>>) target(%dma_start3A_825 : memref<10000x128xf32, #tpu.memory_space<vmem_shared>>) offsets(%dma_start3A_822 : memref<80xi32, #tpu.memory_space<vmem>>) semaphore(%run_scoped3A_819 : memref<!tpu.dma_semaphore, #tpu.memory_space<semaphore_mem>>) {add = true}
        %dma_wait3A_826 = arith.constant 0 : i32
        %dma_wait3A_827 = tpu.memref_slice %arg8[%run_scoped3A_788, %dma_wait3A_826] : memref<5x80xi32, #tpu.memory_space<vmem>> -> memref<1x80xi32, #tpu.memory_space<vmem>>
        %dma_wait3A_828 = tpu.memref_squeeze %dma_wait3A_827 : memref<1x80xi32, #tpu.memory_space<vmem>> -> memref<80xi32, #tpu.memory_space<vmem>>
        %dma_wait3A_829 = arith.constant 0 : i32
        %dma_wait3A_830 = arith.constant 0 : i32
        %dma_wait3A_831 = tpu.memref_slice %arg13[%dma_wait3A_829, %dma_wait3A_830] : memref<10000x128xf32, #tpu.memory_space<vmem_shared>> -> memref<10000x128xf32, #tpu.memory_space<vmem_shared>>
        tpu.wait_indirect_dma semaphore(%run_scoped3A_819 : memref<!tpu.dma_semaphore, #tpu.memory_space<semaphore_mem>>) src(%arg10 : memref<80x128xf32, #tpu.memory_space<vmem>>) dst(%dma_wait3A_831 : memref<10000x128xf32, #tpu.memory_space<vmem_shared>>)
        tpu.yield
      }) : () -> ()
      %dma_start3A_789 = arith.constant 1 : i32
      %dma_start3A_790 = arith.constant 0 : i32
      %dma_start3A_791 = tpu.memref_slice %arg5[%dma_start3A_789, %dma_start3A_790] : memref<5x80xi32, #tpu.memory_space<vmem>> -> memref<1x80xi32, #tpu.memory_space<vmem>>
      %dma_start3A_792 = tpu.memref_squeeze %dma_start3A_791 : memref<1x80xi32, #tpu.memory_space<vmem>> -> memref<80xi32, #tpu.memory_space<vmem>>
      %dma_start3A_793 = arith.constant 0 : i32
      %dma_start3A_794 = arith.constant 0 : i32
      %dma_start3A_795 = tpu.memref_slice %arg2[%dma_start3A_793, %dma_start3A_794] : memref<10000x128xf32, #tpu.memory_space<hbm>> -> memref<10000x128xf32, #tpu.memory_space<hbm>>
      tpu.enqueue_indirect_dma source(%dma_start3A_795 : memref<10000x128xf32, #tpu.memory_space<hbm>>) target(%arg10 : memref<80x128xf32, #tpu.memory_space<vmem>>) offsets(%dma_start3A_792 : memref<80xi32, #tpu.memory_space<vmem>>) semaphore(%arg15 : memref<!tpu.dma_semaphore, #tpu.memory_space<semaphore_mem>>)
      %dma_wait3A_796 = arith.constant 3 : i32
      %dma_wait3A_797 = arith.constant 0 : i32
      %dma_wait3A_798 = tpu.memref_slice %arg6[%dma_wait3A_796, %dma_wait3A_797] : memref<5x80xi32, #tpu.memory_space<vmem>> -> memref<1x80xi32, #tpu.memory_space<vmem>>
      %dma_wait3A_799 = tpu.memref_squeeze %dma_wait3A_798 : memref<1x80xi32, #tpu.memory_space<vmem>> -> memref<80xi32, #tpu.memory_space<vmem>>
      %dma_wait3A_800 = arith.constant 0 : i32
      %dma_wait3A_801 = arith.constant 0 : i32
      %dma_wait3A_802 = tpu.memref_slice %arg2[%dma_wait3A_800, %dma_wait3A_801] : memref<10000x128xf32, #tpu.memory_space<hbm>> -> memref<10000x128xf32, #tpu.memory_space<hbm>>
      tpu.wait_indirect_dma semaphore(%arg16 : memref<!tpu.dma_semaphore, #tpu.memory_space<semaphore_mem>>) src(%dma_wait3A_802 : memref<10000x128xf32, #tpu.memory_space<hbm>>) dst(%arg11 : memref<80x128xf32, #tpu.memory_space<vmem>>)
      %run_scoped3A_803 = arith.constant 3 : i32
      "tpu.region"() ({
        %run_scoped3A_819 = tpu.sem_alloc : memref<!tpu.dma_semaphore, #tpu.memory_space<semaphore_mem>>
        %dma_start3A_820 = arith.constant 0 : i32
        %dma_start3A_821 = tpu.memref_slice %arg8[%run_scoped3A_803, %dma_start3A_820] : memref<5x80xi32, #tpu.memory_space<vmem>> -> memref<1x80xi32, #tpu.memory_space<vmem>>
        %dma_start3A_822 = tpu.memref_squeeze %dma_start3A_821 : memref<1x80xi32, #tpu.memory_space<vmem>> -> memref<80xi32, #tpu.memory_space<vmem>>
        %dma_start3A_823 = arith.constant 0 : i32
        %dma_start3A_824 = arith.constant 0 : i32
        %dma_start3A_825 = tpu.memref_slice %arg13[%dma_start3A_823, %dma_start3A_824] : memref<10000x128xf32, #tpu.memory_space<vmem_shared>> -> memref<10000x128xf32, #tpu.memory_space<vmem_shared>>
        tpu.enqueue_indirect_dma source(%arg11 : memref<80x128xf32, #tpu.memory_space<vmem>>) target(%dma_start3A_825 : memref<10000x128xf32, #tpu.memory_space<vmem_shared>>) offsets(%dma_start3A_822 : memref<80xi32, #tpu.memory_space<vmem>>) semaphore(%run_scoped3A_819 : memref<!tpu.dma_semaphore, #tpu.memory_space<semaphore_mem>>) {add = true}
        %dma_wait3A_826 = arith.constant 0 : i32
        %dma_wait3A_827 = tpu.memref_slice %arg8[%run_scoped3A_803, %dma_wait3A_826] : memref<5x80xi32, #tpu.memory_space<vmem>> -> memref<1x80xi32, #tpu.memory_space<vmem>>
        %dma_wait3A_828 = tpu.memref_squeeze %dma_wait3A_827 : memref<1x80xi32, #tpu.memory_space<vmem>> -> memref<80xi32, #tpu.memory_space<vmem>>
        %dma_wait3A_829 = arith.constant 0 : i32
        %dma_wait3A_830 = arith.constant 0 : i32
        %dma_wait3A_831 = tpu.memref_slice %arg13[%dma_wait3A_829, %dma_wait3A_830] : memref<10000x128xf32, #tpu.memory_space<vmem_shared>> -> memref<10000x128xf32, #tpu.memory_space<vmem_shared>>
        tpu.wait_indirect_dma semaphore(%run_scoped3A_819 : memref<!tpu.dma_semaphore, #tpu.memory_space<semaphore_mem>>) src(%arg11 : memref<80x128xf32, #tpu.memory_space<vmem>>) dst(%dma_wait3A_831 : memref<10000x128xf32, #tpu.memory_space<vmem_shared>>)
        tpu.yield
      }) : () -> ()
      %dma_start3A_804 = arith.constant 2 : i32
      %dma_start3A_805 = arith.constant 0 : i32
      %dma_start3A_806 = tpu.memref_slice %arg5[%dma_start3A_804, %dma_start3A_805] : memref<5x80xi32, #tpu.memory_space<vmem>> -> memref<1x80xi32, #tpu.memory_space<vmem>>
      %dma_start3A_807 = tpu.memref_squeeze %dma_start3A_806 : memref<1x80xi32, #tpu.memory_space<vmem>> -> memref<80xi32, #tpu.memory_space<vmem>>
      %dma_start3A_808 = arith.constant 0 : i32
      %dma_start3A_809 = arith.constant 0 : i32
      %dma_start3A_810 = tpu.memref_slice %arg2[%dma_start3A_808, %dma_start3A_809] : memref<10000x128xf32, #tpu.memory_space<hbm>> -> memref<10000x128xf32, #tpu.memory_space<hbm>>
      tpu.enqueue_indirect_dma source(%dma_start3A_810 : memref<10000x128xf32, #tpu.memory_space<hbm>>) target(%arg11 : memref<80x128xf32, #tpu.memory_space<vmem>>) offsets(%dma_start3A_807 : memref<80xi32, #tpu.memory_space<vmem>>) semaphore(%arg16 : memref<!tpu.dma_semaphore, #tpu.memory_space<semaphore_mem>>)
      %dma_wait3A_811 = arith.constant 4 : i32
      %dma_wait3A_812 = arith.constant 0 : i32
      %dma_wait3A_813 = tpu.memref_slice %arg6[%dma_wait3A_811, %dma_wait3A_812] : memref<5x80xi32, #tpu.memory_space<vmem>> -> memref<1x80xi32, #tpu.memory_space<vmem>>
      %dma_wait3A_814 = tpu.memref_squeeze %dma_wait3A_813 : memref<1x80xi32, #tpu.memory_space<vmem>> -> memref<80xi32, #tpu.memory_space<vmem>>
      %dma_wait3A_815 = arith.constant 0 : i32
      %dma_wait3A_816 = arith.constant 0 : i32
      %dma_wait3A_817 = tpu.memref_slice %arg2[%dma_wait3A_815, %dma_wait3A_816] : memref<10000x128xf32, #tpu.memory_space<hbm>> -> memref<10000x128xf32, #tpu.memory_space<hbm>>
      tpu.wait_indirect_dma semaphore(%arg17 : memref<!tpu.dma_semaphore, #tpu.memory_space<semaphore_mem>>) src(%dma_wait3A_817 : memref<10000x128xf32, #tpu.memory_space<hbm>>) dst(%arg12 : memref<80x128xf32, #tpu.memory_space<vmem>>)
      %run_scoped3A_818 = arith.constant 4 : i32
      "tpu.region"() ({
        %run_scoped3A_819 = tpu.sem_alloc : memref<!tpu.dma_semaphore, #tpu.memory_space<semaphore_mem>>
        %dma_start3A_820 = arith.constant 0 : i32
        %dma_start3A_821 = tpu.memref_slice %arg8[%run_scoped3A_818, %dma_start3A_820] : memref<5x80xi32, #tpu.memory_space<vmem>> -> memref<1x80xi32, #tpu.memory_space<vmem>>
        %dma_start3A_822 = tpu.memref_squeeze %dma_start3A_821 : memref<1x80xi32, #tpu.memory_space<vmem>> -> memref<80xi32, #tpu.memory_space<vmem>>
        %dma_start3A_823 = arith.constant 0 : i32
        %dma_start3A_824 = arith.constant 0 : i32
        %dma_start3A_825 = tpu.memref_slice %arg13[%dma_start3A_823, %dma_start3A_824] : memref<10000x128xf32, #tpu.memory_space<vmem_shared>> -> memref<10000x128xf32, #tpu.memory_space<vmem_shared>>
        tpu.enqueue_indirect_dma source(%arg12 : memref<80x128xf32, #tpu.memory_space<vmem>>) target(%dma_start3A_825 : memref<10000x128xf32, #tpu.memory_space<vmem_shared>>) offsets(%dma_start3A_822 : memref<80xi32, #tpu.memory_space<vmem>>) semaphore(%run_scoped3A_819 : memref<!tpu.dma_semaphore, #tpu.memory_space<semaphore_mem>>) {add = true}
        %dma_wait3A_826 = arith.constant 0 : i32
        %dma_wait3A_827 = tpu.memref_slice %arg8[%run_scoped3A_818, %dma_wait3A_826] : memref<5x80xi32, #tpu.memory_space<vmem>> -> memref<1x80xi32, #tpu.memory_space<vmem>>
        %dma_wait3A_828 = tpu.memref_squeeze %dma_wait3A_827 : memref<1x80xi32, #tpu.memory_space<vmem>> -> memref<80xi32, #tpu.memory_space<vmem>>
        %dma_wait3A_829 = arith.constant 0 : i32
        %dma_wait3A_830 = arith.constant 0 : i32
        %dma_wait3A_831 = tpu.memref_slice %arg13[%dma_wait3A_829, %dma_wait3A_830] : memref<10000x128xf32, #tpu.memory_space<vmem_shared>> -> memref<10000x128xf32, #tpu.memory_space<vmem_shared>>
        tpu.wait_indirect_dma semaphore(%run_scoped3A_819 : memref<!tpu.dma_semaphore, #tpu.memory_space<semaphore_mem>>) src(%arg12 : memref<80x128xf32, #tpu.memory_space<vmem>>) dst(%dma_wait3A_831 : memref<10000x128xf32, #tpu.memory_space<vmem_shared>>)
        tpu.yield
      }) : () -> ()
    }
    %scan3A_266 = arith.constant 6 : i32
    %dma_start3A_267 = arith.constant 3 : i32
    %dma_start3A_268 = arith.constant 0 : i32
    %dma_start3A_269 = tpu.memref_slice %arg5[%dma_start3A_267, %dma_start3A_268] : memref<5x80xi32, #tpu.memory_space<vmem>> -> memref<1x80xi32, #tpu.memory_space<vmem>>
    %dma_start3A_270 = tpu.memref_squeeze %dma_start3A_269 : memref<1x80xi32, #tpu.memory_space<vmem>> -> memref<80xi32, #tpu.memory_space<vmem>>
    %dma_start3A_271 = arith.constant 0 : i32
    %dma_start3A_272 = arith.constant 0 : i32
    %dma_start3A_273 = tpu.memref_slice %arg2[%dma_start3A_271, %dma_start3A_272] : memref<10000x128xf32, #tpu.memory_space<hbm>> -> memref<10000x128xf32, #tpu.memory_space<hbm>>
    tpu.enqueue_indirect_dma source(%dma_start3A_273 : memref<10000x128xf32, #tpu.memory_space<hbm>>) target(%arg12 : memref<80x128xf32, #tpu.memory_space<vmem>>) offsets(%dma_start3A_270 : memref<80xi32, #tpu.memory_space<vmem>>) semaphore(%arg17 : memref<!tpu.dma_semaphore, #tpu.memory_space<semaphore_mem>>)
    %dma_wait3A_274 = arith.constant 0 : i32
    %dma_wait3A_275 = arith.constant 0 : i32
    %dma_wait3A_276 = tpu.memref_slice %arg5[%dma_wait3A_274, %dma_wait3A_275] : memref<5x80xi32, #tpu.memory_space<vmem>> -> memref<1x80xi32, #tpu.memory_space<vmem>>
    %dma_wait3A_277 = tpu.memref_squeeze %dma_wait3A_276 : memref<1x80xi32, #tpu.memory_space<vmem>> -> memref<80xi32, #tpu.memory_space<vmem>>
    %dma_wait3A_278 = arith.constant 0 : i32
    %dma_wait3A_279 = arith.constant 0 : i32
    %dma_wait3A_280 = tpu.memref_slice %arg2[%dma_wait3A_278, %dma_wait3A_279] : memref<10000x128xf32, #tpu.memory_space<hbm>> -> memref<10000x128xf32, #tpu.memory_space<hbm>>
    tpu.wait_indirect_dma semaphore(%arg14 : memref<!tpu.dma_semaphore, #tpu.memory_space<semaphore_mem>>) src(%dma_wait3A_280 : memref<10000x128xf32, #tpu.memory_space<hbm>>) dst(%arg9 : memref<80x128xf32, #tpu.memory_space<vmem>>)
    %run_scoped3A = arith.constant 0 : i32
    "tpu.region"() ({
      %run_scoped3A_326 = tpu.sem_alloc : memref<!tpu.dma_semaphore, #tpu.memory_space<semaphore_mem>>
      %dma_start3A_327 = arith.constant 0 : i32
      %dma_start3A_328 = tpu.memref_slice %arg7[%run_scoped3A, %dma_start3A_327] : memref<5x80xi32, #tpu.memory_space<vmem>> -> memref<1x80xi32, #tpu.memory_space<vmem>>
      %dma_start3A_329 = tpu.memref_squeeze %dma_start3A_328 : memref<1x80xi32, #tpu.memory_space<vmem>> -> memref<80xi32, #tpu.memory_space<vmem>>
      %dma_start3A_330 = arith.constant 0 : i32
      %dma_start3A_331 = arith.constant 0 : i32
      %dma_start3A_332 = tpu.memref_slice %arg13[%dma_start3A_330, %dma_start3A_331] : memref<10000x128xf32, #tpu.memory_space<vmem_shared>> -> memref<10000x128xf32, #tpu.memory_space<vmem_shared>>
      tpu.enqueue_indirect_dma source(%arg9 : memref<80x128xf32, #tpu.memory_space<vmem>>) target(%dma_start3A_332 : memref<10000x128xf32, #tpu.memory_space<vmem_shared>>) offsets(%dma_start3A_329 : memref<80xi32, #tpu.memory_space<vmem>>) semaphore(%run_scoped3A_326 : memref<!tpu.dma_semaphore, #tpu.memory_space<semaphore_mem>>) {add = true}
      %dma_wait3A_333 = arith.constant 0 : i32
      %dma_wait3A_334 = tpu.memref_slice %arg7[%run_scoped3A, %dma_wait3A_333] : memref<5x80xi32, #tpu.memory_space<vmem>> -> memref<1x80xi32, #tpu.memory_space<vmem>>
      %dma_wait3A_335 = tpu.memref_squeeze %dma_wait3A_334 : memref<1x80xi32, #tpu.memory_space<vmem>> -> memref<80xi32, #tpu.memory_space<vmem>>
      %dma_wait3A_336 = arith.constant 0 : i32
      %dma_wait3A_337 = arith.constant 0 : i32
      %dma_wait3A_338 = tpu.memref_slice %arg13[%dma_wait3A_336, %dma_wait3A_337] : memref<10000x128xf32, #tpu.memory_space<vmem_shared>> -> memref<10000x128xf32, #tpu.memory_space<vmem_shared>>
      tpu.wait_indirect_dma semaphore(%run_scoped3A_326 : memref<!tpu.dma_semaphore, #tpu.memory_space<semaphore_mem>>) src(%arg9 : memref<80x128xf32, #tpu.memory_space<vmem>>) dst(%dma_wait3A_338 : memref<10000x128xf32, #tpu.memory_space<vmem_shared>>)
      tpu.yield
    }) : () -> ()
    %dma_start3A_281 = arith.constant 4 : i32
    %dma_start3A_282 = arith.constant 0 : i32
    %dma_start3A_283 = tpu.memref_slice %arg5[%dma_start3A_281, %dma_start3A_282] : memref<5x80xi32, #tpu.memory_space<vmem>> -> memref<1x80xi32, #tpu.memory_space<vmem>>
    %dma_start3A_284 = tpu.memref_squeeze %dma_start3A_283 : memref<1x80xi32, #tpu.memory_space<vmem>> -> memref<80xi32, #tpu.memory_space<vmem>>
    %dma_start3A_285 = arith.constant 0 : i32
    %dma_start3A_286 = arith.constant 0 : i32
    %dma_start3A_287 = tpu.memref_slice %arg2[%dma_start3A_285, %dma_start3A_286] : memref<10000x128xf32, #tpu.memory_space<hbm>> -> memref<10000x128xf32, #tpu.memory_space<hbm>>
    tpu.enqueue_indirect_dma source(%dma_start3A_287 : memref<10000x128xf32, #tpu.memory_space<hbm>>) target(%arg9 : memref<80x128xf32, #tpu.memory_space<vmem>>) offsets(%dma_start3A_284 : memref<80xi32, #tpu.memory_space<vmem>>) semaphore(%arg14 : memref<!tpu.dma_semaphore, #tpu.memory_space<semaphore_mem>>)
    %dma_wait3A_288 = arith.constant 1 : i32
    %dma_wait3A_289 = arith.constant 0 : i32
    %dma_wait3A_290 = tpu.memref_slice %arg5[%dma_wait3A_288, %dma_wait3A_289] : memref<5x80xi32, #tpu.memory_space<vmem>> -> memref<1x80xi32, #tpu.memory_space<vmem>>
    %dma_wait3A_291 = tpu.memref_squeeze %dma_wait3A_290 : memref<1x80xi32, #tpu.memory_space<vmem>> -> memref<80xi32, #tpu.memory_space<vmem>>
    %dma_wait3A_292 = arith.constant 0 : i32
    %dma_wait3A_293 = arith.constant 0 : i32
    %dma_wait3A_294 = tpu.memref_slice %arg2[%dma_wait3A_292, %dma_wait3A_293] : memref<10000x128xf32, #tpu.memory_space<hbm>> -> memref<10000x128xf32, #tpu.memory_space<hbm>>
    tpu.wait_indirect_dma semaphore(%arg15 : memref<!tpu.dma_semaphore, #tpu.memory_space<semaphore_mem>>) src(%dma_wait3A_294 : memref<10000x128xf32, #tpu.memory_space<hbm>>) dst(%arg10 : memref<80x128xf32, #tpu.memory_space<vmem>>)
    %run_scoped3A_295 = arith.constant 1 : i32
    "tpu.region"() ({
      %run_scoped3A_326 = tpu.sem_alloc : memref<!tpu.dma_semaphore, #tpu.memory_space<semaphore_mem>>
      %dma_start3A_327 = arith.constant 0 : i32
      %dma_start3A_328 = tpu.memref_slice %arg7[%run_scoped3A_295, %dma_start3A_327] : memref<5x80xi32, #tpu.memory_space<vmem>> -> memref<1x80xi32, #tpu.memory_space<vmem>>
      %dma_start3A_329 = tpu.memref_squeeze %dma_start3A_328 : memref<1x80xi32, #tpu.memory_space<vmem>> -> memref<80xi32, #tpu.memory_space<vmem>>
      %dma_start3A_330 = arith.constant 0 : i32
      %dma_start3A_331 = arith.constant 0 : i32
      %dma_start3A_332 = tpu.memref_slice %arg13[%dma_start3A_330, %dma_start3A_331] : memref<10000x128xf32, #tpu.memory_space<vmem_shared>> -> memref<10000x128xf32, #tpu.memory_space<vmem_shared>>
      tpu.enqueue_indirect_dma source(%arg10 : memref<80x128xf32, #tpu.memory_space<vmem>>) target(%dma_start3A_332 : memref<10000x128xf32, #tpu.memory_space<vmem_shared>>) offsets(%dma_start3A_329 : memref<80xi32, #tpu.memory_space<vmem>>) semaphore(%run_scoped3A_326 : memref<!tpu.dma_semaphore, #tpu.memory_space<semaphore_mem>>) {add = true}
      %dma_wait3A_333 = arith.constant 0 : i32
      %dma_wait3A_334 = tpu.memref_slice %arg7[%run_scoped3A_295, %dma_wait3A_333] : memref<5x80xi32, #tpu.memory_space<vmem>> -> memref<1x80xi32, #tpu.memory_space<vmem>>
      %dma_wait3A_335 = tpu.memref_squeeze %dma_wait3A_334 : memref<1x80xi32, #tpu.memory_space<vmem>> -> memref<80xi32, #tpu.memory_space<vmem>>
      %dma_wait3A_336 = arith.constant 0 : i32
      %dma_wait3A_337 = arith.constant 0 : i32
      %dma_wait3A_338 = tpu.memref_slice %arg13[%dma_wait3A_336, %dma_wait3A_337] : memref<10000x128xf32, #tpu.memory_space<vmem_shared>> -> memref<10000x128xf32, #tpu.memory_space<vmem_shared>>
      tpu.wait_indirect_dma semaphore(%run_scoped3A_326 : memref<!tpu.dma_semaphore, #tpu.memory_space<semaphore_mem>>) src(%arg10 : memref<80x128xf32, #tpu.memory_space<vmem>>) dst(%dma_wait3A_338 : memref<10000x128xf32, #tpu.memory_space<vmem_shared>>)
      tpu.yield
    }) : () -> ()
    %dma_wait3A_296 = arith.constant 2 : i32
    %dma_wait3A_297 = arith.constant 0 : i32
    %dma_wait3A_298 = tpu.memref_slice %arg5[%dma_wait3A_296, %dma_wait3A_297] : memref<5x80xi32, #tpu.memory_space<vmem>> -> memref<1x80xi32, #tpu.memory_space<vmem>>
    %dma_wait3A_299 = tpu.memref_squeeze %dma_wait3A_298 : memref<1x80xi32, #tpu.memory_space<vmem>> -> memref<80xi32, #tpu.memory_space<vmem>>
    %dma_wait3A_300 = arith.constant 0 : i32
    %dma_wait3A_301 = arith.constant 0 : i32
    %dma_wait3A_302 = tpu.memref_slice %arg2[%dma_wait3A_300, %dma_wait3A_301] : memref<10000x128xf32, #tpu.memory_space<hbm>> -> memref<10000x128xf32, #tpu.memory_space<hbm>>
    tpu.wait_indirect_dma semaphore(%arg16 : memref<!tpu.dma_semaphore, #tpu.memory_space<semaphore_mem>>) src(%dma_wait3A_302 : memref<10000x128xf32, #tpu.memory_space<hbm>>) dst(%arg11 : memref<80x128xf32, #tpu.memory_space<vmem>>)
    %run_scoped3A_303 = arith.constant 2 : i32
    "tpu.region"() ({
      %run_scoped3A_326 = tpu.sem_alloc : memref<!tpu.dma_semaphore, #tpu.memory_space<semaphore_mem>>
      %dma_start3A_327 = arith.constant 0 : i32
      %dma_start3A_328 = tpu.memref_slice %arg7[%run_scoped3A_303, %dma_start3A_327] : memref<5x80xi32, #tpu.memory_space<vmem>> -> memref<1x80xi32, #tpu.memory_space<vmem>>
      %dma_start3A_329 = tpu.memref_squeeze %dma_start3A_328 : memref<1x80xi32, #tpu.memory_space<vmem>> -> memref<80xi32, #tpu.memory_space<vmem>>
      %dma_start3A_330 = arith.constant 0 : i32
      %dma_start3A_331 = arith.constant 0 : i32
      %dma_start3A_332 = tpu.memref_slice %arg13[%dma_start3A_330, %dma_start3A_331] : memref<10000x128xf32, #tpu.memory_space<vmem_shared>> -> memref<10000x128xf32, #tpu.memory_space<vmem_shared>>
      tpu.enqueue_indirect_dma source(%arg11 : memref<80x128xf32, #tpu.memory_space<vmem>>) target(%dma_start3A_332 : memref<10000x128xf32, #tpu.memory_space<vmem_shared>>) offsets(%dma_start3A_329 : memref<80xi32, #tpu.memory_space<vmem>>) semaphore(%run_scoped3A_326 : memref<!tpu.dma_semaphore, #tpu.memory_space<semaphore_mem>>) {add = true}
      %dma_wait3A_333 = arith.constant 0 : i32
      %dma_wait3A_334 = tpu.memref_slice %arg7[%run_scoped3A_303, %dma_wait3A_333] : memref<5x80xi32, #tpu.memory_space<vmem>> -> memref<1x80xi32, #tpu.memory_space<vmem>>
      %dma_wait3A_335 = tpu.memref_squeeze %dma_wait3A_334 : memref<1x80xi32, #tpu.memory_space<vmem>> -> memref<80xi32, #tpu.memory_space<vmem>>
      %dma_wait3A_336 = arith.constant 0 : i32
      %dma_wait3A_337 = arith.constant 0 : i32
      %dma_wait3A_338 = tpu.memref_slice %arg13[%dma_wait3A_336, %dma_wait3A_337] : memref<10000x128xf32, #tpu.memory_space<vmem_shared>> -> memref<10000x128xf32, #tpu.memory_space<vmem_shared>>
      tpu.wait_indirect_dma semaphore(%run_scoped3A_326 : memref<!tpu.dma_semaphore, #tpu.memory_space<semaphore_mem>>) src(%arg11 : memref<80x128xf32, #tpu.memory_space<vmem>>) dst(%dma_wait3A_338 : memref<10000x128xf32, #tpu.memory_space<vmem_shared>>)
      tpu.yield
    }) : () -> ()
    %dma_wait3A_304 = arith.constant 3 : i32
    %dma_wait3A_305 = arith.constant 0 : i32
    %dma_wait3A_306 = tpu.memref_slice %arg5[%dma_wait3A_304, %dma_wait3A_305] : memref<5x80xi32, #tpu.memory_space<vmem>> -> memref<1x80xi32, #tpu.memory_space<vmem>>
    %dma_wait3A_307 = tpu.memref_squeeze %dma_wait3A_306 : memref<1x80xi32, #tpu.memory_space<vmem>> -> memref<80xi32, #tpu.memory_space<vmem>>
    %dma_wait3A_308 = arith.constant 0 : i32
    %dma_wait3A_309 = arith.constant 0 : i32
    %dma_wait3A_310 = tpu.memref_slice %arg2[%dma_wait3A_308, %dma_wait3A_309] : memref<10000x128xf32, #tpu.memory_space<hbm>> -> memref<10000x128xf32, #tpu.memory_space<hbm>>
    tpu.wait_indirect_dma semaphore(%arg17 : memref<!tpu.dma_semaphore, #tpu.memory_space<semaphore_mem>>) src(%dma_wait3A_310 : memref<10000x128xf32, #tpu.memory_space<hbm>>) dst(%arg12 : memref<80x128xf32, #tpu.memory_space<vmem>>)
    %run_scoped3A_311 = arith.constant 3 : i32
    "tpu.region"() ({
      %run_scoped3A_326 = tpu.sem_alloc : memref<!tpu.dma_semaphore, #tpu.memory_space<semaphore_mem>>
      %dma_start3A_327 = arith.constant 0 : i32
      %dma_start3A_328 = tpu.memref_slice %arg7[%run_scoped3A_311, %dma_start3A_327] : memref<5x80xi32, #tpu.memory_space<vmem>> -> memref<1x80xi32, #tpu.memory_space<vmem>>
      %dma_start3A_329 = tpu.memref_squeeze %dma_start3A_328 : memref<1x80xi32, #tpu.memory_space<vmem>> -> memref<80xi32, #tpu.memory_space<vmem>>
      %dma_start3A_330 = arith.constant 0 : i32
      %dma_start3A_331 = arith.constant 0 : i32
      %dma_start3A_332 = tpu.memref_slice %arg13[%dma_start3A_330, %dma_start3A_331] : memref<10000x128xf32, #tpu.memory_space<vmem_shared>> -> memref<10000x128xf32, #tpu.memory_space<vmem_shared>>
      tpu.enqueue_indirect_dma source(%arg12 : memref<80x128xf32, #tpu.memory_space<vmem>>) target(%dma_start3A_332 : memref<10000x128xf32, #tpu.memory_space<vmem_shared>>) offsets(%dma_start3A_329 : memref<80xi32, #tpu.memory_space<vmem>>) semaphore(%run_scoped3A_326 : memref<!tpu.dma_semaphore, #tpu.memory_space<semaphore_mem>>) {add = true}
      %dma_wait3A_333 = arith.constant 0 : i32
      %dma_wait3A_334 = tpu.memref_slice %arg7[%run_scoped3A_311, %dma_wait3A_333] : memref<5x80xi32, #tpu.memory_space<vmem>> -> memref<1x80xi32, #tpu.memory_space<vmem>>
      %dma_wait3A_335 = tpu.memref_squeeze %dma_wait3A_334 : memref<1x80xi32, #tpu.memory_space<vmem>> -> memref<80xi32, #tpu.memory_space<vmem>>
      %dma_wait3A_336 = arith.constant 0 : i32
      %dma_wait3A_337 = arith.constant 0 : i32
      %dma_wait3A_338 = tpu.memref_slice %arg13[%dma_wait3A_336, %dma_wait3A_337] : memref<10000x128xf32, #tpu.memory_space<vmem_shared>> -> memref<10000x128xf32, #tpu.memory_space<vmem_shared>>
      tpu.wait_indirect_dma semaphore(%run_scoped3A_326 : memref<!tpu.dma_semaphore, #tpu.memory_space<semaphore_mem>>) src(%arg12 : memref<80x128xf32, #tpu.memory_space<vmem>>) dst(%dma_wait3A_338 : memref<10000x128xf32, #tpu.memory_space<vmem_shared>>)
      tpu.yield
    }) : () -> ()
    %dma_wait3A_312 = arith.constant 4 : i32
    %dma_wait3A_313 = arith.constant 0 : i32
    %dma_wait3A_314 = tpu.memref_slice %arg5[%dma_wait3A_312, %dma_wait3A_313] : memref<5x80xi32, #tpu.memory_space<vmem>> -> memref<1x80xi32, #tpu.memory_space<vmem>>
    %dma_wait3A_315 = tpu.memref_squeeze %dma_wait3A_314 : memref<1x80xi32, #tpu.memory_space<vmem>> -> memref<80xi32, #tpu.memory_space<vmem>>
    %dma_wait3A_316 = arith.constant 0 : i32
    %dma_wait3A_317 = arith.constant 0 : i32
    %dma_wait3A_318 = tpu.memref_slice %arg2[%dma_wait3A_316, %dma_wait3A_317] : memref<10000x128xf32, #tpu.memory_space<hbm>> -> memref<10000x128xf32, #tpu.memory_space<hbm>>
    tpu.wait_indirect_dma semaphore(%arg14 : memref<!tpu.dma_semaphore, #tpu.memory_space<semaphore_mem>>) src(%dma_wait3A_318 : memref<10000x128xf32, #tpu.memory_space<hbm>>) dst(%arg9 : memref<80x128xf32, #tpu.memory_space<vmem>>)
    %run_scoped3A_319 = arith.constant 4 : i32
    "tpu.region"() ({
      %run_scoped3A_326 = tpu.sem_alloc : memref<!tpu.dma_semaphore, #tpu.memory_space<semaphore_mem>>
      %dma_start3A_327 = arith.constant 0 : i32
      %dma_start3A_328 = tpu.memref_slice %arg7[%run_scoped3A_319, %dma_start3A_327] : memref<5x80xi32, #tpu.memory_space<vmem>> -> memref<1x80xi32, #tpu.memory_space<vmem>>
      %dma_start3A_329 = tpu.memref_squeeze %dma_start3A_328 : memref<1x80xi32, #tpu.memory_space<vmem>> -> memref<80xi32, #tpu.memory_space<vmem>>
      %dma_start3A_330 = arith.constant 0 : i32
      %dma_start3A_331 = arith.constant 0 : i32
      %dma_start3A_332 = tpu.memref_slice %arg13[%dma_start3A_330, %dma_start3A_331] : memref<10000x128xf32, #tpu.memory_space<vmem_shared>> -> memref<10000x128xf32, #tpu.memory_space<vmem_shared>>
      tpu.enqueue_indirect_dma source(%arg9 : memref<80x128xf32, #tpu.memory_space<vmem>>) target(%dma_start3A_332 : memref<10000x128xf32, #tpu.memory_space<vmem_shared>>) offsets(%dma_start3A_329 : memref<80xi32, #tpu.memory_space<vmem>>) semaphore(%run_scoped3A_326 : memref<!tpu.dma_semaphore, #tpu.memory_space<semaphore_mem>>) {add = true}
      %dma_wait3A_333 = arith.constant 0 : i32
      %dma_wait3A_334 = tpu.memref_slice %arg7[%run_scoped3A_319, %dma_wait3A_333] : memref<5x80xi32, #tpu.memory_space<vmem>> -> memref<1x80xi32, #tpu.memory_space<vmem>>
      %dma_wait3A_335 = tpu.memref_squeeze %dma_wait3A_334 : memref<1x80xi32, #tpu.memory_space<vmem>> -> memref<80xi32, #tpu.memory_space<vmem>>
      %dma_wait3A_336 = arith.constant 0 : i32
      %dma_wait3A_337 = arith.constant 0 : i32
      %dma_wait3A_338 = tpu.memref_slice %arg13[%dma_wait3A_336, %dma_wait3A_337] : memref<10000x128xf32, #tpu.memory_space<vmem_shared>> -> memref<10000x128xf32, #tpu.memory_space<vmem_shared>>
      tpu.wait_indirect_dma semaphore(%run_scoped3A_326 : memref<!tpu.dma_semaphore, #tpu.memory_space<semaphore_mem>>) src(%arg9 : memref<80x128xf32, #tpu.memory_space<vmem>>) dst(%dma_wait3A_338 : memref<10000x128xf32, #tpu.memory_space<vmem_shared>>)
      tpu.yield
    }) : () -> ()
    %barrier3A_320 = arith.constant 0 : index
    tpu.barrier barrier_id(%barrier3A_320)
    "tpu.region"() ({
      %run_scoped3A_326 = tpu.sem_alloc : memref<!tpu.dma_semaphore, #tpu.memory_space<semaphore_mem>>
      %dma_start3A_327 = arith.constant 0 : i32
      %dma_start3A_328 = tpu.memref_slice %arg4[%arg0, %mul3A_26, %dma_start3A_327] : memref<2x10000x128xf32, #tpu.memory_space<hbm>> -> memref<1x624x128xf32, #tpu.memory_space<hbm>>
      %dma_start3A_329 = tpu.memref_squeeze %dma_start3A_328 : memref<1x624x128xf32, #tpu.memory_space<hbm>> -> memref<624x128xf32, #tpu.memory_space<hbm>>
      %dma_start3A_330 = arith.constant 0 : i32
      %dma_start3A_331 = tpu.memref_slice %arg13[%mul3A_26, %dma_start3A_330] : memref<10000x128xf32, #tpu.memory_space<vmem_shared>> -> memref<624x128xf32, #tpu.memory_space<vmem_shared>>
      tpu.enqueue_dma source(%dma_start3A_331 : memref<624x128xf32, #tpu.memory_space<vmem_shared>>) target(%dma_start3A_329 : memref<624x128xf32, #tpu.memory_space<hbm>>) target_semaphore(%run_scoped3A_326 : memref<!tpu.dma_semaphore, #tpu.memory_space<semaphore_mem>>)
      %dma_wait3A_332 = arith.constant 0 : i32
      %dma_wait3A_333 = tpu.memref_slice %arg4[%arg0, %mul3A_26, %dma_wait3A_332] : memref<2x10000x128xf32, #tpu.memory_space<hbm>> -> memref<1x624x128xf32, #tpu.memory_space<hbm>>
      %dma_wait3A_334 = tpu.memref_squeeze %dma_wait3A_333 : memref<1x624x128xf32, #tpu.memory_space<hbm>> -> memref<624x128xf32, #tpu.memory_space<hbm>>
      %dma_wait3A_335 = arith.constant 0 : i32
      %dma_wait3A_336 = tpu.memref_slice %arg13[%mul3A_26, %dma_wait3A_335] : memref<10000x128xf32, #tpu.memory_space<vmem_shared>> -> memref<624x128xf32, #tpu.memory_space<vmem_shared>>
      tpu.wait_dma2 semaphore(%run_scoped3A_326 : memref<!tpu.dma_semaphore, #tpu.memory_space<semaphore_mem>>) src(%dma_wait3A_336 : memref<624x128xf32, #tpu.memory_space<vmem_shared>>) dst(%dma_wait3A_334 : memref<624x128xf32, #tpu.memory_space<hbm>>)
      tpu.yield
    }) : () -> ()
    %eq3A_321 = arith.constant 15 : i32
    %eq3A_322 = arith.cmpi eq, %arg1, %eq3A_321 : i32
    %convert_element_type3A_323 = arith.extui %eq3A_322 : i1 to i32
    %cond3A_324 = arith.constant 0 : i32
    %cond3A_325 = arith.cmpi ne, %convert_element_type3A_323, %cond3A_324 : i32
    scf.if %cond3A_325 {
      "tpu.region"() ({
        %run_scoped3A_326 = tpu.sem_alloc : memref<!tpu.dma_semaphore, #tpu.memory_space<semaphore_mem>>
        %dma_start3A_327 = arith.constant 9984 : i32
        %dma_start3A_328 = arith.constant 0 : i32
        %dma_start3A_329 = tpu.memref_slice %arg4[%arg0, %dma_start3A_327, %dma_start3A_328] : memref<2x10000x128xf32, #tpu.memory_space<hbm>> -> memref<1x16x128xf32, #tpu.memory_space<hbm>>
        %dma_start3A_330 = tpu.memref_squeeze %dma_start3A_329 : memref<1x16x128xf32, #tpu.memory_space<hbm>> -> memref<16x128xf32, #tpu.memory_space<hbm>>
        %dma_start3A_331 = arith.constant 9984 : i32
        %dma_start3A_332 = arith.constant 0 : i32
        %dma_start3A_333 = tpu.memref_slice %arg13[%dma_start3A_331, %dma_start3A_332] : memref<10000x128xf32, #tpu.memory_space<vmem_shared>> -> memref<16x128xf32, #tpu.memory_space<vmem_shared>>
        tpu.enqueue_dma source(%dma_start3A_333 : memref<16x128xf32, #tpu.memory_space<vmem_shared>>) target(%dma_start3A_330 : memref<16x128xf32, #tpu.memory_space<hbm>>) target_semaphore(%run_scoped3A_326 : memref<!tpu.dma_semaphore, #tpu.memory_space<semaphore_mem>>)
        %dma_wait3A_334 = arith.constant 9984 : i32
        %dma_wait3A_335 = arith.constant 0 : i32
        %dma_wait3A_336 = tpu.memref_slice %arg4[%arg0, %dma_wait3A_334, %dma_wait3A_335] : memref<2x10000x128xf32, #tpu.memory_space<hbm>> -> memref<1x16x128xf32, #tpu.memory_space<hbm>>
        %dma_wait3A_337 = tpu.memref_squeeze %dma_wait3A_336 : memref<1x16x128xf32, #tpu.memory_space<hbm>> -> memref<16x128xf32, #tpu.memory_space<hbm>>
        %dma_wait3A_338 = arith.constant 9984 : i32
        %dma_wait3A_339 = arith.constant 0 : i32
        %dma_wait3A_340 = tpu.memref_slice %arg13[%dma_wait3A_338, %dma_wait3A_339] : memref<10000x128xf32, #tpu.memory_space<vmem_shared>> -> memref<16x128xf32, #tpu.memory_space<vmem_shared>>
        tpu.wait_dma2 semaphore(%run_scoped3A_326 : memref<!tpu.dma_semaphore, #tpu.memory_space<semaphore_mem>>) src(%dma_wait3A_340 : memref<16x128xf32, #tpu.memory_space<vmem_shared>>) dst(%dma_wait3A_337 : memref<16x128xf32, #tpu.memory_space<hbm>>)
        tpu.yield
      }) : () -> ()
    } else {
    }
    return
  }
}

module attributes {stable_mosaic.version = 14 : i64} {
  func.func @add_kernel(%arg0: memref<10000x128xf32, #tpu.memory_space<vmem>>, %arg1: memref<10000x128xf32, #tpu.memory_space<vmem>>, %arg2: memref<10000x128xf32, #tpu.memory_space<vmem>>) attributes {dimension_semantics = [], scalar_prefetch = 0 : i64, scratch_operands = 0 : i64, tpu.core_type = #tpu.core_type<tc>} {
    %get3A = arith.constant 0 : index
    %get3A_0 = arith.constant 0 : index
    %get3A_1 = vector.load %arg0[%get3A, %get3A_0] : memref<10000x128xf32, #tpu.memory_space<vmem>>, vector<10000x128xf32>
    %get3A_2 = arith.constant 0 : index
    %get3A_3 = arith.constant 0 : index
    %get3A_4 = vector.load %arg1[%get3A_2, %get3A_3] : memref<10000x128xf32, #tpu.memory_space<vmem>>, vector<10000x128xf32>
    %add3A = arith.addf %get3A_1, %get3A_4 : vector<10000x128xf32>
    %swap3A = arith.constant 0 : index
    %swap3A_5 = arith.constant 0 : index
    %swap3A_6 = vector.load %arg2[%swap3A, %swap3A_5] : memref<10000x128xf32, #tpu.memory_space<vmem>>, vector<10000x128xf32>
    tpu.vector_store %arg2[%swap3A, %swap3A_5], %add3A {strides = array<i32>} : memref<10000x128xf32, #tpu.memory_space<vmem>>, vector<10000x128xf32>,
    return
  }
}

</mosaic_0001>

<sc_bundles>
// kernel: kernel.4.cloned.1.call-start
scs
__scs_entry_jumppad:
0x0: {  	(pc) =	sbr.rel $0x88, $3  }
0x1: {  	(tag) =	ssettag $0x0;
	lr =	simm.s32 $0x1  }
0x2: {  	[smem:$0x3F9F] =	sst lr;
	_ =	strace $0xD0000000  }
0x3: {  	_ = 	snop  }
0x4: {  	_ = 	snop  }
0x5: {  	_ = 	snop  }
0x6: {  	_ = 	snop  }
0x7: {  	_ = 	snop  }
__scs_overlays_trampoline_lowered:
0x8: {  	[smem:$0x3FAE] =	sst s0  }
0x9: {  	[smem:$0x3FAF] =	sst s1  }
0xa: {  	[smem:$0x3FB0] =	sst s2  }
0xb: {  	[smem:$0x3FB1] =	sst s3  }
0xc: {  	[smem:$0x3FB2] =	sst s4  }
0xd: {  	[smem:$0x3FB3] =	sst s5  }
0xe: {  	[smem:$0x3FB4] =	sst s6  }
0xf: {  	[smem:$0x3FB5] =	sst s7  }
0x10: {  	[smem:$0x3FB6] =	sst s8  }
0x11: {  	[smem:$0x3FB7] =	sst s9;
	s0 =	simm.s32 @!p0 $0x0  }
0x12: {  	s1 =	sld [smem:$0x3F9D];
	s0 =	simm.s32 @p0 $0x1  }
0x13: {  	[smem:$0x3FB8] =	sst s0;
	s0 =	simm.s32 @!p1 $0x0  }
0x14: {  	s2 =	sld [smem:$0x3F9C];
	s0 =	simm.s32 @p1 $0x1  }
0x15: {  	[smem:$0x3FB9] =	sst s0;
	s0 =	simm.s32 @!p2 $0x0  }
0x16: {  	s3 =	sld [smem:$0x3FDB];
	s0 =	simm.s32 @p2 $0x1  }
0x17: {  	s4 =	simm.s32 $0x1BF5;
	[smem:$0x3FBB] =	sst s0  }
0x18: {  	s0 =	sld [smem:$0x3F9E];
	_ =	swait.ge [sflag:s4], $0x0  }
0x19: {  	s7 =	sld [smem:$0x3F9F]  }
0x1a: {  	s8 =	sadd.s32 $0xFFFFE003, lr  }
0x1b: {  	s9 =	sadd.s32 $0xFFFFFEF7, lr;
	s5 =	simm.s32 $0xFFFFFFFF;
	p2 =	slt.u32 s8, $0xFFFFF086  }
0x1c: {  	p1 =	slt.u32 s9, $0xF7A;
	s5 =	simm.s32 @!p2 $0x0  }
0x1d: {  	s5 =	simm.s32 @p1 $0x1;
	p0 =	seq.s32 s7, s2  }
0x1e: {  	s7 =	smul.u32 @!p0 $0xF7A, s2;
	p2 =	seq.s32 @!p0 s5, $0x0  }
0x1f: {  	s9 =	smul.u32 $0xF7A, s1;
	s8 =	simm.s32 @!p0 $0x1BF5;
	p2 =	por !p2, p0  }
0x20: {  	[sflag:s8] =	ssyncset.s32 @!p0 $0xFFFFF086;
	s6 =	sadd.s32 @!p0 s3, s7;
	s7 =	simm.s32 @!p0 $0x108  }
0x21: {  	s3 =	sadd.s32 s3, s9;
	s6 =	sadd.s32 @!p0 $0x88, s6;
	s7 =	simm.s32 @p2 $0x1082  }
0x22: {  	[simem:s7], [sflag:s8] =	dma.local @!p0 [hbm:s6], $0xF7A  }
0x23: {  	s9 =	sor.u32 $0xD0000000, s2;
	s6 =	simm.s32 $0x108;
	_ =	swait.ge @!p0 [sflag:s8], $0x0  }
0x24: {  	s3 =	sadd.s32 $0x88, s3;
	s6 =	simm.s32 @!p1 $0x1082;
	[sflag:s4] =	ssyncset.s32 $0xFFFFF086  }
0x25: {  	[simem:s6], [sflag:s4] =	dma.local [hbm:s3], $0xF7A  }
0x26: {  	[smem:$0x3F9F] =	sst s1;
	(tag) =	ssettag s2;
	_ =	strace s9  }
0x27: {  	s1 =	sld [smem:$0x3FAF]  }
0x28: {  	s2 =	sld [smem:$0x3FB0]  }
0x29: {  	s4 =	sld [smem:$0x3FB2]  }
0x2a: {  	p0 =	seq.s32 s5, $0x0;
	s5 =	sld [smem:$0x3FB3]  }
0x2b: {  	s6 =	sld [smem:$0x3FB4]  }
0x2c: {  	s7 =	sld [smem:$0x3FB5]  }
0x2d: {  	s3 =	simm.s32 $0x108;
	s8 =	sld [smem:$0x3FB6]  }
0x2e: {  	s3 =	simm.s32 @!p0 $0x1082;
	s9 =	sld [smem:$0x3FB7]  }
0x2f: {  	lr =	sadd.s32 s0, s3;
	s0 =	sld [smem:$0x3FAE]  }
0x30: {  	s3 =	sld [smem:$0x3FB1]  }
0x31: {  	[smem:$0x3FBA] =	sst s10  }
0x32: {  	s10 =	sld [smem:$0x3FB8];
	_ =	sdelay $0x3  }
0x33: {  	p0 =	seq.s32 s10, $0x1;
	s10 =	sld [smem:$0x3FBA];
	_ =	sdelay $0x3  }
0x34: {  	[smem:$0x3FBA] =	sst s10  }
0x35: {  	s10 =	sld [smem:$0x3FB9];
	_ =	sdelay $0x3  }
0x36: {  	p1 =	seq.s32 s10, $0x1;
	s10 =	sld [smem:$0x3FBA];
	_ =	sdelay $0x3  }
0x37: {  	[smem:$0x3FBA] =	sst s10  }
0x38: {  	s10 =	sld [smem:$0x3FBB]  }
0x39: {  	_ = 	snop;
	(pc) =	sbr.ind lr, $3  }
0x3a: {  	_ = 	snop  }
0x3b: {  	_ = 	snop  }
0x3c: {  	p2 =	seq.s32 s10, $0x1;
	s10 =	sld [smem:$0x3FBA]  }
0x3d: {  	_ =	shalt  }
0x3e: {  	_ =	shalt  }
0x3f: {  	_ =	shalt  }
0x40: {  	_ =	shalt  }
0x41: {  	_ =	shalt  }
0x42: {  	_ =	shalt  }
0x43: {  	_ =	shalt  }
0x44: {  	_ =	shalt  }
0x45: {  	_ =	shalt  }
0x46: {  	_ =	shalt  }
0x47: {  	_ =	shalt  }
0x48: {  	_ =	shalt  }
0x49: {  	_ =	shalt  }
0x4a: {  	_ =	shalt  }
0x4b: {  	_ =	shalt  }
0x4c: {  	_ =	shalt  }
0x4d: {  	_ =	shalt  }
0x4e: {  	_ =	shalt  }
0x4f: {  	_ =	shalt  }
0x50: {  	_ =	shalt  }
0x51: {  	_ =	shalt  }
0x52: {  	_ =	shalt  }
0x53: {  	_ =	shalt  }
0x54: {  	_ =	shalt  }
0x55: {  	_ =	shalt  }
0x56: {  	_ =	shalt  }
0x57: {  	_ =	shalt  }
0x58: {  	_ =	shalt  }
0x59: {  	_ =	shalt  }
0x5a: {  	_ =	shalt  }
0x5b: {  	_ =	shalt  }
0x5c: {  	_ =	shalt  }
0x5d: {  	_ =	shalt  }
0x5e: {  	_ =	shalt  }
0x5f: {  	_ =	shalt  }
0x60: {  	_ =	shalt  }
0x61: {  	_ =	shalt  }
0x62: {  	_ =	shalt  }
0x63: {  	_ =	shalt  }
0x64: {  	_ =	shalt  }
0x65: {  	_ =	shalt  }
0x66: {  	_ =	shalt  }
0x67: {  	_ =	shalt  }
0x68: {  	_ =	shalt  }
0x69: {  	_ =	shalt  }
0x6a: {  	_ =	shalt  }
0x6b: {  	_ =	shalt  }
0x6c: {  	_ =	shalt  }
0x6d: {  	_ =	shalt  }
0x6e: {  	_ =	shalt  }
0x6f: {  	_ =	shalt  }
0x70: {  	_ =	shalt  }
0x71: {  	_ =	shalt  }
0x72: {  	_ =	shalt  }
0x73: {  	_ =	shalt  }
0x74: {  	_ =	shalt  }
0x75: {  	_ =	shalt  }
0x76: {  	_ =	shalt  }
0x77: {  	_ =	shalt  }
0x78: {  	_ =	shalt  }
0x79: {  	_ =	shalt  }
0x7a: {  	_ =	shalt  }
0x7b: {  	_ =	shalt  }
0x7c: {  	_ =	shalt  }
0x7d: {  	_ =	shalt  }
0x7e: {  	_ =	shalt  }
0x7f: {  	_ =	shalt  }
0x80: {  	_ =	shalt  }
0x81: {  	_ =	shalt  }
0x82: {  	_ =	shalt  }
0x83: {  	_ =	shalt  }
0x84: {  	_ =	shalt  }
0x85: {  	_ =	shalt  }
0x86: {  	_ =	shalt  }
0x87: {  	_ =	shalt  }
.Lfunc_end0:
.L_simem_size_0:
called_computation_lowered:
.L_overlay_start_0:
0x88: {  	s2 =	sld [smem:$0x3FD9]  }
0x89: {  	s3 =	sld [smem:$0x3FFE];
	_ =	sdelay $0x1  }
0x8a: {  	s1 =	srdreg.scid  }
0x8b: {  	s0 =	sand.u32 $0x1, s1  }
0x8c: {  	s17 =	sshll.u32 s0, $0xA;
	s2 =	sadd.s32 s3, s2  }
0x8d: {  	s2 =	sadd.s32 s2, s17  }
0x8e: {  	[smem:$0x3FC6] =	sst s2  }
0x8f: {  	_ = 	snop  }
0x90: {  	s2 =	sld [smem:$0x3FC9];
	(tm) =	ssettm $0x1  }
0x91: {  	s18 =	sld [smem:$0x3FFB];
	_ =	sdelay $0x3  }
0x92: {  	_ =	strace s18  }
0x93: {  	s3 =	sld [smem:$0x3FFC];
	_ =	sdelay $0x3  }
0x94: {  	_ =	strace s3  }
0x95: {  	s3 =	sld [smem:$0x3FFD];
	_ =	sdelay $0x3  }
0x96: {  	_ =	strace s3  }
0x97: {  	_ =	strace $0x8FFFFFFF  }
0x98: {  	s19 =	sld [smem:$0x3FDB];
	_ =	sdelay $0x1  }
0x99: {  	s4 =	simm.s32 $_scs_section_size  }
0x9a: {  	s5 =	simm.s32 $_size__tile_overlayer_lowered;
	s6 =	simm.s32 $_tile_overlayer_lowered  }
0x9b: {  	s22 =	simm.s32 $0x1BFF;
	s21 =	sshll.u32 s6, $0x1;
	s3 =	sadd.s32 s4, s19  }
0x9c: {  	s7 =	simm.s32 $0x0;
	s20 =	sshll.u32 s5, $0x1;
	s5 =	sadd.s32 s21, s3  }
0x9d: {  	[timem:s7], [sflag:s22] =	dma.local [hbm:s5], s20  }
0x9e: {  	_ =	swait.ge [sflag:s22], s20  }
0x9f: {  	s4 =	ssub.s32 $0x0, s20;
	[sflag:s22] =	ssyncset.done $0x0  }
0xa0: {  	[sflag:s22] =	ssyncadd.s32 s4;
	_ =	sdelay $0x1  }
0xa1: {  	s23 =	simm.s32 $0x1B8B  }
0xa2: {  	_ =	swait.ge [sflag:s23], $0x1  }
0xa3: {  	[sflag:s23] =	ssyncset.done $0x0  }
0xa4: {  	s25 =	simm.s32 $0x1B8E;
	s24 =	sld [smem:$0x3FFE];
	[sflag:s23] =	ssyncadd.s32 $0xFFFFFFFF  }
0xa5: {  	s26 =	simm.s32 $execute0_lowered;
	[smem:$0x3FD2] =	sst s25  }
0xa6: {  	s5 =	sshll.u32 s26, $0x1;
	_ =	strace $0x80000046;
	[dreg:$0x1] =	wrdreg $0xFFFFFFFF  }
0xa7: {  	s28 =	simm.s32 $_size_execute0_lowered;
	s3 =	sadd.s32 s3, s5;
	[dreg:$0x0] =	wrdreg $0x0  }
0xa8: {  	s5 =	sshll.u32 s28, $0x1;
	[dreg:$0x2] =	wrdreg s3  }
0xa9: {  	[dreg:$0x3] =	wrdreg s5  }
0xaa: {  	[dreg:$0x4] =	wrdreg $0xC0  }
0xab: {  	_ =	task [dreg:s7], $0x5FFFF  }
0xac: {  	[dreg:$0x1] =	wrdreg $0xFFFFFFFF  }
0xad: {  	[dreg:$0x0] =	wrdreg $0x60  }
0xae: {  	[dreg:$0x2] =	wrdreg s2  }
0xaf: {  	[dreg:$0x3] =	wrdreg s24  }
0xb0: {  	[dreg:$0x4] =	wrdreg $0xB0000  }
0xb1: {  	[dreg:$0x5] =	wrdreg $0x9  }
0xb2: {  	_ =	task.clear_ibuf [dreg:s7], $0x6FFFF;
	_ =	strace $0x90000046  }
0xb3: {  	s29 =	simm.s32 $0x9;
	_ =	strace $0x80000048  }
0xb4: {  	_ =	swait.ge [sflag:s29], $0x1  }
0xb5: {  	[sflag:s29] =	ssyncadd.s32 $0xFFFFFFFF  }
0xb6: {  	_ =	strace $0x90000048  }
0xb7: {  	_ =	sfence  }
0xb8: {  	s30 =	sld [smem:$0x0];
	_ =	sdelay $0x2  }
0xb9: {  	s31 =	sshll.u32 s1, $0xD;
	s1 =	sshrl.u32 s1, $0x2  }
0xba: {  	s3 =	sand.u32 $0x4000, s31;
	s1 =	sadd.s32 s1, s30  }
0xbb: {  	s0 =	sor.u32 s3, s0;
	s1 =	sshll.u32 s1, $0x11  }
0xbc: {  	s0 =	sor.u32 s1, s0  }
0xbd: {  	s0 =	sadd.s32 $0x8F2B, s0  }
0xbe: {  	[sflag:s0] =	ssyncadd.remote.s32 $0x1  }
0xbf: {  	_ =	sfence.sel $0xFFFF  }
0xc0: {  	[dreg:$0x0] =	wrdreg $0xFFFFFFFF;
	(pc) =	sbr.abs _section_cstart, $3  }
0xc1: {  	[dreg:$0x1] =	wrdreg $0xFFFFFFFF  }
0xc2: {  	_ =	task.clear_ibuf [dreg:s7], $0x2FFFF;
	_ =	strace $0x9FFFFFFF  }
0xc3: {  	(tm) =	ssettm $0x7FFFFFFF  }
tec
execute0_lowered:
.L_overlay_start_1:
0x0: {  	(tag) =	ssettag $0x1  }
0x1: {  	s0 =	rddreg [dreg:$0x0]  }
0x2: {  	s1 =	srdreg.scid;
	s2 =	rddreg [dreg:$0x1]  }
0x3: {  	s3 =	rddreg [dreg:$0x2];
	s9 =	stileid.u32;
	s4 =	simm.s32 $0x0  }
0x4: {  	s29 =	simm.s32 $0x6000;
	s30 =	simm.s32 $0x4;
	s31 =	simm.s32 $0x400  }
0x5: {  	s28 =	simm.s32 $0x500;
	s1 =	sand.u32 $0x1, s1;
	s7 =	smul.u32 $0x4E000, s9  }
0x6: {  	[smem:$0x7FF] =	sst s4;
	s15 =	sadd.s32 $0x600, s2;
	s16 =	smul.u32 $0x13800, s9  }
0x7: {  	s2 =	sadd.s32 $0x32600, s2;
	s21 =	smul.u32 $0x6400, s9;
	p0 =	sne.s32 s9, $0xF  }
0x8: {  	s5 =	sshll.u32 s1, $0x4;
	_ =	strace $0x80000047;
	s11 =	smul.u32 $0x138800, s1  }
0x9: {  	s6 =	ssub.s32 $0x2, s1;
	s1 =	smul.u32 $0x64000, s1;
	s5 =	sor.u32 s9, s5  }
0xa: {  	s8 =	sshrl.u32 s6, $0x1;
	s7 =	sshrl.u32 s7, $0x2;
	s9 =	simm.s32 $0x1  }
0xb: {  	s5 =	smul.u32 $0x6400, s5;
	s6 =	ssub.s32 s6, s8;
	s13 =	sadd.s32 s7, s3  }
0xc: {  	s7 =	sadd.s32 s16, s11;
	s1 =	sadd.s32 s21, s1;
	s14 =	sadd.s32 $0x2700, s13  }
0xd: {  	s17 =	sadd.s32 $0x4E00, s13;
	s18 =	sadd.s32 $0x7500, s13;
	[dreg:$0xc] =	wrdreg s13  }
0xe: {  	s19 =	sadd.s32 $0x9C00, s13;
	s20 =	sadd.s32 $0xC300, s13;
	[dreg:$0xe] =	wrdreg s14  }
0xf: {  	s22 =	sadd.s32 $0x11100, s13;
	s7 =	sshrl.u32 s7, $0x3;
	[dreg:$0xf] =	wrdreg s17  }
0x10: {  	s8 =	sadd.s32 $0xC9000, s1;
	s25 =	smax.u32 s6, $0x1;
	[dreg:$0x10] =	wrdreg s18  }
0x11: {  	s26 =	sadd.s32 $0xC00, s1;
	s6 =	sadd.s32 $0xC8C00, s1;
	[dreg:$0x11] =	wrdreg s19  }
0x12: {  	s16 =	sadd.s32 $0x400, s1;
	s5 =	sshrl.u32 s5, $0x3;
	[dreg:$0x12] =	wrdreg s20  }
0x13: {  	[dreg:$0x14] =	wrdreg s22;
	s17 =	sadd.s32 $0x138000, s3;
	s24 =	sshrl.u32 s8, $0x3  }
0x14: {  	[dreg:$0x18] =	wrdreg s25;
	s18 =	sadd.s32 $0xC8400, s1;
	s22 =	simm.s32 $0x0  }
0x15: {  	s25 =	simm.s32 $0x980;
	s10 =	sadd.s32 s15, s5;
	[dreg:$0x1a] =	wrdreg s22  }
0x16: {  	s5 =	sshrl.u32 s11, $0x3;
	s20 =	sshrl.u32 s18, $0x3;
	[dreg:$0x15] =	wrdreg s17  }
0x17: {  	s18 =	simm.s32 $0x80;
	[dreg:$0xb] =	wrdreg s10;
	s12 =	sadd.s32 $0x19000, s10  }
0x18: {  	s10 =	sadd.s32 $0xEA00, s13;
	s5 =	sadd.s32 s2, s5;
	[dreg:$0xd] =	wrdreg s12  }
0x19: {  	s2 =	sadd.s32 s2, s7;
	s7 =	sadd.s32 $0x800, s1;
	[dreg:$0x13] =	wrdreg s10  }
0x1a: {  	s21 =	sadd.s32 s20, s15;
	s20 =	simm.s32 $0x480;
	[dreg:$0x16] =	wrdreg s2  }
0x1b: {  	s23 =	sadd.s32 $0x27000, s5;
	s2 =	sadd.s32 s24, s15;
	s5 =	sshrl.u32 s26, $0x3  }
0x1c: {  	s10 =	sshrl.u32 s7, $0x3;
	s12 =	sadd.s32 $0xC8800, s1;
	[dreg:$0xa] =	wrdreg s21  }
0x1d: {  	s1 =	sadd.s32 $0x1000, s1;
	s24 =	simm.s32 $0x50;
	[dreg:$0x17] =	wrdreg s23  }
0x1e: {  	s26 =	simm.s32 $0x3800;
	s7 =	simm.s32 $0x880;
	[dreg:$0x4] =	wrdreg s2  }
0x1f: {  	s2 =	sadd.s32 s5, s15;
	s5 =	sshrl.u32 s6, $0x3;
	s11 =	sadd.s32 s10, s15  }
0x20: {  	s14 =	sshrl.u32 s12, $0x3;
	[dreg:$0x19] =	wrdreg s1;
	s23 =	simm.s32 $0x5  }
0x21: {  	s6 =	simm.s32 $0x100;
	s1 =	simm.s32 $0xC00;
	s10 =	simm.s32 $0x6  }
0x22: {  	s12 =	simm.s32 $0x2;
	[dreg:$0x5] =	wrdreg s2;
	s8 =	sadd.s32 s5, s15  }
0x23: {  	[dreg:$0x7] =	wrdreg s11;
	s2 =	sadd.s32 s14, s15;
	s5 =	sshrl.u32 s16, $0x3  }
0x24: {  	s11 =	simm.s32 $0x800;
	s16 =	simm.s32 $0x180;
	[dreg:$0x6] =	wrdreg s8  }
0x25: {  	s14 =	simm.s32 $0x3;
	[dreg:$0x8] =	wrdreg s2;
	s19 =	sadd.s32 s5, s15  }
0x26: {  	v0 =	vimm.f32 $0.0e+00;
	s5 =	simm.s32 $0x900;
	[dreg:$0x9] =	wrdreg s19;
	s19 =	simm.s32 $0x200  }
.LBB2_1:
0x27: {  	s2 =	rddreg [dreg:$0xd]  }
0x28: {  	[tilespmem:s4], [sflag:$0x5] =	stream.linear.gather [hbm4b:s2+s4], $0x280, $0x38;
	[tilespmem:$0x1E880] =	vst v63  }
0x29: {  	s22 =	rddreg [dreg:$0xb]  }
0x2a: {  	[tilespmem:s11], [sflag:$0x5] =	stream.linear.gather [hbm4b:s22+s4], $0x280, $0x38;
	[tilespmem:$0x1E880] =	vst v63  }
0x2b: {  	s2 =	simm.s32 $0x0;
	s11 =	simm.s32 $0x200  }
.LBB2_2:
0x2c: {  	p1 =	sne.s32 s11, $0x9A00;
	[tilespmem:s2+$0x1070] =	vst v0  }
0x2d: {  	[tilespmem:s2+$0x1000] =	vst v0  }
0x2e: {  	[tilespmem:s2+$0x1010] =	vst v0  }
.Ltmp0:
0x2f: {  	[tilespmem:s2+$0x1020] =	vst v0;
	(pc) =	sbr.rel @p1 .LBB2_2-.Ltmp0, $4  }
0x30: {  	[tilespmem:s2+$0x1030] =	vst v0  }
0x31: {  	[tilespmem:s2+$0x1040] =	vst v0  }
0x32: {  	[tilespmem:s2+$0x1050] =	vst v0  }
0x33: {  	[tilespmem:s2+$0x1060] =	vst v0;
	s2 =	sshra.s32 s11, $0x2;
	s11 =	sadd.s32 $0x200, s11  }
0x34: {  	[tilespmem:s2+$0x1070] =	vst v0  }
0x35: {  	[tilespmem:s2+$0x1000] =	vst v0  }
0x36: {  	[tilespmem:s2+$0x1010] =	vst v0  }
0x37: {  	[tilespmem:s2+$0x1020] =	vst v0  }
0x38: {  	[tilespmem:s2+$0x1030] =	vst v0  }
0x39: {  	[tilespmem:s2+$0x1040] =	vst v0  }
0x3a: {  	[tilespmem:s2+$0x1050] =	vst v0  }
0x3b: {  	[tilespmem:s2+$0x1060] =	vst v0;
	s22 =	simm.s32 $0x1000  }
0x3c: {  	[spmem:s13] =	stream.linear.scatter [tilespmem:s22], [sflag:$0x4], $0x2700, $0x38;
	[tilespmem:$0x1E880] =	vst v63  }
0x3d: {  	s8 =	rddreg [dreg:$0xe]  }
0x3e: {  	[spmem:s8] =	stream.linear.scatter [tilespmem:s22], [sflag:$0x4], $0x2700, $0x38;
	[tilespmem:$0x1E880] =	vst v63  }
0x3f: {  	s11 =	rddreg [dreg:$0xf]  }
0x40: {  	[spmem:s11] =	stream.linear.scatter [tilespmem:s22], [sflag:$0x4], $0x2700, $0x38;
	[tilespmem:$0x1E880] =	vst v63  }
0x41: {  	s13 =	rddreg [dreg:$0x10]  }
0x42: {  	[spmem:s13] =	stream.linear.scatter [tilespmem:s22], [sflag:$0x4], $0x2700, $0x38;
	[tilespmem:$0x1E880] =	vst v63  }
0x43: {  	s21 =	rddreg [dreg:$0x11]  }
0x44: {  	[spmem:s21] =	stream.linear.scatter [tilespmem:s22], [sflag:$0x4], $0x2700, $0x38;
	[tilespmem:$0x1E880] =	vst v63  }
0x45: {  	s8 =	rddreg [dreg:$0x12]  }
0x46: {  	[spmem:s8] =	stream.linear.scatter [tilespmem:s22], [sflag:$0x4], $0x2700, $0x38;
	[tilespmem:$0x1E880] =	vst v63  }
0x47: {  	s11 =	rddreg [dreg:$0x13]  }
0x48: {  	[spmem:s11] =	stream.linear.scatter [tilespmem:s22], [sflag:$0x4], $0x2700, $0x38;
	[tilespmem:$0x1E880] =	vst v63  }
0x49: {  	s13 =	rddreg [dreg:$0x14]  }
0x4a: {  	[spmem:s13] =	stream.linear.scatter [tilespmem:s22], [sflag:$0x4], $0x2700, $0x38;
	[tilespmem:$0x1E880] =	vst v63  }
0x4b: {  	s2 =	simm.s32 @!p0 $0x1000  }
0x4c: {  	[spmem:s17] =	stream.linear.scatter @!p0 [tilespmem:s2], [sflag:$0x6], $0x800, $0x38;
	[tilespmem:$0x1E880] =	vst v63  }
0x4d: {  	s2 =	simm.s32 @!p0 $0x6  }
0x4e: {  	_ =	swait.ge @!p0 [sflag:s2], $0x800  }
0x4f: {  	[sflag:s2] =	ssyncset.done @!p0 $0x0  }
0x50: {  	[sflag:s2] =	ssyncadd.s32 @!p0 $0xFFFFF800  }
0x51: {  	_ =	swait.ge [sflag:s23], $0x280  }
0x52: {  	[sflag:s23] =	ssyncset.done $0x0  }
0x53: {  	[sflag:s23] =	ssyncadd.s32 $0xFFFFFD80  }
0x54: {  	_ =	swait.ge [sflag:s23], $0x280  }
0x55: {  	[sflag:s23] =	ssyncset.done $0x0  }
0x56: {  	[sflag:s23] =	ssyncadd.s32 $0xFFFFFD80  }
0x57: {  	[tilespmem:s26], [sflag:$0x2] =	stream.indirect.gather [hbm4b:s0+s24], $0x80, s18, s24, $0xb8;
	[tilespmem:$0x1E880] =	vst v63  }
0x58: {  	_ = 	snop  }
0x59: {  	[tilespmem:s29], [sflag:$0x3] =	stream.indirect.gather [hbm4b:s0+s24], $0x80, s6, s24, $0xb8;
	[tilespmem:$0x1E880] =	vst v63  }
0x5a: {  	_ =	swait.ge [sflag:s30], $0x2700  }
0x5b: {  	[sflag:s30] =	ssyncset.done $0x0  }
0x5c: {  	[sflag:s30] =	ssyncadd.s32 $0xFFFFD900  }
0x5d: {  	_ =	swait.ge [sflag:s30], $0x2700  }
0x5e: {  	[sflag:s30] =	ssyncset.done $0x0  }
0x5f: {  	[sflag:s30] =	ssyncadd.s32 $0xFFFFD900  }
0x60: {  	_ =	swait.ge [sflag:s30], $0x2700  }
0x61: {  	[sflag:s30] =	ssyncset.done $0x0  }
0x62: {  	[sflag:s30] =	ssyncadd.s32 $0xFFFFD900  }
0x63: {  	_ =	swait.ge [sflag:s30], $0x2700  }
0x64: {  	[sflag:s30] =	ssyncset.done $0x0  }
0x65: {  	[sflag:s30] =	ssyncadd.s32 $0xFFFFD900  }
0x66: {  	_ =	swait.ge [sflag:s30], $0x2700  }
0x67: {  	[sflag:s30] =	ssyncset.done $0x0  }
0x68: {  	[sflag:s30] =	ssyncadd.s32 $0xFFFFD900  }
0x69: {  	_ =	swait.ge [sflag:s30], $0x2700  }
0x6a: {  	[sflag:s30] =	ssyncset.done $0x0  }
0x6b: {  	[sflag:s30] =	ssyncadd.s32 $0xFFFFD900  }
0x6c: {  	_ =	swait.ge [sflag:s30], $0x2700  }
0x6d: {  	[sflag:s30] =	ssyncset.done $0x0  }
0x6e: {  	[sflag:s30] =	ssyncadd.s32 $0xFFFFD900  }
0x6f: {  	_ =	swait.ge [sflag:s30], $0x2700  }
0x70: {  	[sflag:s30] =	ssyncset.done $0x0  }
0x71: {  	s17 =	simm.s32 $0x0;
	[sflag:s30] =	ssyncadd.s32 $0xFFFFD900  }
0x72: {  	[tilespmem:s22], [sflag:$0x1] =	stream.indirect.gather [hbm4b:s0+s24], $0x80, s17, s24, $0xb8;
	[tilespmem:$0x1E880] =	vst v63  }
0x73: {  	[bflag:$0x0] =	sbarrier.arrive $0xFFFF  }
0x74: {  	s21 =	rddreg [dreg:$0xa]  }
0x75: {  	s11 =	rddreg [dreg:$0x9];
	s2 =	sadd.s32 $0x0, s21  }
0x76: {  	[tilespmem:s31], [sflag:$0x5] =	stream.linear.gather [hbm4b:s2+s4], $0x280, $0x38;
	[tilespmem:$0x1E880] =	vst v63  }
0x77: {  	s8 =	sadd.s32 $0x0, s11  }
0x78: {  	[tilespmem:s1], [sflag:$0x5] =	stream.linear.gather [hbm4b:s8+s4], $0x280, $0x38;
	[tilespmem:$0x1E880] =	vst v63  }
0x79: {  	s8 =	simm.s32 $0x8800  }
0x7a: {  	[tilespmem:s8], [sflag:$0x4] =	stream.indirect.gather [hbm4b:s0+s24], $0x80, s16, s24, $0xb8;
	[tilespmem:$0x1E880] =	vst v63  }
0x7b: {  	_ =	swait.ge [sflag:s9], $0x2800  }
0x7c: {  	[sflag:s9] =	ssyncset.done $0x0  }
0x7d: {  	s21 =	simm.s32 $0x800;
	[sflag:s9] =	ssyncadd.s32 $0xFFFFD800  }
0x7e: {  	[spmem:s3] =	stream.indirect.scatter.add.f32 [tilespmem:s22], [sflag:$0x6], $0x80, s21, s24, $0xb8;
	[tilespmem:$0x1E880] =	vst v63  }
0x7f: {  	_ =	swait.ge [sflag:s10], $0x2800  }
0x80: {  	[sflag:s10] =	ssyncset.done $0x0  }
0x81: {  	[sflag:s10] =	ssyncadd.s32 $0xFFFFD800  }
0x82: {  	[tilespmem:s22], [sflag:$0x1] =	stream.indirect.gather [hbm4b:s0+s24], $0x80, s19, s24, $0xb8;
	[tilespmem:$0x1E880] =	vst v63  }
0x83: {  	_ =	swait.ge [sflag:s12], $0x2800  }
0x84: {  	[sflag:s12] =	ssyncset.done $0x0  }
0x85: {  	[sflag:s12] =	ssyncadd.s32 $0xFFFFD800  }
0x86: {  	[spmem:s3] =	stream.indirect.scatter.add.f32 [tilespmem:s26], [sflag:$0x6], $0x80, s7, s24, $0xb8;
	[tilespmem:$0x1E880] =	vst v63  }
0x87: {  	_ =	swait.ge [sflag:s10], $0x2800  }
0x88: {  	[sflag:s10] =	ssyncset.done $0x0  }
0x89: {  	[sflag:s10] =	ssyncadd.s32 $0xFFFFD800  }
0x8a: {  	_ =	swait.ge [sflag:s23], $0x280  }
0x8b: {  	[sflag:s23] =	ssyncset.done $0x0  }
0x8c: {  	[sflag:s23] =	ssyncadd.s32 $0xFFFFFD80  }
0x8d: {  	_ =	swait.ge [sflag:s23], $0x280  }
0x8e: {  	[sflag:s23] =	ssyncset.done $0x0  }
0x8f: {  	[sflag:s23] =	ssyncadd.s32 $0xFFFFFD80  }
0x90: {  	[tilespmem:s26], [sflag:$0x2] =	stream.indirect.gather [hbm4b:s0+s24], $0x80, s31, s24, $0xb8;
	[tilespmem:$0x1E880] =	vst v63  }
0x91: {  	_ =	swait.ge [sflag:s14], $0x2800  }
0x92: {  	[sflag:s14] =	ssyncset.done $0x0  }
0x93: {  	[sflag:s14] =	ssyncadd.s32 $0xFFFFD800  }
0x94: {  	[spmem:s3] =	stream.indirect.scatter.add.f32 [tilespmem:s29], [sflag:$0x6], $0x80, s5, s24, $0xb8;
	[tilespmem:$0x1E880] =	vst v63  }
0x95: {  	_ =	swait.ge [sflag:s10], $0x2800  }
0x96: {  	[sflag:s10] =	ssyncset.done $0x0  }
0x97: {  	[sflag:s10] =	ssyncadd.s32 $0xFFFFD800  }
0x98: {  	[tilespmem:s29], [sflag:$0x3] =	stream.indirect.gather [hbm4b:s0+s24], $0x80, s20, s24, $0xb8;
	[tilespmem:$0x1E880] =	vst v63  }
0x99: {  	_ =	swait.ge [sflag:s30], $0x2800  }
0x9a: {  	[sflag:s30] =	ssyncset.done $0x0  }
0x9b: {  	[sflag:s30] =	ssyncadd.s32 $0xFFFFD800  }
0x9c: {  	[spmem:s3] =	stream.indirect.scatter.add.f32 [tilespmem:s8], [sflag:$0x6], $0x80, s25, s24, $0xb8;
	[tilespmem:$0x1E880] =	vst v63  }
0x9d: {  	_ =	swait.ge [sflag:s10], $0x2800  }
0x9e: {  	[sflag:s10] =	ssyncset.done $0x0  }
0x9f: {  	[sflag:s10] =	ssyncadd.s32 $0xFFFFD800  }
0xa0: {  	[tilespmem:s8], [sflag:$0x4] =	stream.indirect.gather [hbm4b:s0+s24], $0x80, s28, s24, $0xb8;
	[tilespmem:$0x1E880] =	vst v63  }
0xa1: {  	_ =	swait.ge [sflag:s9], $0x2800  }
0xa2: {  	[sflag:s9] =	ssyncset.done $0x0  }
0xa3: {  	s13 =	simm.s32 $0xA00;
	[sflag:s9] =	ssyncadd.s32 $0xFFFFD800  }
0xa4: {  	[spmem:s3] =	stream.indirect.scatter.add.f32 [tilespmem:s22], [sflag:$0x6], $0x80, s13, s24, $0xb8;
	[tilespmem:$0x1E880] =	vst v63  }
0xa5: {  	_ =	swait.ge [sflag:s10], $0x2800  }
0xa6: {  	s11 =	rddreg [dreg:$0x8];
	[sflag:s10] =	ssyncset.done $0x0  }
0xa7: {  	s17 =	rddreg [dreg:$0x7];
	[sflag:s10] =	ssyncadd.s32 $0xFFFFD800;
	s2 =	sadd.s32 $0x0, s11  }
0xa8: {  	[tilespmem:s4], [sflag:$0x5] =	stream.linear.gather [hbm4b:s2+s4], $0x280, $0x38;
	[tilespmem:$0x1E880] =	vst v63  }
0xa9: {  	s17 =	sadd.s32 $0x0, s17  }
0xaa: {  	[tilespmem:s21], [sflag:$0x5] =	stream.linear.gather [hbm4b:s17+s4], $0x280, $0x38;
	[tilespmem:$0x1E880] =	vst v63  }
0xab: {  	s17 =	simm.s32 $0x580  }
0xac: {  	[tilespmem:s22], [sflag:$0x1] =	stream.indirect.gather [hbm4b:s0+s24], $0x80, s17, s24, $0xb8;
	[tilespmem:$0x1E880] =	vst v63  }
0xad: {  	_ =	swait.ge [sflag:s12], $0x2800  }
0xae: {  	[sflag:s12] =	ssyncset.done $0x0  }
0xaf: {  	[sflag:s12] =	ssyncadd.s32 $0xFFFFD800  }
0xb0: {  	[spmem:s3] =	stream.indirect.scatter.add.f32 [tilespmem:s26], [sflag:$0x6], $0x80, s1, s24, $0xb8;
	[tilespmem:$0x1E880] =	vst v63  }
0xb1: {  	_ =	swait.ge [sflag:s10], $0x2800  }
0xb2: {  	[sflag:s10] =	ssyncset.done $0x0  }
0xb3: {  	s11 =	simm.s32 $0x600;
	[sflag:s10] =	ssyncadd.s32 $0xFFFFD800  }
0xb4: {  	[tilespmem:s26], [sflag:$0x2] =	stream.indirect.gather [hbm4b:s0+s24], $0x80, s11, s24, $0xb8;
	[tilespmem:$0x1E880] =	vst v63  }
0xb5: {  	_ =	swait.ge [sflag:s14], $0x2800  }
0xb6: {  	[sflag:s14] =	ssyncset.done $0x0  }
0xb7: {  	s11 =	simm.s32 $0xC80;
	[sflag:s14] =	ssyncadd.s32 $0xFFFFD800  }
0xb8: {  	[spmem:s3] =	stream.indirect.scatter.add.f32 [tilespmem:s29], [sflag:$0x6], $0x80, s11, s24, $0xb8;
	[tilespmem:$0x1E880] =	vst v63  }
0xb9: {  	_ =	swait.ge [sflag:s10], $0x2800  }
0xba: {  	[sflag:s10] =	ssyncset.done $0x0  }
0xbb: {  	[sflag:s10] =	ssyncadd.s32 $0xFFFFD800  }
0xbc: {  	_ =	swait.ge [sflag:s23], $0x280  }
0xbd: {  	[sflag:s23] =	ssyncset.done $0x0  }
0xbe: {  	[sflag:s23] =	ssyncadd.s32 $0xFFFFFD80  }
0xbf: {  	_ =	swait.ge [sflag:s23], $0x280  }
0xc0: {  	[sflag:s23] =	ssyncset.done $0x0  }
0xc1: {  	[sflag:s23] =	ssyncadd.s32 $0xFFFFFD80  }
0xc2: {  	[tilespmem:s29], [sflag:$0x3] =	stream.indirect.gather [hbm4b:s0+s24], $0x80, s4, s24, $0xb8;
	[tilespmem:$0x1E880] =	vst v63  }
0xc3: {  	_ =	swait.ge [sflag:s30], $0x2800  }
0xc4: {  	[sflag:s30] =	ssyncset.done $0x0  }
0xc5: {  	s11 =	simm.s32 $0xD00;
	[sflag:s30] =	ssyncadd.s32 $0xFFFFD800  }
0xc6: {  	[spmem:s3] =	stream.indirect.scatter.add.f32 [tilespmem:s8], [sflag:$0x6], $0x80, s11, s24, $0xb8;
	[tilespmem:$0x1E880] =	vst v63  }
0xc7: {  	_ =	swait.ge [sflag:s10], $0x2800  }
0xc8: {  	[sflag:s10] =	ssyncset.done $0x0  }
0xc9: {  	[sflag:s10] =	ssyncadd.s32 $0xFFFFD800  }
0xca: {  	[tilespmem:s8], [sflag:$0x4] =	stream.indirect.gather [hbm4b:s0+s24], $0x80, s18, s24, $0xb8;
	[tilespmem:$0x1E880] =	vst v63  }
0xcb: {  	_ =	swait.ge [sflag:s9], $0x2800  }
0xcc: {  	[sflag:s9] =	ssyncset.done $0x0  }
0xcd: {  	s11 =	simm.s32 $0xD80;
	[sflag:s9] =	ssyncadd.s32 $0xFFFFD800  }
0xce: {  	[spmem:s3] =	stream.indirect.scatter.add.f32 [tilespmem:s22], [sflag:$0x6], $0x80, s11, s24, $0xb8;
	[tilespmem:$0x1E880] =	vst v63  }
0xcf: {  	_ =	swait.ge [sflag:s10], $0x2800  }
0xd0: {  	[sflag:s10] =	ssyncset.done $0x0  }
0xd1: {  	[sflag:s10] =	ssyncadd.s32 $0xFFFFD800  }
0xd2: {  	[tilespmem:s22], [sflag:$0x1] =	stream.indirect.gather [hbm4b:s0+s24], $0x80, s6, s24, $0xb8;
	[tilespmem:$0x1E880] =	vst v63  }
0xd3: {  	_ =	swait.ge [sflag:s12], $0x2800  }
0xd4: {  	[sflag:s12] =	ssyncset.done $0x0  }
0xd5: {  	s22 =	simm.s32 $0xE00;
	[sflag:s12] =	ssyncadd.s32 $0xFFFFD800  }
0xd6: {  	[spmem:s3] =	stream.indirect.scatter.add.f32 [tilespmem:s26], [sflag:$0x6], $0x80, s22, s24, $0xb8;
	[tilespmem:$0x1E880] =	vst v63  }
0xd7: {  	_ =	swait.ge [sflag:s10], $0x2800  }
0xd8: {  	s2 =	rddreg [dreg:$0x6];
	[sflag:s10] =	ssyncset.done $0x0  }
0xd9: {  	s11 =	rddreg [dreg:$0x5];
	[sflag:s10] =	ssyncadd.s32 $0xFFFFD800;
	s2 =	sadd.s32 $0x0, s2  }
0xda: {  	[tilespmem:s31], [sflag:$0x5] =	stream.linear.gather [hbm4b:s2+s4], $0x280, $0x38;
	[tilespmem:$0x1E880] =	vst v63  }
0xdb: {  	s11 =	sadd.s32 $0x0, s11  }
0xdc: {  	[tilespmem:s1], [sflag:$0x5] =	stream.linear.gather [hbm4b:s11+s4], $0x280, $0x38;
	[tilespmem:$0x1E880] =	vst v63  }
0xdd: {  	_ = 	snop  }
0xde: {  	[tilespmem:s26], [sflag:$0x2] =	stream.indirect.gather [hbm4b:s0+s24], $0x80, s16, s24, $0xb8;
	[tilespmem:$0x1E880] =	vst v63  }
0xdf: {  	_ =	swait.ge [sflag:s14], $0x2800  }
0xe0: {  	[sflag:s14] =	ssyncset.done $0x0  }
0xe1: {  	[sflag:s14] =	ssyncadd.s32 $0xFFFFD800  }
0xe2: {  	[spmem:s3] =	stream.indirect.scatter.add.f32 [tilespmem:s29], [sflag:$0x6], $0x80, s21, s24, $0xb8;
	[tilespmem:$0x1E880] =	vst v63  }
0xe3: {  	_ =	swait.ge [sflag:s10], $0x2800  }
0xe4: {  	[sflag:s10] =	ssyncset.done $0x0  }
0xe5: {  	[sflag:s10] =	ssyncadd.s32 $0xFFFFD800  }
0xe6: {  	[tilespmem:s29], [sflag:$0x3] =	stream.indirect.gather [hbm4b:s0+s24], $0x80, s19, s24, $0xb8;
	[tilespmem:$0x1E880] =	vst v63  }
0xe7: {  	_ =	swait.ge [sflag:s30], $0x2800  }
0xe8: {  	[sflag:s30] =	ssyncset.done $0x0  }
0xe9: {  	[sflag:s30] =	ssyncadd.s32 $0xFFFFD800  }
0xea: {  	[spmem:s3] =	stream.indirect.scatter.add.f32 [tilespmem:s8], [sflag:$0x6], $0x80, s7, s24, $0xb8;
	[tilespmem:$0x1E880] =	vst v63  }
0xeb: {  	_ =	swait.ge [sflag:s10], $0x2800  }
0xec: {  	[sflag:s10] =	ssyncset.done $0x0  }
0xed: {  	[sflag:s10] =	ssyncadd.s32 $0xFFFFD800  }
0xee: {  	_ =	swait.ge [sflag:s23], $0x280  }
0xef: {  	[sflag:s23] =	ssyncset.done $0x0  }
0xf0: {  	[sflag:s23] =	ssyncadd.s32 $0xFFFFFD80  }
0xf1: {  	_ =	swait.ge [sflag:s23], $0x280  }
0xf2: {  	[sflag:s23] =	ssyncset.done $0x0  }
0xf3: {  	[sflag:s23] =	ssyncadd.s32 $0xFFFFFD80  }
0xf4: {  	[tilespmem:s8], [sflag:$0x4] =	stream.indirect.gather [hbm4b:s0+s24], $0x80, s31, s24, $0xb8;
	[tilespmem:$0x1E880] =	vst v63  }
0xf5: {  	_ =	swait.ge [sflag:s9], $0x2800  }
0xf6: {  	[sflag:s9] =	ssyncset.done $0x0  }
0xf7: {  	s7 =	simm.s32 $0x1000;
	[sflag:s9] =	ssyncadd.s32 $0xFFFFD800  }
0xf8: {  	[spmem:s3] =	stream.indirect.scatter.add.f32 [tilespmem:s7], [sflag:$0x6], $0x80, s5, s24, $0xb8;
	[tilespmem:$0x1E880] =	vst v63  }
0xf9: {  	_ =	swait.ge [sflag:s10], $0x2800  }
0xfa: {  	[sflag:s10] =	ssyncset.done $0x0  }
0xfb: {  	[sflag:s10] =	ssyncadd.s32 $0xFFFFD800  }
0xfc: {  	[tilespmem:s7], [sflag:$0x1] =	stream.indirect.gather [hbm4b:s0+s24], $0x80, s20, s24, $0xb8;
	[tilespmem:$0x1E880] =	vst v63  }
0xfd: {  	_ =	swait.ge [sflag:s12], $0x2800  }
0xfe: {  	[sflag:s12] =	ssyncset.done $0x0  }
0xff: {  	[sflag:s12] =	ssyncadd.s32 $0xFFFFD800  }
0x100: {  	[spmem:s3] =	stream.indirect.scatter.add.f32 [tilespmem:s26], [sflag:$0x6], $0x80, s25, s24, $0xb8;
	[tilespmem:$0x1E880] =	vst v63  }
0x101: {  	_ =	swait.ge [sflag:s10], $0x2800  }
0x102: {  	[sflag:s10] =	ssyncset.done $0x0  }
0x103: {  	[sflag:s10] =	ssyncadd.s32 $0xFFFFD800  }
0x104: {  	[tilespmem:s26], [sflag:$0x2] =	stream.indirect.gather [hbm4b:s0+s24], $0x80, s28, s24, $0xb8;
	[tilespmem:$0x1E880] =	vst v63  }
0x105: {  	_ =	swait.ge [sflag:s14], $0x2800  }
0x106: {  	[sflag:s14] =	ssyncset.done $0x0  }
0x107: {  	[sflag:s14] =	ssyncadd.s32 $0xFFFFD800  }
0x108: {  	[spmem:s3] =	stream.indirect.scatter.add.f32 [tilespmem:s29], [sflag:$0x6], $0x80, s13, s24, $0xb8;
	[tilespmem:$0x1E880] =	vst v63  }
0x109: {  	_ =	swait.ge [sflag:s10], $0x2800  }
0x10a: {  	s28 =	rddreg [dreg:$0x4]  }
0x10b: {  	[sflag:s10] =	ssyncset.done $0x0;
	s13 =	rddreg [dreg:$0x19]  }
0x10c: {  	[sflag:s10] =	ssyncadd.s32 $0xFFFFD800;
	s2 =	sadd.s32 $0x0, s28;
	s5 =	sshrl.u32 s13, $0x3  }
0x10d: {  	[tilespmem:s4], [sflag:$0x5] =	stream.linear.gather [hbm4b:s2+s4], $0x280, $0x38;
	[tilespmem:$0x1E880] =	vst v63  }
0x10e: {  	s25 =	simm.s32 $0x800;
	s16 =	sadd.s32 s15, s5  }
0x10f: {  	[tilespmem:s25], [sflag:$0x5] =	stream.linear.gather [hbm4b:s16+s4], $0x280, $0x38;
	[tilespmem:$0x1E880] =	vst v63  }
0x110: {  	_ = 	snop  }
0x111: {  	[tilespmem:s29], [sflag:$0x3] =	stream.indirect.gather [hbm4b:s0+s24], $0x80, s17, s24, $0xb8;
	[tilespmem:$0x1E880] =	vst v63  }
0x112: {  	_ =	swait.ge [sflag:s30], $0x2800  }
0x113: {  	[sflag:s30] =	ssyncset.done $0x0  }
0x114: {  	[sflag:s30] =	ssyncadd.s32 $0xFFFFD800  }
0x115: {  	[spmem:s3] =	stream.indirect.scatter.add.f32 [tilespmem:s8], [sflag:$0x6], $0x80, s1, s24, $0xb8;
	[tilespmem:$0x1E880] =	vst v63  }
0x116: {  	_ =	swait.ge [sflag:s10], $0x2800  }
0x117: {  	[sflag:s10] =	ssyncset.done $0x0  }
0x118: {  	s19 =	simm.s32 $0x600;
	[sflag:s10] =	ssyncadd.s32 $0xFFFFD800  }
0x119: {  	[tilespmem:s8], [sflag:$0x4] =	stream.indirect.gather [hbm4b:s0+s24], $0x80, s19, s24, $0xb8;
	[tilespmem:$0x1E880] =	vst v63  }
0x11a: {  	_ =	swait.ge [sflag:s9], $0x2800  }
0x11b: {  	[sflag:s9] =	ssyncset.done $0x0  }
0x11c: {  	s20 =	simm.s32 $0xC80;
	[sflag:s9] =	ssyncadd.s32 $0xFFFFD800  }
0x11d: {  	[spmem:s3] =	stream.indirect.scatter.add.f32 [tilespmem:s7], [sflag:$0x6], $0x80, s20, s24, $0xb8;
	[tilespmem:$0x1E880] =	vst v63  }
0x11e: {  	_ =	swait.ge [sflag:s10], $0x2800  }
0x11f: {  	[sflag:s10] =	ssyncset.done $0x0  }
0x120: {  	[sflag:s10] =	ssyncadd.s32 $0xFFFFD800  }
0x121: {  	_ =	swait.ge [sflag:s23], $0x280  }
0x122: {  	[sflag:s23] =	ssyncset.done $0x0  }
0x123: {  	[sflag:s23] =	ssyncadd.s32 $0xFFFFFD80  }
0x124: {  	_ =	swait.ge [sflag:s23], $0x280  }
0x125: {  	[sflag:s23] =	ssyncset.done $0x0  }
0x126: {  	[sflag:s23] =	ssyncadd.s32 $0xFFFFFD80  }
0x127: {  	[tilespmem:s7], [sflag:$0x1] =	stream.indirect.gather [hbm4b:s0+s24], $0x80, s4, s24, $0xb8;
	[tilespmem:$0x1E880] =	vst v63  }
0x128: {  	_ =	swait.ge [sflag:s12], $0x2800  }
0x129: {  	[sflag:s12] =	ssyncset.done $0x0  }
0x12a: {  	s21 =	simm.s32 $0xD00;
	[sflag:s12] =	ssyncadd.s32 $0xFFFFD800  }
0x12b: {  	[spmem:s3] =	stream.indirect.scatter.add.f32 [tilespmem:s26], [sflag:$0x6], $0x80, s21, s24, $0xb8;
	[tilespmem:$0x1E880] =	vst v63  }
0x12c: {  	_ =	swait.ge [sflag:s10], $0x2800  }
0x12d: {  	[sflag:s10] =	ssyncset.done $0x0  }
0x12e: {  	[sflag:s10] =	ssyncadd.s32 $0xFFFFD800  }
0x12f: {  	[tilespmem:s26], [sflag:$0x2] =	stream.indirect.gather [hbm4b:s0+s24], $0x80, s18, s24, $0xb8;
	[tilespmem:$0x1E880] =	vst v63  }
0x130: {  	_ =	swait.ge [sflag:s14], $0x2800  }
0x131: {  	[sflag:s14] =	ssyncset.done $0x0  }
0x132: {  	s28 =	simm.s32 $0xD80;
	[sflag:s14] =	ssyncadd.s32 $0xFFFFD800  }
0x133: {  	[spmem:s3] =	stream.indirect.scatter.add.f32 [tilespmem:s29], [sflag:$0x6], $0x80, s28, s24, $0xb8;
	[tilespmem:$0x1E880] =	vst v63  }
0x134: {  	_ =	swait.ge [sflag:s10], $0x2800  }
0x135: {  	[sflag:s10] =	ssyncset.done $0x0  }
0x136: {  	[sflag:s10] =	ssyncadd.s32 $0xFFFFD800  }
0x137: {  	[tilespmem:s29], [sflag:$0x3] =	stream.indirect.gather [hbm4b:s0+s24], $0x80, s6, s24, $0xb8;
	[tilespmem:$0x1E880] =	vst v63  }
0x138: {  	_ =	swait.ge [sflag:s30], $0x2800  }
0x139: {  	[sflag:s30] =	ssyncset.done $0x0  }
0x13a: {  	s16 =	simm.s32 $0x8800;
	[sflag:s30] =	ssyncadd.s32 $0xFFFFD800  }
0x13b: {  	[spmem:s3] =	stream.indirect.scatter.add.f32 [tilespmem:s16], [sflag:$0x6], $0x80, s22, s24, $0xb8;
	[tilespmem:$0x1E880] =	vst v63  }
0x13c: {  	s11 =	smov.u32 s13;
	s2 =	simm.s32 $0x200;
	_ =	swait.ge [sflag:s10], $0x2800  }
.LBB2_4:
0x13d: {  	s18 =	smov.u32 s15  }
0x13e: {  	s1 =	rddreg [dreg:$0xa];
	s13 =	smov.u32 s2;
	[sflag:s10] =	ssyncset.done $0x0  }
0x13f: {  	s17 =	rddreg [dreg:$0x9];
	s15 =	sadd.s32 s13, s1;
	[sflag:s10] =	ssyncadd.s32 $0xFFFFD800  }
0x140: {  	[tilespmem:s31], [sflag:$0x5] =	stream.linear.gather [hbm4b:s15+s4], $0x280, $0x38;
	[tilespmem:$0x1E880] =	vst v63  }
0x141: {  	s8 =	simm.s32 $0xC00;
	s6 =	sadd.s32 s13, s17  }
0x142: {  	[tilespmem:s8], [sflag:$0x5] =	stream.linear.gather [hbm4b:s6+s4], $0x280, $0x38;
	[tilespmem:$0x1E880] =	vst v63  }
0x143: {  	s1 =	simm.s32 $0x180  }
0x144: {  	[tilespmem:s16], [sflag:$0x4] =	stream.indirect.gather [hbm4b:s0+s24], $0x80, s1, s24, $0xb8;
	[tilespmem:$0x1E880] =	vst v63  }
0x145: {  	_ =	swait.ge [sflag:s9], $0x2800  }
0x146: {  	[sflag:s9] =	ssyncset.done $0x0  }
0x147: {  	[sflag:s9] =	ssyncadd.s32 $0xFFFFD800  }
0x148: {  	[spmem:s3] =	stream.indirect.scatter.add.f32 [tilespmem:s7], [sflag:$0x6], $0x80, s25, s24, $0xb8;
	[tilespmem:$0x1E880] =	vst v63  }
0x149: {  	_ =	swait.ge [sflag:s10], $0x2800  }
0x14a: {  	[sflag:s10] =	ssyncset.done $0x0  }
0x14b: {  	s4 =	simm.s32 $0x200;
	[sflag:s10] =	ssyncadd.s32 $0xFFFFD800  }
0x14c: {  	[tilespmem:s7], [sflag:$0x1] =	stream.indirect.gather [hbm4b:s0+s24], $0x80, s4, s24, $0xb8;
	[tilespmem:$0x1E880] =	vst v63  }
0x14d: {  	_ =	swait.ge [sflag:s12], $0x2800  }
0x14e: {  	[sflag:s12] =	ssyncset.done $0x0  }
0x14f: {  	s31 =	simm.s32 $0x880;
	[sflag:s12] =	ssyncadd.s32 $0xFFFFD800  }
0x150: {  	[spmem:s3] =	stream.indirect.scatter.add.f32 [tilespmem:s26], [sflag:$0x6], $0x80, s31, s24, $0xb8;
	[tilespmem:$0x1E880] =	vst v63  }
0x151: {  	_ =	swait.ge [sflag:s10], $0x2800  }
0x152: {  	[sflag:s10] =	ssyncset.done $0x0  }
0x153: {  	[sflag:s10] =	ssyncadd.s32 $0xFFFFD800  }
0x154: {  	_ =	swait.ge [sflag:s23], $0x280  }
0x155: {  	[sflag:s23] =	ssyncset.done $0x0  }
0x156: {  	[sflag:s23] =	ssyncadd.s32 $0xFFFFFD80  }
0x157: {  	_ =	swait.ge [sflag:s23], $0x280  }
0x158: {  	[sflag:s23] =	ssyncset.done $0x0  }
0x159: {  	s1 =	simm.s32 $0x400;
	[sflag:s23] =	ssyncadd.s32 $0xFFFFFD80  }
0x15a: {  	[tilespmem:s26], [sflag:$0x2] =	stream.indirect.gather [hbm4b:s0+s24], $0x80, s1, s24, $0xb8;
	[tilespmem:$0x1E880] =	vst v63  }
0x15b: {  	_ =	swait.ge [sflag:s14], $0x2800  }
0x15c: {  	[sflag:s14] =	ssyncset.done $0x0  }
0x15d: {  	s28 =	simm.s32 $0x900;
	[sflag:s14] =	ssyncadd.s32 $0xFFFFD800  }
0x15e: {  	[spmem:s3] =	stream.indirect.scatter.add.f32 [tilespmem:s29], [sflag:$0x6], $0x80, s28, s24, $0xb8;
	[tilespmem:$0x1E880] =	vst v63  }
0x15f: {  	_ =	swait.ge [sflag:s10], $0x2800  }
0x160: {  	[sflag:s10] =	ssyncset.done $0x0  }
0x161: {  	s20 =	simm.s32 $0x480;
	[sflag:s10] =	ssyncadd.s32 $0xFFFFD800  }
0x162: {  	[tilespmem:s29], [sflag:$0x3] =	stream.indirect.gather [hbm4b:s0+s24], $0x80, s20, s24, $0xb8;
	[tilespmem:$0x1E880] =	vst v63  }
0x163: {  	_ =	swait.ge [sflag:s30], $0x2800  }
0x164: {  	[sflag:s30] =	ssyncset.done $0x0  }
0x165: {  	s25 =	simm.s32 $0x980;
	[sflag:s30] =	ssyncadd.s32 $0xFFFFD800  }
0x166: {  	[spmem:s3] =	stream.indirect.scatter.add.f32 [tilespmem:s16], [sflag:$0x6], $0x80, s25, s24, $0xb8;
	[tilespmem:$0x1E880] =	vst v63  }
0x167: {  	_ =	swait.ge [sflag:s10], $0x2800  }
0x168: {  	[sflag:s10] =	ssyncset.done $0x0  }
0x169: {  	s19 =	simm.s32 $0x500;
	[sflag:s10] =	ssyncadd.s32 $0xFFFFD800  }
0x16a: {  	[tilespmem:s16], [sflag:$0x4] =	stream.indirect.gather [hbm4b:s0+s24], $0x80, s19, s24, $0xb8;
	[tilespmem:$0x1E880] =	vst v63  }
0x16b: {  	_ =	swait.ge [sflag:s9], $0x2800  }
0x16c: {  	[sflag:s9] =	ssyncset.done $0x0  }
0x16d: {  	s5 =	simm.s32 $0xA00;
	[sflag:s9] =	ssyncadd.s32 $0xFFFFD800  }
0x16e: {  	[spmem:s3] =	stream.indirect.scatter.add.f32 [tilespmem:s7], [sflag:$0x6], $0x80, s5, s24, $0xb8;
	[tilespmem:$0x1E880] =	vst v63  }
0x16f: {  	_ =	swait.ge [sflag:s10], $0x2800  }
0x170: {  	s22 =	simm.s32 $0x0;
	s17 =	rddreg [dreg:$0x8];
	[sflag:s10] =	ssyncset.done $0x0  }
0x171: {  	s5 =	rddreg [dreg:$0x7];
	[sflag:s10] =	ssyncadd.s32 $0xFFFFD800;
	s15 =	sadd.s32 s13, s17  }
0x172: {  	[tilespmem:s22], [sflag:$0x5] =	stream.linear.gather [hbm4b:s15+s22], $0x280, $0x38;
	[tilespmem:$0x1E880] =	vst v63  }
0x173: {  	s21 =	simm.s32 $0x800;
	s6 =	sadd.s32 s13, s5  }
0x174: {  	[tilespmem:s21], [sflag:$0x5] =	stream.linear.gather [hbm4b:s6+s22], $0x280, $0x38;
	[tilespmem:$0x1E880] =	vst v63  }
0x175: {  	s15 =	simm.s32 $0x580  }
0x176: {  	[tilespmem:s7], [sflag:$0x1] =	stream.indirect.gather [hbm4b:s0+s24], $0x80, s15, s24, $0xb8;
	[tilespmem:$0x1E880] =	vst v63  }
0x177: {  	_ =	swait.ge [sflag:s12], $0x2800  }
0x178: {  	[sflag:s12] =	ssyncset.done $0x0  }
0x179: {  	[sflag:s12] =	ssyncadd.s32 $0xFFFFD800  }
0x17a: {  	[spmem:s3] =	stream.indirect.scatter.add.f32 [tilespmem:s26], [sflag:$0x6], $0x80, s8, s24, $0xb8;
	[tilespmem:$0x1E880] =	vst v63  }
0x17b: {  	_ =	swait.ge [sflag:s10], $0x2800  }
0x17c: {  	[sflag:s10] =	ssyncset.done $0x0  }
0x17d: {  	s29 =	simm.s32 $0x3800;
	s7 =	simm.s32 $0x600;
	[sflag:s10] =	ssyncadd.s32 $0xFFFFD800  }
0x17e: {  	[tilespmem:s29], [sflag:$0x2] =	stream.indirect.gather [hbm4b:s0+s24], $0x80, s7, s24, $0xb8;
	[tilespmem:$0x1E880] =	vst v63  }
0x17f: {  	_ =	swait.ge [sflag:s14], $0x2800  }
0x180: {  	[sflag:s14] =	ssyncset.done $0x0  }
0x181: {  	s16 =	simm.s32 $0xC80;
	s6 =	simm.s32 $0x6000;
	[sflag:s14] =	ssyncadd.s32 $0xFFFFD800  }
0x182: {  	[spmem:s3] =	stream.indirect.scatter.add.f32 [tilespmem:s6], [sflag:$0x6], $0x80, s16, s24, $0xb8;
	[tilespmem:$0x1E880] =	vst v63  }
0x183: {  	_ =	swait.ge [sflag:s10], $0x2800  }
0x184: {  	[sflag:s10] =	ssyncset.done $0x0  }
0x185: {  	[sflag:s10] =	ssyncadd.s32 $0xFFFFD800  }
0x186: {  	_ =	swait.ge [sflag:s23], $0x280  }
0x187: {  	[sflag:s23] =	ssyncset.done $0x0  }
0x188: {  	[sflag:s23] =	ssyncadd.s32 $0xFFFFFD80  }
0x189: {  	_ =	swait.ge [sflag:s23], $0x280  }
0x18a: {  	[sflag:s23] =	ssyncset.done $0x0  }
0x18b: {  	[sflag:s23] =	ssyncadd.s32 $0xFFFFFD80  }
0x18c: {  	[tilespmem:s6], [sflag:$0x3] =	stream.indirect.gather [hbm4b:s0+s24], $0x80, s22, s24, $0xb8;
	[tilespmem:$0x1E880] =	vst v63  }
0x18d: {  	_ =	swait.ge [sflag:s30], $0x2800  }
0x18e: {  	[sflag:s30] =	ssyncset.done $0x0  }
0x18f: {  	s5 =	simm.s32 $0x8800;
	s16 =	simm.s32 $0xD00;
	[sflag:s30] =	ssyncadd.s32 $0xFFFFD800  }
0x190: {  	[spmem:s3] =	stream.indirect.scatter.add.f32 [tilespmem:s5], [sflag:$0x6], $0x80, s16, s24, $0xb8;
	[tilespmem:$0x1E880] =	vst v63  }
0x191: {  	_ =	swait.ge [sflag:s10], $0x2800  }
0x192: {  	[sflag:s10] =	ssyncset.done $0x0  }
0x193: {  	s17 =	simm.s32 $0x80;
	[sflag:s10] =	ssyncadd.s32 $0xFFFFD800  }
0x194: {  	[tilespmem:s5], [sflag:$0x4] =	stream.indirect.gather [hbm4b:s0+s24], $0x80, s17, s24, $0xb8;
	[tilespmem:$0x1E880] =	vst v63  }
0x195: {  	_ =	swait.ge [sflag:s9], $0x2800  }
0x196: {  	[sflag:s9] =	ssyncset.done $0x0  }
0x197: {  	s15 =	simm.s32 $0xD80;
	s26 =	simm.s32 $0x1000;
	[sflag:s9] =	ssyncadd.s32 $0xFFFFD800  }
0x198: {  	[spmem:s3] =	stream.indirect.scatter.add.f32 [tilespmem:s26], [sflag:$0x6], $0x80, s15, s24, $0xb8;
	[tilespmem:$0x1E880] =	vst v63  }
0x199: {  	_ =	swait.ge [sflag:s10], $0x2800  }
0x19a: {  	[sflag:s10] =	ssyncset.done $0x0  }
0x19b: {  	s17 =	simm.s32 $0x100;
	[sflag:s10] =	ssyncadd.s32 $0xFFFFD800  }
0x19c: {  	[tilespmem:s26], [sflag:$0x1] =	stream.indirect.gather [hbm4b:s0+s24], $0x80, s17, s24, $0xb8;
	[tilespmem:$0x1E880] =	vst v63  }
0x19d: {  	_ =	swait.ge [sflag:s12], $0x2800  }
0x19e: {  	[sflag:s12] =	ssyncset.done $0x0  }
0x19f: {  	s15 =	simm.s32 $0xE00;
	[sflag:s12] =	ssyncadd.s32 $0xFFFFD800  }
0x1a0: {  	[spmem:s3] =	stream.indirect.scatter.add.f32 [tilespmem:s29], [sflag:$0x6], $0x80, s15, s24, $0xb8;
	[tilespmem:$0x1E880] =	vst v63  }
0x1a1: {  	_ =	swait.ge [sflag:s10], $0x2800  }
0x1a2: {  	s17 =	rddreg [dreg:$0x6];
	[sflag:s10] =	ssyncset.done $0x0  }
0x1a3: {  	s6 =	rddreg [dreg:$0x5];
	[sflag:s10] =	ssyncadd.s32 $0xFFFFD800;
	s15 =	sadd.s32 s13, s17  }
0x1a4: {  	[tilespmem:s1], [sflag:$0x5] =	stream.linear.gather [hbm4b:s15+s22], $0x280, $0x38;
	[tilespmem:$0x1E880] =	vst v63  }
0x1a5: {  	s6 =	sadd.s32 s13, s6  }
0x1a6: {  	[tilespmem:s8], [sflag:$0x5] =	stream.linear.gather [hbm4b:s6+s22], $0x280, $0x38;
	[tilespmem:$0x1E880] =	vst v63  }
0x1a7: {  	s15 =	simm.s32 $0x180  }
0x1a8: {  	[tilespmem:s29], [sflag:$0x2] =	stream.indirect.gather [hbm4b:s0+s24], $0x80, s15, s24, $0xb8;
	[tilespmem:$0x1E880] =	vst v63  }
0x1a9: {  	_ =	swait.ge [sflag:s14], $0x2800  }
0x1aa: {  	[sflag:s14] =	ssyncset.done $0x0  }
0x1ab: {  	s29 =	simm.s32 $0x6000;
	[sflag:s14] =	ssyncadd.s32 $0xFFFFD800  }
0x1ac: {  	[spmem:s3] =	stream.indirect.scatter.add.f32 [tilespmem:s29], [sflag:$0x6], $0x80, s21, s24, $0xb8;
	[tilespmem:$0x1E880] =	vst v63  }
0x1ad: {  	_ =	swait.ge [sflag:s10], $0x2800  }
0x1ae: {  	[sflag:s10] =	ssyncset.done $0x0  }
0x1af: {  	[sflag:s10] =	ssyncadd.s32 $0xFFFFD800  }
0x1b0: {  	[tilespmem:s29], [sflag:$0x3] =	stream.indirect.gather [hbm4b:s0+s24], $0x80, s4, s24, $0xb8;
	[tilespmem:$0x1E880] =	vst v63  }
0x1b1: {  	_ =	swait.ge [sflag:s30], $0x2800  }
0x1b2: {  	[sflag:s30] =	ssyncset.done $0x0  }
0x1b3: {  	[sflag:s30] =	ssyncadd.s32 $0xFFFFD800  }
0x1b4: {  	[spmem:s3] =	stream.indirect.scatter.add.f32 [tilespmem:s5], [sflag:$0x6], $0x80, s31, s24, $0xb8;
	[tilespmem:$0x1E880] =	vst v63  }
0x1b5: {  	_ =	swait.ge [sflag:s10], $0x2800  }
0x1b6: {  	[sflag:s10] =	ssyncset.done $0x0  }
0x1b7: {  	[sflag:s10] =	ssyncadd.s32 $0xFFFFD800  }
0x1b8: {  	_ =	swait.ge [sflag:s23], $0x280  }
0x1b9: {  	[sflag:s23] =	ssyncset.done $0x0  }
0x1ba: {  	[sflag:s23] =	ssyncadd.s32 $0xFFFFFD80  }
0x1bb: {  	_ =	swait.ge [sflag:s23], $0x280  }
0x1bc: {  	[sflag:s23] =	ssyncset.done $0x0  }
0x1bd: {  	s31 =	simm.s32 $0x400;
	[sflag:s23] =	ssyncadd.s32 $0xFFFFFD80  }
0x1be: {  	[tilespmem:s5], [sflag:$0x4] =	stream.indirect.gather [hbm4b:s0+s24], $0x80, s31, s24, $0xb8;
	[tilespmem:$0x1E880] =	vst v63  }
0x1bf: {  	_ =	swait.ge [sflag:s9], $0x2800  }
0x1c0: {  	[sflag:s9] =	ssyncset.done $0x0  }
0x1c1: {  	[sflag:s9] =	ssyncadd.s32 $0xFFFFD800  }
0x1c2: {  	[spmem:s3] =	stream.indirect.scatter.add.f32 [tilespmem:s26], [sflag:$0x6], $0x80, s28, s24, $0xb8;
	[tilespmem:$0x1E880] =	vst v63  }
0x1c3: {  	_ =	swait.ge [sflag:s10], $0x2800  }
0x1c4: {  	[sflag:s10] =	ssyncset.done $0x0  }
0x1c5: {  	[sflag:s10] =	ssyncadd.s32 $0xFFFFD800  }
0x1c6: {  	[tilespmem:s26], [sflag:$0x1] =	stream.indirect.gather [hbm4b:s0+s24], $0x80, s20, s24, $0xb8;
	[tilespmem:$0x1E880] =	vst v63  }
0x1c7: {  	_ =	swait.ge [sflag:s12], $0x2800  }
0x1c8: {  	[sflag:s12] =	ssyncset.done $0x0  }
0x1c9: {  	s26 =	simm.s32 $0x3800;
	[sflag:s12] =	ssyncadd.s32 $0xFFFFD800  }
0x1ca: {  	[spmem:s3] =	stream.indirect.scatter.add.f32 [tilespmem:s26], [sflag:$0x6], $0x80, s25, s24, $0xb8;
	[tilespmem:$0x1E880] =	vst v63  }
0x1cb: {  	_ =	swait.ge [sflag:s10], $0x2800  }
0x1cc: {  	[sflag:s10] =	ssyncset.done $0x0  }
0x1cd: {  	[sflag:s10] =	ssyncadd.s32 $0xFFFFD800  }
0x1ce: {  	[tilespmem:s26], [sflag:$0x2] =	stream.indirect.gather [hbm4b:s0+s24], $0x80, s19, s24, $0xb8;
	[tilespmem:$0x1E880] =	vst v63  }
0x1cf: {  	_ =	swait.ge [sflag:s14], $0x2800  }
0x1d0: {  	[sflag:s14] =	ssyncset.done $0x0  }
0x1d1: {  	s17 =	simm.s32 $0xA00;
	[sflag:s14] =	ssyncadd.s32 $0xFFFFD800  }
0x1d2: {  	[spmem:s3] =	stream.indirect.scatter.add.f32 [tilespmem:s29], [sflag:$0x6], $0x80, s17, s24, $0xb8;
	[tilespmem:$0x1E880] =	vst v63  }
0x1d3: {  	s11 =	sadd.s32 $0x1000, s11;
	_ =	swait.ge [sflag:s10], $0x2800  }
0x1d4: {  	s4 =	simm.s32 $0x0;
	s19 =	rddreg [dreg:$0x4];
	[sflag:s10] =	ssyncset.done $0x0  }
0x1d5: {  	s20 =	sshrl.u32 s11, $0x3;
	[sflag:s10] =	ssyncadd.s32 $0xFFFFD800;
	s13 =	sadd.s32 s13, s19  }
0x1d6: {  	[tilespmem:s4], [sflag:$0x5] =	stream.linear.gather [hbm4b:s13+s4], $0x280, $0x38;
	[tilespmem:$0x1E880] =	vst v63  }
0x1d7: {  	s25 =	simm.s32 $0x800;
	s19 =	sadd.s32 s18, s20  }
0x1d8: {  	[tilespmem:s25], [sflag:$0x5] =	stream.linear.gather [hbm4b:s19+s4], $0x280, $0x38;
	[tilespmem:$0x1E880] =	vst v63  }
0x1d9: {  	s20 =	simm.s32 $0x580  }
0x1da: {  	[tilespmem:s29], [sflag:$0x3] =	stream.indirect.gather [hbm4b:s0+s24], $0x80, s20, s24, $0xb8;
	[tilespmem:$0x1E880] =	vst v63  }
0x1db: {  	_ =	swait.ge [sflag:s30], $0x2800  }
0x1dc: {  	[sflag:s30] =	ssyncset.done $0x0  }
0x1dd: {  	[sflag:s30] =	ssyncadd.s32 $0xFFFFD800  }
0x1de: {  	[spmem:s3] =	stream.indirect.scatter.add.f32 [tilespmem:s5], [sflag:$0x6], $0x80, s8, s24, $0xb8;
	[tilespmem:$0x1E880] =	vst v63  }
0x1df: {  	_ =	swait.ge [sflag:s10], $0x2800  }
0x1e0: {  	[sflag:s10] =	ssyncset.done $0x0  }
0x1e1: {  	[sflag:s10] =	ssyncadd.s32 $0xFFFFD800  }
0x1e2: {  	[tilespmem:s5], [sflag:$0x4] =	stream.indirect.gather [hbm4b:s0+s24], $0x80, s7, s24, $0xb8;
	[tilespmem:$0x1E880] =	vst v63  }
0x1e3: {  	_ =	swait.ge [sflag:s9], $0x2800  }
0x1e4: {  	[sflag:s9] =	ssyncset.done $0x0  }
0x1e5: {  	s13 =	simm.s32 $0xC80;
	s7 =	simm.s32 $0x1000;
	[sflag:s9] =	ssyncadd.s32 $0xFFFFD800  }
0x1e6: {  	[spmem:s3] =	stream.indirect.scatter.add.f32 [tilespmem:s7], [sflag:$0x6], $0x80, s13, s24, $0xb8;
	[tilespmem:$0x1E880] =	vst v63  }
0x1e7: {  	_ =	swait.ge [sflag:s10], $0x2800  }
0x1e8: {  	[sflag:s10] =	ssyncset.done $0x0  }
0x1e9: {  	[sflag:s10] =	ssyncadd.s32 $0xFFFFD800  }
0x1ea: {  	_ =	swait.ge [sflag:s23], $0x280  }
0x1eb: {  	[sflag:s23] =	ssyncset.done $0x0  }
0x1ec: {  	[sflag:s23] =	ssyncadd.s32 $0xFFFFFD80  }
0x1ed: {  	_ =	swait.ge [sflag:s23], $0x280  }
0x1ee: {  	[sflag:s23] =	ssyncset.done $0x0  }
0x1ef: {  	[sflag:s23] =	ssyncadd.s32 $0xFFFFFD80  }
0x1f0: {  	[tilespmem:s7], [sflag:$0x1] =	stream.indirect.gather [hbm4b:s0+s24], $0x80, s4, s24, $0xb8;
	[tilespmem:$0x1E880] =	vst v63  }
0x1f1: {  	_ =	swait.ge [sflag:s12], $0x2800  }
0x1f2: {  	[sflag:s12] =	ssyncset.done $0x0  }
0x1f3: {  	[sflag:s12] =	ssyncadd.s32 $0xFFFFD800  }
0x1f4: {  	[spmem:s3] =	stream.indirect.scatter.add.f32 [tilespmem:s26], [sflag:$0x6], $0x80, s16, s24, $0xb8;
	[tilespmem:$0x1E880] =	vst v63  }
0x1f5: {  	_ =	swait.ge [sflag:s10], $0x2800  }
0x1f6: {  	[sflag:s10] =	ssyncset.done $0x0  }
0x1f7: {  	s16 =	simm.s32 $0x80;
	[sflag:s10] =	ssyncadd.s32 $0xFFFFD800  }
0x1f8: {  	[tilespmem:s26], [sflag:$0x2] =	stream.indirect.gather [hbm4b:s0+s24], $0x80, s16, s24, $0xb8;
	[tilespmem:$0x1E880] =	vst v63  }
0x1f9: {  	_ =	swait.ge [sflag:s14], $0x2800  }
0x1fa: {  	[sflag:s14] =	ssyncset.done $0x0  }
0x1fb: {  	s15 =	smov.u32 s18;
	s18 =	simm.s32 $0xD80;
	[sflag:s14] =	ssyncadd.s32 $0xFFFFD800  }
0x1fc: {  	[spmem:s3] =	stream.indirect.scatter.add.f32 [tilespmem:s29], [sflag:$0x6], $0x80, s18, s24, $0xb8;
	[tilespmem:$0x1E880] =	vst v63  }
0x1fd: {  	_ =	swait.ge [sflag:s10], $0x2800  }
0x1fe: {  	p1 =	sne.s32 s2, $0xA00;
	[sflag:s10] =	ssyncset.done $0x0  }
0x1ff: {  	s2 =	sadd.s32 $0x200, s2;
	s19 =	simm.s32 $0x100;
	[sflag:s10] =	ssyncadd.s32 $0xFFFFD800  }
0x200: {  	[tilespmem:s29], [sflag:$0x3] =	stream.indirect.gather [hbm4b:s0+s24], $0x80, s19, s24, $0xb8;
	[tilespmem:$0x1E880] =	vst v63  }
.Ltmp1:
0x201: {  	s1 =	simm.s32 $0x880;
	_ =	swait.ge [sflag:s30], $0x2800;
	(pc) =	sbr.rel @p1 .LBB2_4-.Ltmp1, $4  }
0x202: {  	s6 =	simm.s32 $0x180;
	s22 =	simm.s32 $0x200;
	[sflag:s30] =	ssyncset.done $0x0  }
0x203: {  	s20 =	simm.s32 $0xE00;
	s16 =	simm.s32 $0x8800;
	[sflag:s30] =	ssyncadd.s32 $0xFFFFD800  }
0x204: {  	[spmem:s3] =	stream.indirect.scatter.add.f32 [tilespmem:s16], [sflag:$0x6], $0x80, s20, s24, $0xb8;
	[tilespmem:$0x1E880] =	vst v63  }
0x205: {  	s21 =	simm.s32 $0x900;
	s28 =	simm.s32 $0x980;
	_ =	swait.ge [sflag:s10], $0x2800  }
0x206: {  	[sflag:s10] =	ssyncset.done $0x0  }
0x207: {  	[sflag:s10] =	ssyncadd.s32 $0xFFFFD800  }
0x208: {  	[tilespmem:s16], [sflag:$0x4] =	stream.indirect.gather [hbm4b:s0+s24], $0x80, s6, s24, $0xb8;
	[tilespmem:$0x1E880] =	vst v63  }
0x209: {  	_ =	swait.ge [sflag:s9], $0x2800  }
0x20a: {  	[sflag:s9] =	ssyncset.done $0x0  }
0x20b: {  	[sflag:s9] =	ssyncadd.s32 $0xFFFFD800  }
0x20c: {  	[spmem:s3] =	stream.indirect.scatter.add.f32 [tilespmem:s7], [sflag:$0x6], $0x80, s25, s24, $0xb8;
	[tilespmem:$0x1E880] =	vst v63  }
0x20d: {  	_ =	swait.ge [sflag:s10], $0x2800  }
0x20e: {  	[sflag:s10] =	ssyncset.done $0x0  }
0x20f: {  	[sflag:s10] =	ssyncadd.s32 $0xFFFFD800  }
0x210: {  	[tilespmem:s7], [sflag:$0x1] =	stream.indirect.gather [hbm4b:s0+s24], $0x80, s22, s24, $0xb8;
	[tilespmem:$0x1E880] =	vst v63  }
0x211: {  	_ =	swait.ge [sflag:s12], $0x2800  }
0x212: {  	[sflag:s12] =	ssyncset.done $0x0  }
0x213: {  	[sflag:s12] =	ssyncadd.s32 $0xFFFFD800  }
0x214: {  	[spmem:s3] =	stream.indirect.scatter.add.f32 [tilespmem:s26], [sflag:$0x6], $0x80, s1, s24, $0xb8;
	[tilespmem:$0x1E880] =	vst v63  }
0x215: {  	_ =	swait.ge [sflag:s10], $0x2800  }
0x216: {  	[sflag:s10] =	ssyncset.done $0x0  }
0x217: {  	[sflag:s10] =	ssyncadd.s32 $0xFFFFD800  }
0x218: {  	_ =	swait.ge [sflag:s14], $0x2800  }
0x219: {  	[sflag:s14] =	ssyncset.done $0x0  }
0x21a: {  	[sflag:s14] =	ssyncadd.s32 $0xFFFFD800  }
0x21b: {  	[spmem:s3] =	stream.indirect.scatter.add.f32 [tilespmem:s29], [sflag:$0x6], $0x80, s21, s24, $0xb8;
	[tilespmem:$0x1E880] =	vst v63  }
0x21c: {  	_ =	swait.ge [sflag:s10], $0x2800  }
0x21d: {  	[sflag:s10] =	ssyncset.done $0x0  }
0x21e: {  	[sflag:s10] =	ssyncadd.s32 $0xFFFFD800  }
0x21f: {  	_ =	swait.ge [sflag:s30], $0x2800  }
0x220: {  	[sflag:s30] =	ssyncset.done $0x0  }
0x221: {  	[sflag:s30] =	ssyncadd.s32 $0xFFFFD800  }
0x222: {  	[spmem:s3] =	stream.indirect.scatter.add.f32 [tilespmem:s16], [sflag:$0x6], $0x80, s28, s24, $0xb8;
	[tilespmem:$0x1E880] =	vst v63  }
0x223: {  	_ =	swait.ge [sflag:s10], $0x2800  }
0x224: {  	[sflag:s10] =	ssyncset.done $0x0  }
0x225: {  	[sflag:s10] =	ssyncadd.s32 $0xFFFFD800  }
0x226: {  	_ =	swait.ge [sflag:s9], $0x2800  }
0x227: {  	[sflag:s9] =	ssyncset.done $0x0  }
0x228: {  	[sflag:s9] =	ssyncadd.s32 $0xFFFFD800  }
0x229: {  	[spmem:s3] =	stream.indirect.scatter.add.f32 [tilespmem:s7], [sflag:$0x6], $0x80, s17, s24, $0xb8;
	[tilespmem:$0x1E880] =	vst v63  }
0x22a: {  	_ =	swait.ge [sflag:s10], $0x2800  }
0x22b: {  	[sflag:s10] =	ssyncset.done $0x0  }
0x22c: {  	[sflag:s10] =	ssyncadd.s32 $0xFFFFD800  }
0x22d: {  	s2 =	stileid.u32;
	[bflag:$0x0] =	sbarrier.arrive $0xFFFF  }
0x22e: {  	s2 =	sshll.u32 s2, $0x6;
	s13 =	rddreg [dreg:$0xc]  }
0x22f: {  	s2 =	sor.u32 $0x1C06, s2;
	s22 =	rddreg [dreg:$0x16];
	s11 =	sshrl.u32 s13, $0x3  }
0x230: {  	[hbm:s22], [sflag:s2] =	dma.local [spmem:s11], $0x2700  }
0x231: {  	_ =	swait.ge [sflag:s10], $0x2700  }
0x232: {  	[sflag:s10] =	ssyncset.done $0x0;
	s17 =	rddreg [dreg:$0x15]  }
0x233: {  	s18 =	rddreg [dreg:$0x17];
	[sflag:s10] =	ssyncadd.s32 $0xFFFFD900;
	s11 =	sshrl.u32 @!p0 s17, $0x3  }
0x234: {  	[hbm:s18], [sflag:s2] =	dma.local @!p0 [spmem:s11], $0x100  }
0x235: {  	s2 =	simm.s32 @!p0 $0x6  }
0x236: {  	_ =	swait.ge @!p0 [sflag:s2], $0x100  }
0x237: {  	s5 =	rddreg [dreg:$0x1a]  }
0x238: {  	s25 =	rddreg [dreg:$0x18];
	s5 =	sadd.s32 $0x1, s5  }
0x239: {  	p1 =	sne.s32 s5, s25  }
.Ltmp2:
0x23a: {  	s19 =	simm.s32 $0x200;
	s20 =	simm.s32 $0x480;
	(pc) =	sbr.rel @p1 .LBB2_1-.Ltmp2, $4  }
0x23b: {  	s6 =	simm.s32 $0x100;
	s1 =	simm.s32 $0xC00;
	s16 =	simm.s32 $0x180  }
0x23c: {  	s28 =	simm.s32 $0x500;
	s7 =	simm.s32 $0x880;
	[sflag:s2] =	ssyncset.done @!p0 $0x0  }
0x23d: {  	s18 =	simm.s32 $0x80;
	s11 =	simm.s32 $0x800;
	[sflag:s2] =	ssyncadd.s32 @!p0 $0xFFFFFF00  }
0x23e: {  	[dreg:$0x1a] =	wrdreg s5;
	s5 =	simm.s32 $0x900;
	s25 =	simm.s32 $0x980  }
0x23f: {  	_ =	sfence.sel $0x180000  }
0x240: {  	[bflag:$0x0] =	sbarrier.arrive $0xFFFF  }
0x241: {  	_ =	strace $0x90000047  }
0x242: {  	s0 =	stileid.u32;
	[bflag:$0x2] =	sbarrier.arrive $0xFFFF  }
0x243: {  	p0 =	sne.s32 s0, $0x0;
	s0 =	rddreg [dreg:$0x3]  }
0x244: {  	s0 =	sadd.s32 @!p0 $0x100000, s0  }
0x245: {  	[sflag:s0] =	ssyncadd.tile.s32 @!p0 $0x1;
	_ =	shalt  }
.Lfunc_end2:
_tile_overlayer_lowered:
.L_overlay_start_2:
0x246: {  	(tag) =	ssettag $0x2  }
0x247: {  	s0 =	rddreg [dreg:$0x0];
	s2 =	stileid.u32  }
0x248: {  	s1 =	rddreg [dreg:$0x1];
	p0 =	sne.s32 s2, $0x0  }
0x249: {  	s3 =	rddreg [dreg:$0x2];
	[bflag:$0x3] =	sbarrier.arrive $0xFFFF;
	s2 =	simm.s32 @!p0 $0x1C06  }
0x24a: {  	[timem:s3], [sflag:s2] =	dma.local @!p0 [hbm:s0], s1  }
0x24b: {  	s0 =	simm.s32 @!p0 $0x6  }
0x24c: {  	_ =	swait.ge @!p0 [sflag:s0], s1  }
0x24d: {  	s1 =	ssub.s32 @!p0 $0x0, s1;
	[sflag:s0] =	ssyncset.done @!p0 $0x0  }
0x24e: {  	[sflag:s0] =	ssyncadd.s32 @!p0 s1  }
0x24f: {  	[bflag:$0x3] =	sbarrier.arrive $0xFFFF  }
0x250: {  	_ =	shalt  }

</sc_bundles>
